<compile_context>
chip_gen: v7x
topology: tpu7x:2x2x1
jax: 0.10.2.dev20260603
libtpu: 0.0.44.dev20260713+nightly
codegen_flags: <defaults>
</compile_context>

<pallas_src>
import jax
import jax.numpy as jnp
from jax import lax
from jax.experimental import pallas as pl
from jax.experimental.pallas import tpu as pltpu
from jax.experimental.pallas import tpu_sc as plsc

_L1 = 128
_L2 = 64
_L3 = 32
_B = 131072
_BM = 12288
_BSC = 8192
_BTC = _B - _BSC
_NW = 32
_RPW = _BSC // _NW
_CH = 256



def _coo_dense(w, rows, cols, in_dim):
    k = w.shape[0]
    c_iota = lax.broadcasted_iota(jnp.int32, (in_dim, k), 0)
    cw = jnp.where(cols[None, :] == c_iota, w[None, :], 0.0)
    r_iota = lax.broadcasted_iota(jnp.int32, (128, k), 0)
    r1h = jnp.where(rows[None, :] == r_iota, 1.0, 0.0)
    return lax.dot_general(
        cw, r1h, (((1,), (1,)), ((), ())),
        preferred_element_type=jnp.float32,
        precision=lax.Precision.HIGHEST)


def _outer(row_a, row_b):
    return lax.dot_general(
        row_a, row_b, (((0,), (0,)), ((), ())),
        preferred_element_type=jnp.float32,
        precision=lax.Precision.HIGHEST)


def _lane_eq(i):
    return (lax.broadcasted_iota(jnp.int32, (1, 128), 1) == i).astype(
        jnp.float32)


def _cross(c, r):
    ci = lax.broadcasted_iota(jnp.int32, (128, 128), 0)
    ri = lax.broadcasted_iota(jnp.int32, (128, 128), 1)
    return ((ci == c) & (ri == r)).astype(jnp.float32)


def _tc_body(x_ref, sl1w_ref, sl1b_ref, fc1w_ref, fc1b_ref, sl2w_ref,
             sl2b_ref, fc2w_ref, fc2b_ref, fc3w_ref, fc3b_ref, row_ref,
             rob_ref, rows1_ref, cols1_ref, rows2_ref, cols2_ref, o_ref,
             m1_s, m2_s, m3_s, m4_s, b1_s):
    bf = jnp.bfloat16

    @pl.when(pl.program_id(0) == 0)
    def _densify():
        m1 = (_coo_dense(sl1w_ref[:], rows1_ref[:], cols1_ref[:], _L1)
              + _outer(fc1w_ref[...], _lane_eq(_L2)))
        m1_s[...] = m1.astype(bf)
        b1 = jnp.concatenate([sl1b_ref[:], fc1b_ref[:],
                              jnp.ones((1,), jnp.float32),
                              jnp.zeros((62,), jnp.float32)])
        b1_s[...] = b1.reshape(1, 128).astype(bf)
        fc2p = jnp.concatenate([fc2w_ref[...],
                                jnp.zeros((1, 64), jnp.float32)], axis=1)
        b2row = jnp.concatenate(
            [sl2b_ref[:], fc2b_ref[:], jnp.zeros((1,), jnp.float32),
             jnp.ones((1,), jnp.float32), jnp.zeros((93,), jnp.float32)])
        m2 = (_coo_dense(sl2w_ref[:], rows2_ref[:], cols2_ref[:], 128)
              + _outer(fc2p, _lane_eq(_L3))
              + _cross(_L2, _L3 + 1)
              + _outer(_lane_eq(65), b2row.reshape(1, 128)))
        m2_s[...] = m2.astype(bf)
        fc3p = jnp.concatenate([fc3w_ref[...],
                                jnp.zeros((1, 96), jnp.float32)], axis=1)
        b3row = fc3b_ref[0] * _lane_eq(0) + _lane_eq(3)
        m3 = (_outer(fc3p, _lane_eq(0)) + _cross(_L3, 1) + _cross(_L3 + 1, 2)
              + _outer(_lane_eq(_L3 + 2), b3row))
        m3_s[...] = m3.astype(bf)
        rline = (row_ref[0, 2] * _lane_eq(0) + row_ref[0, 1] * _lane_eq(1)
                 + row_ref[0, 0] * _lane_eq(2) + rob_ref[0] * _lane_eq(3))
        m4_s[...] = _outer(rline, _lane_eq(0)).astype(bf)

    dg = lambda a, b: lax.dot_general(
        a, b, (((1,), (0,)), ((), ())), preferred_element_type=jnp.float32)
    xb = x_ref[...].astype(bf)
    t1 = jnp.maximum(dg(xb, m1_s[...]).astype(bf) + b1_s[0, :][None, :], 0)
    t2 = jnp.maximum(dg(t1, m2_s[...]).astype(bf), 0)
    t3 = jnp.maximum(dg(t2, m3_s[...]).astype(bf), 0)
    col = dg(t3, m4_s[...])[:, 0:1]
    o_ref[...] = col.reshape(_BM // 128, 128)


def _tc_part(x, sl1_w, sl1_b, fc1_w, fc1_b, sl2_w, sl2_b, fc2_w, fc2_b,
             fc3_w, fc3_b, ro_w, ro_b, rows1, cols1, rows2, cols2):
    full = lambda shp: pl.BlockSpec(shp, (lambda i: (0,) * len(shp)))
    return pl.pallas_call(
        _tc_body,
        grid=(_BTC // _BM,),
        in_specs=[
            pl.BlockSpec((_BM, _L1), lambda i: (i, 0)),
            full((_L1,)), full((_L2,)), full((1, _L1)), full((1,)),
            full((_L2,)), full((_L3,)), full((1, _L2)), full((1,)),
            full((1, _L3)), full((1,)), full((1, 3)), full((1,)),
            full((_L1,)), full((_L1,)), full((_L2,)), full((_L2,)),
        ],
        out_specs=pl.BlockSpec((_BM // 128, 128), lambda i: (i, 0)),
        out_shape=jax.ShapeDtypeStruct((_BTC // 128, 128), jnp.float32),
        scratch_shapes=[pltpu.VMEM((128, 128), jnp.bfloat16)] * 4
        + [pltpu.VMEM((1, 128), jnp.bfloat16)],
    )(x, sl1_w, sl1_b, fc1_w, fc1_b, sl2_w, sl2_b, fc2_w, fc2_b, fc3_w,
      fc3_b, ro_w, ro_b, rows1, cols1, rows2, cols2)



def _sc_body(xt_hbm, wsp_hbm, o_hbm, xtbuf, wbuf, f1a, f2a, f3a, obuf):
    cid = lax.axis_index("c")
    sid = lax.axis_index("s")
    wid = sid * 2 + cid
    base_col = wid * _RPW

    pltpu.sync_copy(wsp_hbm, wbuf)

    def wsplat(row, idx):
        return wbuf[pl.ds((row * 128 + idx) * 16, 16)]

    fc1b = wsplat(3, 0)
    fc2b = wsplat(3, 1)
    fc3b = wsplat(3, 2)
    ro0 = wsplat(3, 3)
    ro1 = wsplat(3, 4)
    ro2 = wsplat(3, 5)
    rob = wsplat(3, 6)

    for chunk in range(_RPW // _CH):
        pltpu.sync_copy(
            xt_hbm.at[:, pl.ds(base_col + chunk * _CH, _CH)], xtbuf)
        zf = jnp.zeros((16,), jnp.float32)
        for j in range(_CH // 16):
            f1a[pl.ds(j * 16, 16)] = zf
            f2a[pl.ds(j * 16, 16)] = zf
            f3a[pl.ds(j * 16, 16)] = zf

        def r2_body(r2, carry):
            w10 = wsplat(0, 4 * r2)
            w11 = wsplat(0, 4 * r2 + 1)
            w12 = wsplat(0, 4 * r2 + 2)
            w13 = wsplat(0, 4 * r2 + 3)
            b1a = wsplat(1, 2 * r2)
            b1b = wsplat(1, 2 * r2 + 1)
            g10 = wsplat(2, 4 * r2)
            g11 = wsplat(2, 4 * r2 + 1)
            g12 = wsplat(2, 4 * r2 + 2)
            g13 = wsplat(2, 4 * r2 + 3)
            w20 = wsplat(4, 2 * r2)
            w21 = wsplat(4, 2 * r2 + 1)
            b2 = wsplat(5, r2)
            g20 = wsplat(6, 2 * r2)
            g21 = wsplat(6, 2 * r2 + 1)
            g3 = wsplat(7, r2)
            zff = jnp.zeros((16,), jnp.float32)
            for g in range(_CH // 16):
                sl = pl.ds(g * 16, 16)
                x0 = xtbuf[4 * r2, sl]
                x1 = xtbuf[4 * r2 + 1, sl]
                x2 = xtbuf[4 * r2 + 2, sl]
                x3 = xtbuf[4 * r2 + 3, sl]
                s1a = jnp.maximum(w10 * x0 + w11 * x1 + b1a, zff)
                s1b = jnp.maximum(w12 * x2 + w13 * x3 + b1b, zff)
                s2 = jnp.maximum(w20 * s1a + w21 * s1b + b2, zff)
                plsc.addupdate(f1a.at[sl], g10 * x0 + g11 * x1 + g12 * x2
                               + g13 * x3)
                plsc.addupdate(f2a.at[sl], g20 * s1a + g21 * s1b)
                plsc.addupdate(f3a.at[sl], g3 * s2)
            return carry

        lax.fori_loop(0, 32, r2_body, 0)

        zff = jnp.zeros((16,), jnp.float32)
        for g in range(_CH // 16):
            sl = pl.ds(g * 16, 16)
            f1 = jnp.maximum(f1a[sl] + fc1b, zff)
            f2 = jnp.maximum(f2a[sl] + fc2b, zff)
            f3 = jnp.maximum(f3a[sl] + fc3b, zff)
            obuf[pl.ds(chunk * _CH + g * 16, 16)] = (
                ro0 * f1 + ro1 * f2 + ro2 * f3 + rob)
    pltpu.sync_copy(obuf, o_hbm.at[pl.ds(wid * _RPW, _RPW)])


def _sc_part(xt, wsp):
    mesh = plsc.VectorSubcoreMesh(core_axis_name="c", subcore_axis_name="s")
    run = pl.kernel(
        _sc_body,
        out_type=jax.ShapeDtypeStruct((_BSC,), jnp.float32),
        mesh=mesh,
        scratch_types=[
            pltpu.VMEM((_L1, _CH), jnp.float32),
            pltpu.VMEM((16384,), jnp.float32),
            pltpu.VMEM((_CH,), jnp.float32),
            pltpu.VMEM((_CH,), jnp.float32),
            pltpu.VMEM((_CH,), jnp.float32),
            pltpu.VMEM((_RPW,), jnp.float32),
        ],
    )
    return run(xt, wsp)


def kernel(x, sl1_w, sl1_b, fc1_w, fc1_b, sl2_w, sl2_b, fc2_w, fc2_b, fc3_w,
           fc3_b, ro_w, ro_b, rows1, cols1, rows2, cols2):
    b = x.shape[0]
    pad = lambda v: jnp.pad(v, (0, 128 - v.shape[0]))
    scal = pad(jnp.concatenate([fc1_b, fc2_b, fc3_b, ro_w[0], ro_b]))
    wp = jnp.stack([sl1_w, pad(sl1_b), fc1_w[0], scal, pad(sl2_w),
                    pad(sl2_b), pad(fc2_w[0]), pad(fc3_w[0])])

    wsp = jnp.broadcast_to(wp.reshape(1024)[:, None], (1024, 16)).reshape(16384)
    out_tc = _tc_part(x, sl1_w, sl1_b, fc1_w, fc1_b, sl2_w, sl2_b, fc2_w,
                      fc2_b, fc3_w, fc3_b, ro_w, ro_b, rows1, cols1, rows2,
                      cols2)
    out_sc = _sc_part(jnp.transpose(x[_BTC:, :]), wsp)
    return jnp.concatenate([out_tc, out_sc.reshape(_BSC // 128, 128)],
                           axis=0).reshape(b, 1)

# --- scband reference (transcript-rebuilt; emitter-appended) ---
"""Pipeline reference for scband-hnn-68496138437411 (READ-ONLY COPY).

The authoritative reference and input builder live on the scoring server;
editing this copy changes nothing except your own understanding.
"""

import jax, jax.numpy as jnp
import numpy as np

L1 = 128
L2 = 64
L3 = 32
B = 131072
ROWS1 = np.repeat(np.arange(L2), 2)
COLS1 = np.arange(L1)
ROWS2 = np.repeat(np.arange(L3), 2)
COLS2 = np.arange(L2)


def _sparse_linear(x, w, b, rows, cols, out_dim):
    # out[b, r] = sum_{k: rows[k]==r} w[k] * x[b, cols[k]] + b[r]
    contrib = x[:, cols] * w[None, :]
    out = jax.ops.segment_sum(contrib.T, rows, num_segments=out_dim).T
    return out + b[None, :]


def setup_inputs(seed: int = 0) -> dict:
    key = jax.random.key(seed)
    ks = jax.random.split(key, 16)
    s = 0.1
    return {
        "x": jax.random.normal(ks[0], (B, L1), jnp.float32),
        "sl1_w": jax.random.normal(ks[1], (ROWS1.shape[0],), jnp.float32) * s,
        "sl1_b": jax.random.normal(ks[2], (L2,), jnp.float32) * s,
        "fc1_w": jax.random.normal(ks[3], (1, L1), jnp.float32) * s,
        "fc1_b": jax.random.normal(ks[4], (1,), jnp.float32) * s,
        "sl2_w": jax.random.normal(ks[5], (ROWS2.shape[0],), jnp.float32) * s,
        "sl2_b": jax.random.normal(ks[6], (L3,), jnp.float32) * s,
        "fc2_w": jax.random.normal(ks[7], (1, L2), jnp.float32) * s,
        "fc2_b": jax.random.normal(ks[8], (1,), jnp.float32) * s,
        "fc3_w": jax.random.normal(ks[9], (1, L3), jnp.float32) * s,
        "fc3_b": jax.random.normal(ks[10], (1,), jnp.float32) * s,
        "ro_w": jax.random.normal(ks[11], (1, 3), jnp.float32) * s,
        "ro_b": jax.random.normal(ks[12], (1,), jnp.float32) * s,
        "rows1": jnp.asarray(ROWS1, jnp.int32),
        "cols1": jnp.asarray(COLS1, jnp.int32),
        "rows2": jnp.asarray(ROWS2, jnp.int32),
        "cols2": jnp.asarray(COLS2, jnp.int32),
    }


def reference(x, sl1_w, sl1_b, fc1_w, fc1_b, sl2_w, sl2_b, fc2_w, fc2_b, fc3_w, fc3_b, ro_w, ro_b, rows1, cols1, rows2, cols2):
    x_f1 = jax.nn.relu(x @ fc1_w.T + fc1_b[None, :])
    x_s1 = jax.nn.relu(_sparse_linear(x, sl1_w, sl1_b, rows1, cols1, L2))
    x_f2 = jax.nn.relu(x_s1 @ fc2_w.T + fc2_b[None, :])
    x_s2 = jax.nn.relu(_sparse_linear(x_s1, sl2_w, sl2_b, rows2, cols2, L3))
    x_f3 = jax.nn.relu(x_s2 @ fc3_w.T + fc3_b[None, :])
    cat = jnp.concatenate([x_f1, x_f2, x_f3], axis=1)
    return cat @ ro_w.T + ro_b[None, :]

if __name__ == "__main__":
    import jax
    _d = setup_inputs()
    print(jax.jit(kernel)(*tuple(_d.values())))

</pallas_src>

<mosaic_0001>
#map = affine_map<(d0, d1) -> (0, 0)>
#map1 = affine_map<(d0, d1) -> (0)>
module attributes {stable_mosaic.version = 14 : i64} {
  func.func @_sc_body(%arg0: i32, %arg1: i32, %arg2: memref<128x8192xf32, #tpu.memory_space<hbm>>, %arg3: memref<16384xf32, #tpu.memory_space<hbm>>, %arg4: memref<8192xf32, #tpu.memory_space<hbm>>, %arg5: memref<128x256xf32, #tpu.memory_space<vmem>>, %arg6: memref<16384xf32, #tpu.memory_space<vmem>>, %arg7: memref<256xf32, #tpu.memory_space<vmem>>, %arg8: memref<256xf32, #tpu.memory_space<vmem>>, %arg9: memref<256xf32, #tpu.memory_space<vmem>>, %arg10: memref<256xf32, #tpu.memory_space<vmem>>) attributes {dimension_semantics = [#tpu.dimension_semantics<core_parallel>, #tpu.dimension_semantics<subcore_parallel>], iteration_bounds = array<i64: 2, 16>, scalar_prefetch = 0 : i64, scratch_operands = 6 : i64, tpu.core_type = #tpu.core_type<sc_vector_subcore>, window_params = [{transform_indices = #map}, {transform_indices = #map1}, {transform_indices = #map1}]} {
    %mul3A = arith.constant 2 : i32
    %mul3A_0 = arith.muli %arg1, %mul3A : i32
    %add3A = arith.addi %mul3A_0, %arg0 : i32
    %mul3A_1 = arith.constant 256 : i32
    %mul3A_2 = arith.muli %add3A, %mul3A_1 : i32
    "tpu.region"() ({
      %run_scoped3A = tpu.sem_alloc : memref<!tpu.dma_semaphore, #tpu.memory_space<semaphore_mem>>
      tpu.enqueue_dma source(%arg3 : memref<16384xf32, #tpu.memory_space<hbm>>) target(%arg6 : memref<16384xf32, #tpu.memory_space<vmem>>) target_semaphore(%run_scoped3A : memref<!tpu.dma_semaphore, #tpu.memory_space<semaphore_mem>>)
      tpu.wait_dma2 semaphore(%run_scoped3A : memref<!tpu.dma_semaphore, #tpu.memory_space<semaphore_mem>>) src(%arg3 : memref<16384xf32, #tpu.memory_space<hbm>>) dst(%arg6 : memref<16384xf32, #tpu.memory_space<vmem>>)
      tpu.yield
    }) : () -> ()
    %get3A = arith.constant 6144 : index
    %get3A_3 = tpu.vector_load %arg6[%get3A] {strides = array<i32>} : memref<16384xf32, #tpu.memory_space<vmem>>, vector<16xf32>,
    %get3A_4 = vector.shape_cast %get3A_3 : vector<16xf32> to vector<16xf32>
    %get3A_5 = arith.constant 6160 : index
    %get3A_6 = tpu.vector_load %arg6[%get3A_5] {strides = array<i32>} : memref<16384xf32, #tpu.memory_space<vmem>>, vector<16xf32>,
    %get3A_7 = vector.shape_cast %get3A_6 : vector<16xf32> to vector<16xf32>
    %get3A_8 = arith.constant 6176 : index
    %get3A_9 = tpu.vector_load %arg6[%get3A_8] {strides = array<i32>} : memref<16384xf32, #tpu.memory_space<vmem>>, vector<16xf32>,
    %get3A_10 = vector.shape_cast %get3A_9 : vector<16xf32> to vector<16xf32>
    %get3A_11 = arith.constant 6192 : index
    %get3A_12 = tpu.vector_load %arg6[%get3A_11] {strides = array<i32>} : memref<16384xf32, #tpu.memory_space<vmem>>, vector<16xf32>,
    %get3A_13 = vector.shape_cast %get3A_12 : vector<16xf32> to vector<16xf32>
    %get3A_14 = arith.constant 6208 : index
    %get3A_15 = tpu.vector_load %arg6[%get3A_14] {strides = array<i32>} : memref<16384xf32, #tpu.memory_space<vmem>>, vector<16xf32>,
    %get3A_16 = vector.shape_cast %get3A_15 : vector<16xf32> to vector<16xf32>
    %get3A_17 = arith.constant 6224 : index
    %get3A_18 = tpu.vector_load %arg6[%get3A_17] {strides = array<i32>} : memref<16384xf32, #tpu.memory_space<vmem>>, vector<16xf32>,
    %get3A_19 = vector.shape_cast %get3A_18 : vector<16xf32> to vector<16xf32>
    %get3A_20 = arith.constant 6240 : index
    %get3A_21 = tpu.vector_load %arg6[%get3A_20] {strides = array<i32>} : memref<16384xf32, #tpu.memory_space<vmem>>, vector<16xf32>,
    %get3A_22 = vector.shape_cast %get3A_21 : vector<16xf32> to vector<16xf32>
    %add3A_23 = arith.constant 0 : i32
    %add3A_24 = arith.addi %mul3A_2, %add3A_23 : i32
    "tpu.region"() ({
      %run_scoped3A = tpu.sem_alloc : memref<!tpu.dma_semaphore, #tpu.memory_space<semaphore_mem>>
      %dma_start3A = arith.constant 0 : i32
      %dma_start3A_625 = tpu.memref_slice %arg2[%dma_start3A, %add3A_24] : memref<128x8192xf32, #tpu.memory_space<hbm>> -> memref<128x256xf32, #tpu.memory_space<hbm>>
      %dma_start3A_626 = arith.constant 0 : i32
      %dma_start3A_627 = tpu.memref_slice %arg2[%dma_start3A_626, %add3A_24] : memref<128x8192xf32, #tpu.memory_space<hbm>> -> memref<128x256xf32, #tpu.memory_space<hbm>>
      tpu.enqueue_dma source(%dma_start3A_627 : memref<128x256xf32, #tpu.memory_space<hbm>>) target(%arg5 : memref<128x256xf32, #tpu.memory_space<vmem>>) target_semaphore(%run_scoped3A : memref<!tpu.dma_semaphore, #tpu.memory_space<semaphore_mem>>)
      %dma_wait3A = arith.constant 0 : i32
      %dma_wait3A_628 = tpu.memref_slice %arg2[%dma_wait3A, %add3A_24] : memref<128x8192xf32, #tpu.memory_space<hbm>> -> memref<128x256xf32, #tpu.memory_space<hbm>>
      %dma_wait3A_629 = arith.constant 0 : i32
      %dma_wait3A_630 = tpu.memref_slice %arg2[%dma_wait3A_629, %add3A_24] : memref<128x8192xf32, #tpu.memory_space<hbm>> -> memref<128x256xf32, #tpu.memory_space<hbm>>
      tpu.wait_dma2 semaphore(%run_scoped3A : memref<!tpu.dma_semaphore, #tpu.memory_space<semaphore_mem>>) src(%dma_wait3A_630 : memref<128x256xf32, #tpu.memory_space<hbm>>) dst(%arg5 : memref<128x256xf32, #tpu.memory_space<vmem>>)
      tpu.yield
    }) : () -> ()
    %broadcast_in_dim3A = arith.constant 0.000000e+00 : f32
    %broadcast_in_dim3A_25 = vector.broadcast %broadcast_in_dim3A : f32 to vector<16xf32>
    %swap3A = arith.constant 0 : index
    %swap3A_26 = tpu.vector_load %arg7[%swap3A] {strides = array<i32>} : memref<256xf32, #tpu.memory_space<vmem>>, vector<16xf32>,
    %swap3A_27 = vector.shape_cast %swap3A_26 : vector<16xf32> to vector<16xf32>
    %swap3A_28 = vector.shape_cast %broadcast_in_dim3A_25 : vector<16xf32> to vector<16xf32>
    tpu.vector_store %arg7[%swap3A], %swap3A_28 {strides = array<i32>} : memref<256xf32, #tpu.memory_space<vmem>>, vector<16xf32>,
    %swap3A_29 = arith.constant 0 : index
    %swap3A_30 = tpu.vector_load %arg8[%swap3A_29] {strides = array<i32>} : memref<256xf32, #tpu.memory_space<vmem>>, vector<16xf32>,
    %swap3A_31 = vector.shape_cast %swap3A_30 : vector<16xf32> to vector<16xf32>
    %swap3A_32 = vector.shape_cast %broadcast_in_dim3A_25 : vector<16xf32> to vector<16xf32>
    tpu.vector_store %arg8[%swap3A_29], %swap3A_32 {strides = array<i32>} : memref<256xf32, #tpu.memory_space<vmem>>, vector<16xf32>,
    %swap3A_33 = arith.constant 0 : index
    %swap3A_34 = tpu.vector_load %arg9[%swap3A_33] {strides = array<i32>} : memref<256xf32, #tpu.memory_space<vmem>>, vector<16xf32>,
    %swap3A_35 = vector.shape_cast %swap3A_34 : vector<16xf32> to vector<16xf32>
    %swap3A_36 = vector.shape_cast %broadcast_in_dim3A_25 : vector<16xf32> to vector<16xf32>
    tpu.vector_store %arg9[%swap3A_33], %swap3A_36 {strides = array<i32>} : memref<256xf32, #tpu.memory_space<vmem>>, vector<16xf32>,
    %swap3A_37 = arith.constant 16 : index
    %swap3A_38 = tpu.vector_load %arg7[%swap3A_37] {strides = array<i32>} : memref<256xf32, #tpu.memory_space<vmem>>, vector<16xf32>,
    %swap3A_39 = vector.shape_cast %swap3A_38 : vector<16xf32> to vector<16xf32>
    %swap3A_40 = vector.shape_cast %broadcast_in_dim3A_25 : vector<16xf32> to vector<16xf32>
    tpu.vector_store %arg7[%swap3A_37], %swap3A_40 {strides = array<i32>} : memref<256xf32, #tpu.memory_space<vmem>>, vector<16xf32>,
    %swap3A_41 = arith.constant 16 : index
    %swap3A_42 = tpu.vector_load %arg8[%swap3A_41] {strides = array<i32>} : memref<256xf32, #tpu.memory_space<vmem>>, vector<16xf32>,
    %swap3A_43 = vector.shape_cast %swap3A_42 : vector<16xf32> to vector<16xf32>
    %swap3A_44 = vector.shape_cast %broadcast_in_dim3A_25 : vector<16xf32> to vector<16xf32>
    tpu.vector_store %arg8[%swap3A_41], %swap3A_44 {strides = array<i32>} : memref<256xf32, #tpu.memory_space<vmem>>, vector<16xf32>,
    %swap3A_45 = arith.constant 16 : index
    %swap3A_46 = tpu.vector_load %arg9[%swap3A_45] {strides = array<i32>} : memref<256xf32, #tpu.memory_space<vmem>>, vector<16xf32>,
    %swap3A_47 = vector.shape_cast %swap3A_46 : vector<16xf32> to vector<16xf32>
    %swap3A_48 = vector.shape_cast %broadcast_in_dim3A_25 : vector<16xf32> to vector<16xf32>
    tpu.vector_store %arg9[%swap3A_45], %swap3A_48 {strides = array<i32>} : memref<256xf32, #tpu.memory_space<vmem>>, vector<16xf32>,
    %swap3A_49 = arith.constant 32 : index
    %swap3A_50 = tpu.vector_load %arg7[%swap3A_49] {strides = array<i32>} : memref<256xf32, #tpu.memory_space<vmem>>, vector<16xf32>,
    %swap3A_51 = vector.shape_cast %swap3A_50 : vector<16xf32> to vector<16xf32>
    %swap3A_52 = vector.shape_cast %broadcast_in_dim3A_25 : vector<16xf32> to vector<16xf32>
    tpu.vector_store %arg7[%swap3A_49], %swap3A_52 {strides = array<i32>} : memref<256xf32, #tpu.memory_space<vmem>>, vector<16xf32>,
    %swap3A_53 = arith.constant 32 : index
    %swap3A_54 = tpu.vector_load %arg8[%swap3A_53] {strides = array<i32>} : memref<256xf32, #tpu.memory_space<vmem>>, vector<16xf32>,
    %swap3A_55 = vector.shape_cast %swap3A_54 : vector<16xf32> to vector<16xf32>
    %swap3A_56 = vector.shape_cast %broadcast_in_dim3A_25 : vector<16xf32> to vector<16xf32>
    tpu.vector_store %arg8[%swap3A_53], %swap3A_56 {strides = array<i32>} : memref<256xf32, #tpu.memory_space<vmem>>, vector<16xf32>,
    %swap3A_57 = arith.constant 32 : index
    %swap3A_58 = tpu.vector_load %arg9[%swap3A_57] {strides = array<i32>} : memref<256xf32, #tpu.memory_space<vmem>>, vector<16xf32>,
    %swap3A_59 = vector.shape_cast %swap3A_58 : vector<16xf32> to vector<16xf32>
    %swap3A_60 = vector.shape_cast %broadcast_in_dim3A_25 : vector<16xf32> to vector<16xf32>
    tpu.vector_store %arg9[%swap3A_57], %swap3A_60 {strides = array<i32>} : memref<256xf32, #tpu.memory_space<vmem>>, vector<16xf32>,
    %swap3A_61 = arith.constant 48 : index
    %swap3A_62 = tpu.vector_load %arg7[%swap3A_61] {strides = array<i32>} : memref<256xf32, #tpu.memory_space<vmem>>, vector<16xf32>,
    %swap3A_63 = vector.shape_cast %swap3A_62 : vector<16xf32> to vector<16xf32>
    %swap3A_64 = vector.shape_cast %broadcast_in_dim3A_25 : vector<16xf32> to vector<16xf32>
    tpu.vector_store %arg7[%swap3A_61], %swap3A_64 {strides = array<i32>} : memref<256xf32, #tpu.memory_space<vmem>>, vector<16xf32>,
    %swap3A_65 = arith.constant 48 : index
    %swap3A_66 = tpu.vector_load %arg8[%swap3A_65] {strides = array<i32>} : memref<256xf32, #tpu.memory_space<vmem>>, vector<16xf32>,
    %swap3A_67 = vector.shape_cast %swap3A_66 : vector<16xf32> to vector<16xf32>
    %swap3A_68 = vector.shape_cast %broadcast_in_dim3A_25 : vector<16xf32> to vector<16xf32>
    tpu.vector_store %arg8[%swap3A_65], %swap3A_68 {strides = array<i32>} : memref<256xf32, #tpu.memory_space<vmem>>, vector<16xf32>,
    %swap3A_69 = arith.constant 48 : index
    %swap3A_70 = tpu.vector_load %arg9[%swap3A_69] {strides = array<i32>} : memref<256xf32, #tpu.memory_space<vmem>>, vector<16xf32>,
    %swap3A_71 = vector.shape_cast %swap3A_70 : vector<16xf32> to vector<16xf32>
    %swap3A_72 = vector.shape_cast %broadcast_in_dim3A_25 : vector<16xf32> to vector<16xf32>
    tpu.vector_store %arg9[%swap3A_69], %swap3A_72 {strides = array<i32>} : memref<256xf32, #tpu.memory_space<vmem>>, vector<16xf32>,
    %swap3A_73 = arith.constant 64 : index
    %swap3A_74 = tpu.vector_load %arg7[%swap3A_73] {strides = array<i32>} : memref<256xf32, #tpu.memory_space<vmem>>, vector<16xf32>,
    %swap3A_75 = vector.shape_cast %swap3A_74 : vector<16xf32> to vector<16xf32>
    %swap3A_76 = vector.shape_cast %broadcast_in_dim3A_25 : vector<16xf32> to vector<16xf32>
    tpu.vector_store %arg7[%swap3A_73], %swap3A_76 {strides = array<i32>} : memref<256xf32, #tpu.memory_space<vmem>>, vector<16xf32>,
    %swap3A_77 = arith.constant 64 : index
    %swap3A_78 = tpu.vector_load %arg8[%swap3A_77] {strides = array<i32>} : memref<256xf32, #tpu.memory_space<vmem>>, vector<16xf32>,
    %swap3A_79 = vector.shape_cast %swap3A_78 : vector<16xf32> to vector<16xf32>
    %swap3A_80 = vector.shape_cast %broadcast_in_dim3A_25 : vector<16xf32> to vector<16xf32>
    tpu.vector_store %arg8[%swap3A_77], %swap3A_80 {strides = array<i32>} : memref<256xf32, #tpu.memory_space<vmem>>, vector<16xf32>,
    %swap3A_81 = arith.constant 64 : index
    %swap3A_82 = tpu.vector_load %arg9[%swap3A_81] {strides = array<i32>} : memref<256xf32, #tpu.memory_space<vmem>>, vector<16xf32>,
    %swap3A_83 = vector.shape_cast %swap3A_82 : vector<16xf32> to vector<16xf32>
    %swap3A_84 = vector.shape_cast %broadcast_in_dim3A_25 : vector<16xf32> to vector<16xf32>
    tpu.vector_store %arg9[%swap3A_81], %swap3A_84 {strides = array<i32>} : memref<256xf32, #tpu.memory_space<vmem>>, vector<16xf32>,
    %swap3A_85 = arith.constant 80 : index
    %swap3A_86 = tpu.vector_load %arg7[%swap3A_85] {strides = array<i32>} : memref<256xf32, #tpu.memory_space<vmem>>, vector<16xf32>,
    %swap3A_87 = vector.shape_cast %swap3A_86 : vector<16xf32> to vector<16xf32>
    %swap3A_88 = vector.shape_cast %broadcast_in_dim3A_25 : vector<16xf32> to vector<16xf32>
    tpu.vector_store %arg7[%swap3A_85], %swap3A_88 {strides = array<i32>} : memref<256xf32, #tpu.memory_space<vmem>>, vector<16xf32>,
    %swap3A_89 = arith.constant 80 : index
    %swap3A_90 = tpu.vector_load %arg8[%swap3A_89] {strides = array<i32>} : memref<256xf32, #tpu.memory_space<vmem>>, vector<16xf32>,
    %swap3A_91 = vector.shape_cast %swap3A_90 : vector<16xf32> to vector<16xf32>
    %swap3A_92 = vector.shape_cast %broadcast_in_dim3A_25 : vector<16xf32> to vector<16xf32>
    tpu.vector_store %arg8[%swap3A_89], %swap3A_92 {strides = array<i32>} : memref<256xf32, #tpu.memory_space<vmem>>, vector<16xf32>,
    %swap3A_93 = arith.constant 80 : index
    %swap3A_94 = tpu.vector_load %arg9[%swap3A_93] {strides = array<i32>} : memref<256xf32, #tpu.memory_space<vmem>>, vector<16xf32>,
    %swap3A_95 = vector.shape_cast %swap3A_94 : vector<16xf32> to vector<16xf32>
    %swap3A_96 = vector.shape_cast %broadcast_in_dim3A_25 : vector<16xf32> to vector<16xf32>
    tpu.vector_store %arg9[%swap3A_93], %swap3A_96 {strides = array<i32>} : memref<256xf32, #tpu.memory_space<vmem>>, vector<16xf32>,
    %swap3A_97 = arith.constant 96 : index
    %swap3A_98 = tpu.vector_load %arg7[%swap3A_97] {strides = array<i32>} : memref<256xf32, #tpu.memory_space<vmem>>, vector<16xf32>,
    %swap3A_99 = vector.shape_cast %swap3A_98 : vector<16xf32> to vector<16xf32>
    %swap3A_100 = vector.shape_cast %broadcast_in_dim3A_25 : vector<16xf32> to vector<16xf32>
    tpu.vector_store %arg7[%swap3A_97], %swap3A_100 {strides = array<i32>} : memref<256xf32, #tpu.memory_space<vmem>>, vector<16xf32>,
    %swap3A_101 = arith.constant 96 : index
    %swap3A_102 = tpu.vector_load %arg8[%swap3A_101] {strides = array<i32>} : memref<256xf32, #tpu.memory_space<vmem>>, vector<16xf32>,
    %swap3A_103 = vector.shape_cast %swap3A_102 : vector<16xf32> to vector<16xf32>
    %swap3A_104 = vector.shape_cast %broadcast_in_dim3A_25 : vector<16xf32> to vector<16xf32>
    tpu.vector_store %arg8[%swap3A_101], %swap3A_104 {strides = array<i32>} : memref<256xf32, #tpu.memory_space<vmem>>, vector<16xf32>,
    %swap3A_105 = arith.constant 96 : index
    %swap3A_106 = tpu.vector_load %arg9[%swap3A_105] {strides = array<i32>} : memref<256xf32, #tpu.memory_space<vmem>>, vector<16xf32>,
    %swap3A_107 = vector.shape_cast %swap3A_106 : vector<16xf32> to vector<16xf32>
    %swap3A_108 = vector.shape_cast %broadcast_in_dim3A_25 : vector<16xf32> to vector<16xf32>
    tpu.vector_store %arg9[%swap3A_105], %swap3A_108 {strides = array<i32>} : memref<256xf32, #tpu.memory_space<vmem>>, vector<16xf32>,
    %swap3A_109 = arith.constant 112 : index
    %swap3A_110 = tpu.vector_load %arg7[%swap3A_109] {strides = array<i32>} : memref<256xf32, #tpu.memory_space<vmem>>, vector<16xf32>,
    %swap3A_111 = vector.shape_cast %swap3A_110 : vector<16xf32> to vector<16xf32>
    %swap3A_112 = vector.shape_cast %broadcast_in_dim3A_25 : vector<16xf32> to vector<16xf32>
    tpu.vector_store %arg7[%swap3A_109], %swap3A_112 {strides = array<i32>} : memref<256xf32, #tpu.memory_space<vmem>>, vector<16xf32>,
    %swap3A_113 = arith.constant 112 : index
    %swap3A_114 = tpu.vector_load %arg8[%swap3A_113] {strides = array<i32>} : memref<256xf32, #tpu.memory_space<vmem>>, vector<16xf32>,
    %swap3A_115 = vector.shape_cast %swap3A_114 : vector<16xf32> to vector<16xf32>
    %swap3A_116 = vector.shape_cast %broadcast_in_dim3A_25 : vector<16xf32> to vector<16xf32>
    tpu.vector_store %arg8[%swap3A_113], %swap3A_116 {strides = array<i32>} : memref<256xf32, #tpu.memory_space<vmem>>, vector<16xf32>,
    %swap3A_117 = arith.constant 112 : index
    %swap3A_118 = tpu.vector_load %arg9[%swap3A_117] {strides = array<i32>} : memref<256xf32, #tpu.memory_space<vmem>>, vector<16xf32>,
    %swap3A_119 = vector.shape_cast %swap3A_118 : vector<16xf32> to vector<16xf32>
    %swap3A_120 = vector.shape_cast %broadcast_in_dim3A_25 : vector<16xf32> to vector<16xf32>
    tpu.vector_store %arg9[%swap3A_117], %swap3A_120 {strides = array<i32>} : memref<256xf32, #tpu.memory_space<vmem>>, vector<16xf32>,
    %swap3A_121 = arith.constant 128 : index
    %swap3A_122 = tpu.vector_load %arg7[%swap3A_121] {strides = array<i32>} : memref<256xf32, #tpu.memory_space<vmem>>, vector<16xf32>,
    %swap3A_123 = vector.shape_cast %swap3A_122 : vector<16xf32> to vector<16xf32>
    %swap3A_124 = vector.shape_cast %broadcast_in_dim3A_25 : vector<16xf32> to vector<16xf32>
    tpu.vector_store %arg7[%swap3A_121], %swap3A_124 {strides = array<i32>} : memref<256xf32, #tpu.memory_space<vmem>>, vector<16xf32>,
    %swap3A_125 = arith.constant 128 : index
    %swap3A_126 = tpu.vector_load %arg8[%swap3A_125] {strides = array<i32>} : memref<256xf32, #tpu.memory_space<vmem>>, vector<16xf32>,
    %swap3A_127 = vector.shape_cast %swap3A_126 : vector<16xf32> to vector<16xf32>
    %swap3A_128 = vector.shape_cast %broadcast_in_dim3A_25 : vector<16xf32> to vector<16xf32>
    tpu.vector_store %arg8[%swap3A_125], %swap3A_128 {strides = array<i32>} : memref<256xf32, #tpu.memory_space<vmem>>, vector<16xf32>,
    %swap3A_129 = arith.constant 128 : index
    %swap3A_130 = tpu.vector_load %arg9[%swap3A_129] {strides = array<i32>} : memref<256xf32, #tpu.memory_space<vmem>>, vector<16xf32>,
    %swap3A_131 = vector.shape_cast %swap3A_130 : vector<16xf32> to vector<16xf32>
    %swap3A_132 = vector.shape_cast %broadcast_in_dim3A_25 : vector<16xf32> to vector<16xf32>
    tpu.vector_store %arg9[%swap3A_129], %swap3A_132 {strides = array<i32>} : memref<256xf32, #tpu.memory_space<vmem>>, vector<16xf32>,
    %swap3A_133 = arith.constant 144 : index
    %swap3A_134 = tpu.vector_load %arg7[%swap3A_133] {strides = array<i32>} : memref<256xf32, #tpu.memory_space<vmem>>, vector<16xf32>,
    %swap3A_135 = vector.shape_cast %swap3A_134 : vector<16xf32> to vector<16xf32>
    %swap3A_136 = vector.shape_cast %broadcast_in_dim3A_25 : vector<16xf32> to vector<16xf32>
    tpu.vector_store %arg7[%swap3A_133], %swap3A_136 {strides = array<i32>} : memref<256xf32, #tpu.memory_space<vmem>>, vector<16xf32>,
    %swap3A_137 = arith.constant 144 : index
    %swap3A_138 = tpu.vector_load %arg8[%swap3A_137] {strides = array<i32>} : memref<256xf32, #tpu.memory_space<vmem>>, vector<16xf32>,
    %swap3A_139 = vector.shape_cast %swap3A_138 : vector<16xf32> to vector<16xf32>
    %swap3A_140 = vector.shape_cast %broadcast_in_dim3A_25 : vector<16xf32> to vector<16xf32>
    tpu.vector_store %arg8[%swap3A_137], %swap3A_140 {strides = array<i32>} : memref<256xf32, #tpu.memory_space<vmem>>, vector<16xf32>,
    %swap3A_141 = arith.constant 144 : index
    %swap3A_142 = tpu.vector_load %arg9[%swap3A_141] {strides = array<i32>} : memref<256xf32, #tpu.memory_space<vmem>>, vector<16xf32>,
    %swap3A_143 = vector.shape_cast %swap3A_142 : vector<16xf32> to vector<16xf32>
    %swap3A_144 = vector.shape_cast %broadcast_in_dim3A_25 : vector<16xf32> to vector<16xf32>
    tpu.vector_store %arg9[%swap3A_141], %swap3A_144 {strides = array<i32>} : memref<256xf32, #tpu.memory_space<vmem>>, vector<16xf32>,
    %swap3A_145 = arith.constant 160 : index
    %swap3A_146 = tpu.vector_load %arg7[%swap3A_145] {strides = array<i32>} : memref<256xf32, #tpu.memory_space<vmem>>, vector<16xf32>,
    %swap3A_147 = vector.shape_cast %swap3A_146 : vector<16xf32> to vector<16xf32>
    %swap3A_148 = vector.shape_cast %broadcast_in_dim3A_25 : vector<16xf32> to vector<16xf32>
    tpu.vector_store %arg7[%swap3A_145], %swap3A_148 {strides = array<i32>} : memref<256xf32, #tpu.memory_space<vmem>>, vector<16xf32>,
    %swap3A_149 = arith.constant 160 : index
    %swap3A_150 = tpu.vector_load %arg8[%swap3A_149] {strides = array<i32>} : memref<256xf32, #tpu.memory_space<vmem>>, vector<16xf32>,
    %swap3A_151 = vector.shape_cast %swap3A_150 : vector<16xf32> to vector<16xf32>
    %swap3A_152 = vector.shape_cast %broadcast_in_dim3A_25 : vector<16xf32> to vector<16xf32>
    tpu.vector_store %arg8[%swap3A_149], %swap3A_152 {strides = array<i32>} : memref<256xf32, #tpu.memory_space<vmem>>, vector<16xf32>,
    %swap3A_153 = arith.constant 160 : index
    %swap3A_154 = tpu.vector_load %arg9[%swap3A_153] {strides = array<i32>} : memref<256xf32, #tpu.memory_space<vmem>>, vector<16xf32>,
    %swap3A_155 = vector.shape_cast %swap3A_154 : vector<16xf32> to vector<16xf32>
    %swap3A_156 = vector.shape_cast %broadcast_in_dim3A_25 : vector<16xf32> to vector<16xf32>
    tpu.vector_store %arg9[%swap3A_153], %swap3A_156 {strides = array<i32>} : memref<256xf32, #tpu.memory_space<vmem>>, vector<16xf32>,
    %swap3A_157 = arith.constant 176 : index
    %swap3A_158 = tpu.vector_load %arg7[%swap3A_157] {strides = array<i32>} : memref<256xf32, #tpu.memory_space<vmem>>, vector<16xf32>,
    %swap3A_159 = vector.shape_cast %swap3A_158 : vector<16xf32> to vector<16xf32>
    %swap3A_160 = vector.shape_cast %broadcast_in_dim3A_25 : vector<16xf32> to vector<16xf32>
    tpu.vector_store %arg7[%swap3A_157], %swap3A_160 {strides = array<i32>} : memref<256xf32, #tpu.memory_space<vmem>>, vector<16xf32>,
    %swap3A_161 = arith.constant 176 : index
    %swap3A_162 = tpu.vector_load %arg8[%swap3A_161] {strides = array<i32>} : memref<256xf32, #tpu.memory_space<vmem>>, vector<16xf32>,
    %swap3A_163 = vector.shape_cast %swap3A_162 : vector<16xf32> to vector<16xf32>
    %swap3A_164 = vector.shape_cast %broadcast_in_dim3A_25 : vector<16xf32> to vector<16xf32>
    tpu.vector_store %arg8[%swap3A_161], %swap3A_164 {strides = array<i32>} : memref<256xf32, #tpu.memory_space<vmem>>, vector<16xf32>,
    %swap3A_165 = arith.constant 176 : index
    %swap3A_166 = tpu.vector_load %arg9[%swap3A_165] {strides = array<i32>} : memref<256xf32, #tpu.memory_space<vmem>>, vector<16xf32>,
    %swap3A_167 = vector.shape_cast %swap3A_166 : vector<16xf32> to vector<16xf32>
    %swap3A_168 = vector.shape_cast %broadcast_in_dim3A_25 : vector<16xf32> to vector<16xf32>
    tpu.vector_store %arg9[%swap3A_165], %swap3A_168 {strides = array<i32>} : memref<256xf32, #tpu.memory_space<vmem>>, vector<16xf32>,
    %swap3A_169 = arith.constant 192 : index
    %swap3A_170 = tpu.vector_load %arg7[%swap3A_169] {strides = array<i32>} : memref<256xf32, #tpu.memory_space<vmem>>, vector<16xf32>,
    %swap3A_171 = vector.shape_cast %swap3A_170 : vector<16xf32> to vector<16xf32>
    %swap3A_172 = vector.shape_cast %broadcast_in_dim3A_25 : vector<16xf32> to vector<16xf32>
    tpu.vector_store %arg7[%swap3A_169], %swap3A_172 {strides = array<i32>} : memref<256xf32, #tpu.memory_space<vmem>>, vector<16xf32>,
    %swap3A_173 = arith.constant 192 : index
    %swap3A_174 = tpu.vector_load %arg8[%swap3A_173] {strides = array<i32>} : memref<256xf32, #tpu.memory_space<vmem>>, vector<16xf32>,
    %swap3A_175 = vector.shape_cast %swap3A_174 : vector<16xf32> to vector<16xf32>
    %swap3A_176 = vector.shape_cast %broadcast_in_dim3A_25 : vector<16xf32> to vector<16xf32>
    tpu.vector_store %arg8[%swap3A_173], %swap3A_176 {strides = array<i32>} : memref<256xf32, #tpu.memory_space<vmem>>, vector<16xf32>,
    %swap3A_177 = arith.constant 192 : index
    %swap3A_178 = tpu.vector_load %arg9[%swap3A_177] {strides = array<i32>} : memref<256xf32, #tpu.memory_space<vmem>>, vector<16xf32>,
    %swap3A_179 = vector.shape_cast %swap3A_178 : vector<16xf32> to vector<16xf32>
    %swap3A_180 = vector.shape_cast %broadcast_in_dim3A_25 : vector<16xf32> to vector<16xf32>
    tpu.vector_store %arg9[%swap3A_177], %swap3A_180 {strides = array<i32>} : memref<256xf32, #tpu.memory_space<vmem>>, vector<16xf32>,
    %swap3A_181 = arith.constant 208 : index
    %swap3A_182 = tpu.vector_load %arg7[%swap3A_181] {strides = array<i32>} : memref<256xf32, #tpu.memory_space<vmem>>, vector<16xf32>,
    %swap3A_183 = vector.shape_cast %swap3A_182 : vector<16xf32> to vector<16xf32>
    %swap3A_184 = vector.shape_cast %broadcast_in_dim3A_25 : vector<16xf32> to vector<16xf32>
    tpu.vector_store %arg7[%swap3A_181], %swap3A_184 {strides = array<i32>} : memref<256xf32, #tpu.memory_space<vmem>>, vector<16xf32>,
    %swap3A_185 = arith.constant 208 : index
    %swap3A_186 = tpu.vector_load %arg8[%swap3A_185] {strides = array<i32>} : memref<256xf32, #tpu.memory_space<vmem>>, vector<16xf32>,
    %swap3A_187 = vector.shape_cast %swap3A_186 : vector<16xf32> to vector<16xf32>
    %swap3A_188 = vector.shape_cast %broadcast_in_dim3A_25 : vector<16xf32> to vector<16xf32>
    tpu.vector_store %arg8[%swap3A_185], %swap3A_188 {strides = array<i32>} : memref<256xf32, #tpu.memory_space<vmem>>, vector<16xf32>,
    %swap3A_189 = arith.constant 208 : index
    %swap3A_190 = tpu.vector_load %arg9[%swap3A_189] {strides = array<i32>} : memref<256xf32, #tpu.memory_space<vmem>>, vector<16xf32>,
    %swap3A_191 = vector.shape_cast %swap3A_190 : vector<16xf32> to vector<16xf32>
    %swap3A_192 = vector.shape_cast %broadcast_in_dim3A_25 : vector<16xf32> to vector<16xf32>
    tpu.vector_store %arg9[%swap3A_189], %swap3A_192 {strides = array<i32>} : memref<256xf32, #tpu.memory_space<vmem>>, vector<16xf32>,
    %swap3A_193 = arith.constant 224 : index
    %swap3A_194 = tpu.vector_load %arg7[%swap3A_193] {strides = array<i32>} : memref<256xf32, #tpu.memory_space<vmem>>, vector<16xf32>,
    %swap3A_195 = vector.shape_cast %swap3A_194 : vector<16xf32> to vector<16xf32>
    %swap3A_196 = vector.shape_cast %broadcast_in_dim3A_25 : vector<16xf32> to vector<16xf32>
    tpu.vector_store %arg7[%swap3A_193], %swap3A_196 {strides = array<i32>} : memref<256xf32, #tpu.memory_space<vmem>>, vector<16xf32>,
    %swap3A_197 = arith.constant 224 : index
    %swap3A_198 = tpu.vector_load %arg8[%swap3A_197] {strides = array<i32>} : memref<256xf32, #tpu.memory_space<vmem>>, vector<16xf32>,
    %swap3A_199 = vector.shape_cast %swap3A_198 : vector<16xf32> to vector<16xf32>
    %swap3A_200 = vector.shape_cast %broadcast_in_dim3A_25 : vector<16xf32> to vector<16xf32>
    tpu.vector_store %arg8[%swap3A_197], %swap3A_200 {strides = array<i32>} : memref<256xf32, #tpu.memory_space<vmem>>, vector<16xf32>,
    %swap3A_201 = arith.constant 224 : index
    %swap3A_202 = tpu.vector_load %arg9[%swap3A_201] {strides = array<i32>} : memref<256xf32, #tpu.memory_space<vmem>>, vector<16xf32>,
    %swap3A_203 = vector.shape_cast %swap3A_202 : vector<16xf32> to vector<16xf32>
    %swap3A_204 = vector.shape_cast %broadcast_in_dim3A_25 : vector<16xf32> to vector<16xf32>
    tpu.vector_store %arg9[%swap3A_201], %swap3A_204 {strides = array<i32>} : memref<256xf32, #tpu.memory_space<vmem>>, vector<16xf32>,
    %swap3A_205 = arith.constant 240 : index
    %swap3A_206 = tpu.vector_load %arg7[%swap3A_205] {strides = array<i32>} : memref<256xf32, #tpu.memory_space<vmem>>, vector<16xf32>,
    %swap3A_207 = vector.shape_cast %swap3A_206 : vector<16xf32> to vector<16xf32>
    %swap3A_208 = vector.shape_cast %broadcast_in_dim3A_25 : vector<16xf32> to vector<16xf32>
    tpu.vector_store %arg7[%swap3A_205], %swap3A_208 {strides = array<i32>} : memref<256xf32, #tpu.memory_space<vmem>>, vector<16xf32>,
    %swap3A_209 = arith.constant 240 : index
    %swap3A_210 = tpu.vector_load %arg8[%swap3A_209] {strides = array<i32>} : memref<256xf32, #tpu.memory_space<vmem>>, vector<16xf32>,
    %swap3A_211 = vector.shape_cast %swap3A_210 : vector<16xf32> to vector<16xf32>
    %swap3A_212 = vector.shape_cast %broadcast_in_dim3A_25 : vector<16xf32> to vector<16xf32>
    tpu.vector_store %arg8[%swap3A_209], %swap3A_212 {strides = array<i32>} : memref<256xf32, #tpu.memory_space<vmem>>, vector<16xf32>,
    %swap3A_213 = arith.constant 240 : index
    %swap3A_214 = tpu.vector_load %arg9[%swap3A_213] {strides = array<i32>} : memref<256xf32, #tpu.memory_space<vmem>>, vector<16xf32>,
    %swap3A_215 = vector.shape_cast %swap3A_214 : vector<16xf32> to vector<16xf32>
    %swap3A_216 = vector.shape_cast %broadcast_in_dim3A_25 : vector<16xf32> to vector<16xf32>
    tpu.vector_store %arg9[%swap3A_213], %swap3A_216 {strides = array<i32>} : memref<256xf32, #tpu.memory_space<vmem>>, vector<16xf32>,
    %scan3A = arith.constant 0 : i32
    %scan3A_217 = arith.constant 0 : i32
    %scan3A_218 = arith.constant 32 : i32
    %scan3A_219 = arith.addi %scan3A_217, %scan3A_218 : i32
    %scan3A_220 = arith.constant 1 : i32
    scf.for %scan3A_625 = %scan3A_217 to %scan3A_219 step %scan3A_220  : i32 {
      %mul3A_626 = arith.constant 4 : i32
      %mul3A_627 = arith.muli %mul3A_626, %scan3A_625 : i32
      %add3A_628 = arith.constant 0 : i32
      %add3A_629 = arith.addi %add3A_628, %mul3A_627 : i32
      %mul3A_630 = arith.constant 16 : i32
      %mul3A_631 = arith.muli %add3A_629, %mul3A_630 : i32
      %get3A_632 = arith.index_cast %mul3A_631 : i32 to index
      %get3A_633 = tpu.vector_load %arg6[%get3A_632] {strides = array<i32>} : memref<16384xf32, #tpu.memory_space<vmem>>, vector<16xf32>,
      %get3A_634 = vector.shape_cast %get3A_633 : vector<16xf32> to vector<16xf32>
      %mul3A_635 = arith.constant 4 : i32
      %mul3A_636 = arith.muli %mul3A_635, %scan3A_625 : i32
      %add3A_637 = arith.constant 1 : i32
      %add3A_638 = arith.addi %mul3A_636, %add3A_637 : i32
      %add3A_639 = arith.constant 0 : i32
      %add3A_640 = arith.addi %add3A_639, %add3A_638 : i32
      %mul3A_641 = arith.constant 16 : i32
      %mul3A_642 = arith.muli %add3A_640, %mul3A_641 : i32
      %get3A_643 = arith.index_cast %mul3A_642 : i32 to index
      %get3A_644 = tpu.vector_load %arg6[%get3A_643] {strides = array<i32>} : memref<16384xf32, #tpu.memory_space<vmem>>, vector<16xf32>,
      %get3A_645 = vector.shape_cast %get3A_644 : vector<16xf32> to vector<16xf32>
      %mul3A_646 = arith.constant 4 : i32
      %mul3A_647 = arith.muli %mul3A_646, %scan3A_625 : i32
      %add3A_648 = arith.constant 2 : i32
      %add3A_649 = arith.addi %mul3A_647, %add3A_648 : i32
      %add3A_650 = arith.constant 0 : i32
      %add3A_651 = arith.addi %add3A_650, %add3A_649 : i32
      %mul3A_652 = arith.constant 16 : i32
      %mul3A_653 = arith.muli %add3A_651, %mul3A_652 : i32
      %get3A_654 = arith.index_cast %mul3A_653 : i32 to index
      %get3A_655 = tpu.vector_load %arg6[%get3A_654] {strides = array<i32>} : memref<16384xf32, #tpu.memory_space<vmem>>, vector<16xf32>,
      %get3A_656 = vector.shape_cast %get3A_655 : vector<16xf32> to vector<16xf32>
      %mul3A_657 = arith.constant 4 : i32
      %mul3A_658 = arith.muli %mul3A_657, %scan3A_625 : i32
      %add3A_659 = arith.constant 3 : i32
      %add3A_660 = arith.addi %mul3A_658, %add3A_659 : i32
      %add3A_661 = arith.constant 0 : i32
      %add3A_662 = arith.addi %add3A_661, %add3A_660 : i32
      %mul3A_663 = arith.constant 16 : i32
      %mul3A_664 = arith.muli %add3A_662, %mul3A_663 : i32
      %get3A_665 = arith.index_cast %mul3A_664 : i32 to index
      %get3A_666 = tpu.vector_load %arg6[%get3A_665] {strides = array<i32>} : memref<16384xf32, #tpu.memory_space<vmem>>, vector<16xf32>,
      %get3A_667 = vector.shape_cast %get3A_666 : vector<16xf32> to vector<16xf32>
      %mul3A_668 = arith.constant 2 : i32
      %mul3A_669 = arith.muli %mul3A_668, %scan3A_625 : i32
      %add3A_670 = arith.constant 128 : i32
      %add3A_671 = arith.addi %add3A_670, %mul3A_669 : i32
      %mul3A_672 = arith.constant 16 : i32
      %mul3A_673 = arith.muli %add3A_671, %mul3A_672 : i32
      %get3A_674 = arith.index_cast %mul3A_673 : i32 to index
      %get3A_675 = tpu.vector_load %arg6[%get3A_674] {strides = array<i32>} : memref<16384xf32, #tpu.memory_space<vmem>>, vector<16xf32>,
      %get3A_676 = vector.shape_cast %get3A_675 : vector<16xf32> to vector<16xf32>
      %mul3A_677 = arith.constant 2 : i32
      %mul3A_678 = arith.muli %mul3A_677, %scan3A_625 : i32
      %add3A_679 = arith.constant 1 : i32
      %add3A_680 = arith.addi %mul3A_678, %add3A_679 : i32
      %add3A_681 = arith.constant 128 : i32
      %add3A_682 = arith.addi %add3A_681, %add3A_680 : i32
      %mul3A_683 = arith.constant 16 : i32
      %mul3A_684 = arith.muli %add3A_682, %mul3A_683 : i32
      %get3A_685 = arith.index_cast %mul3A_684 : i32 to index
      %get3A_686 = tpu.vector_load %arg6[%get3A_685] {strides = array<i32>} : memref<16384xf32, #tpu.memory_space<vmem>>, vector<16xf32>,
      %get3A_687 = vector.shape_cast %get3A_686 : vector<16xf32> to vector<16xf32>
      %mul3A_688 = arith.constant 4 : i32
      %mul3A_689 = arith.muli %mul3A_688, %scan3A_625 : i32
      %add3A_690 = arith.constant 256 : i32
      %add3A_691 = arith.addi %add3A_690, %mul3A_689 : i32
      %mul3A_692 = arith.constant 16 : i32
      %mul3A_693 = arith.muli %add3A_691, %mul3A_692 : i32
      %get3A_694 = arith.index_cast %mul3A_693 : i32 to index
      %get3A_695 = tpu.vector_load %arg6[%get3A_694] {strides = array<i32>} : memref<16384xf32, #tpu.memory_space<vmem>>, vector<16xf32>,
      %get3A_696 = vector.shape_cast %get3A_695 : vector<16xf32> to vector<16xf32>
      %mul3A_697 = arith.constant 4 : i32
      %mul3A_698 = arith.muli %mul3A_697, %scan3A_625 : i32
      %add3A_699 = arith.constant 1 : i32
      %add3A_700 = arith.addi %mul3A_698, %add3A_699 : i32
      %add3A_701 = arith.constant 256 : i32
      %add3A_702 = arith.addi %add3A_701, %add3A_700 : i32
      %mul3A_703 = arith.constant 16 : i32
      %mul3A_704 = arith.muli %add3A_702, %mul3A_703 : i32
      %get3A_705 = arith.index_cast %mul3A_704 : i32 to index
      %get3A_706 = tpu.vector_load %arg6[%get3A_705] {strides = array<i32>} : memref<16384xf32, #tpu.memory_space<vmem>>, vector<16xf32>,
      %get3A_707 = vector.shape_cast %get3A_706 : vector<16xf32> to vector<16xf32>
      %mul3A_708 = arith.constant 4 : i32
      %mul3A_709 = arith.muli %mul3A_708, %scan3A_625 : i32
      %add3A_710 = arith.constant 2 : i32
      %add3A_711 = arith.addi %mul3A_709, %add3A_710 : i32
      %add3A_712 = arith.constant 256 : i32
      %add3A_713 = arith.addi %add3A_712, %add3A_711 : i32
      %mul3A_714 = arith.constant 16 : i32
      %mul3A_715 = arith.muli %add3A_713, %mul3A_714 : i32
      %get3A_716 = arith.index_cast %mul3A_715 : i32 to index
      %get3A_717 = tpu.vector_load %arg6[%get3A_716] {strides = array<i32>} : memref<16384xf32, #tpu.memory_space<vmem>>, vector<16xf32>,
      %get3A_718 = vector.shape_cast %get3A_717 : vector<16xf32> to vector<16xf32>
      %mul3A_719 = arith.constant 4 : i32
      %mul3A_720 = arith.muli %mul3A_719, %scan3A_625 : i32
      %add3A_721 = arith.constant 3 : i32
      %add3A_722 = arith.addi %mul3A_720, %add3A_721 : i32
      %add3A_723 = arith.constant 256 : i32
      %add3A_724 = arith.addi %add3A_723, %add3A_722 : i32
      %mul3A_725 = arith.constant 16 : i32
      %mul3A_726 = arith.muli %add3A_724, %mul3A_725 : i32
      %get3A_727 = arith.index_cast %mul3A_726 : i32 to index
      %get3A_728 = tpu.vector_load %arg6[%get3A_727] {strides = array<i32>} : memref<16384xf32, #tpu.memory_space<vmem>>, vector<16xf32>,
      %get3A_729 = vector.shape_cast %get3A_728 : vector<16xf32> to vector<16xf32>
      %mul3A_730 = arith.constant 2 : i32
      %mul3A_731 = arith.muli %mul3A_730, %scan3A_625 : i32
      %add3A_732 = arith.constant 512 : i32
      %add3A_733 = arith.addi %add3A_732, %mul3A_731 : i32
      %mul3A_734 = arith.constant 16 : i32
      %mul3A_735 = arith.muli %add3A_733, %mul3A_734 : i32
      %get3A_736 = arith.index_cast %mul3A_735 : i32 to index
      %get3A_737 = tpu.vector_load %arg6[%get3A_736] {strides = array<i32>} : memref<16384xf32, #tpu.memory_space<vmem>>, vector<16xf32>,
      %get3A_738 = vector.shape_cast %get3A_737 : vector<16xf32> to vector<16xf32>
      %mul3A_739 = arith.constant 2 : i32
      %mul3A_740 = arith.muli %mul3A_739, %scan3A_625 : i32
      %add3A_741 = arith.constant 1 : i32
      %add3A_742 = arith.addi %mul3A_740, %add3A_741 : i32
      %add3A_743 = arith.constant 512 : i32
      %add3A_744 = arith.addi %add3A_743, %add3A_742 : i32
      %mul3A_745 = arith.constant 16 : i32
      %mul3A_746 = arith.muli %add3A_744, %mul3A_745 : i32
      %get3A_747 = arith.index_cast %mul3A_746 : i32 to index
      %get3A_748 = tpu.vector_load %arg6[%get3A_747] {strides = array<i32>} : memref<16384xf32, #tpu.memory_space<vmem>>, vector<16xf32>,
      %get3A_749 = vector.shape_cast %get3A_748 : vector<16xf32> to vector<16xf32>
      %add3A_750 = arith.constant 640 : i32
      %add3A_751 = arith.addi %add3A_750, %scan3A_625 : i32
      %mul3A_752 = arith.constant 16 : i32
      %mul3A_753 = arith.muli %add3A_751, %mul3A_752 : i32
      %get3A_754 = arith.index_cast %mul3A_753 : i32 to index
      %get3A_755 = tpu.vector_load %arg6[%get3A_754] {strides = array<i32>} : memref<16384xf32, #tpu.memory_space<vmem>>, vector<16xf32>,
      %get3A_756 = vector.shape_cast %get3A_755 : vector<16xf32> to vector<16xf32>
      %mul3A_757 = arith.constant 2 : i32
      %mul3A_758 = arith.muli %mul3A_757, %scan3A_625 : i32
      %add3A_759 = arith.constant 768 : i32
      %add3A_760 = arith.addi %add3A_759, %mul3A_758 : i32
      %mul3A_761 = arith.constant 16 : i32
      %mul3A_762 = arith.muli %add3A_760, %mul3A_761 : i32
      %get3A_763 = arith.index_cast %mul3A_762 : i32 to index
      %get3A_764 = tpu.vector_load %arg6[%get3A_763] {strides = array<i32>} : memref<16384xf32, #tpu.memory_space<vmem>>, vector<16xf32>,
      %get3A_765 = vector.shape_cast %get3A_764 : vector<16xf32> to vector<16xf32>
      %mul3A_766 = arith.constant 2 : i32
      %mul3A_767 = arith.muli %mul3A_766, %scan3A_625 : i32
      %add3A_768 = arith.constant 1 : i32
      %add3A_769 = arith.addi %mul3A_767, %add3A_768 : i32
      %add3A_770 = arith.constant 768 : i32
      %add3A_771 = arith.addi %add3A_770, %add3A_769 : i32
      %mul3A_772 = arith.constant 16 : i32
      %mul3A_773 = arith.muli %add3A_771, %mul3A_772 : i32
      %get3A_774 = arith.index_cast %mul3A_773 : i32 to index
      %get3A_775 = tpu.vector_load %arg6[%get3A_774] {strides = array<i32>} : memref<16384xf32, #tpu.memory_space<vmem>>, vector<16xf32>,
      %get3A_776 = vector.shape_cast %get3A_775 : vector<16xf32> to vector<16xf32>
      %add3A_777 = arith.constant 896 : i32
      %add3A_778 = arith.addi %add3A_777, %scan3A_625 : i32
      %mul3A_779 = arith.constant 16 : i32
      %mul3A_780 = arith.muli %add3A_778, %mul3A_779 : i32
      %get3A_781 = arith.index_cast %mul3A_780 : i32 to index
      %get3A_782 = tpu.vector_load %arg6[%get3A_781] {strides = array<i32>} : memref<16384xf32, #tpu.memory_space<vmem>>, vector<16xf32>,
      %get3A_783 = vector.shape_cast %get3A_782 : vector<16xf32> to vector<16xf32>
      %broadcast_in_dim3A_784 = arith.constant 0.000000e+00 : f32
      %broadcast_in_dim3A_785 = vector.broadcast %broadcast_in_dim3A_784 : f32 to vector<16xf32>
      %mul3A_786 = arith.constant 4 : i32
      %mul3A_787 = arith.muli %mul3A_786, %scan3A_625 : i32
      %get3A_788 = arith.index_cast %mul3A_787 : i32 to index
      %get3A_789 = arith.constant 0 : index
      %get3A_790 = tpu.vector_load %arg5[%get3A_788, %get3A_789] {strides = array<i32>} : memref<128x256xf32, #tpu.memory_space<vmem>>, vector<1x16xf32>,
      %get3A_791 = vector.shape_cast %get3A_790 : vector<1x16xf32> to vector<16xf32>
      %mul3A_792 = arith.constant 4 : i32
      %mul3A_793 = arith.muli %mul3A_792, %scan3A_625 : i32
      %add3A_794 = arith.constant 1 : i32
      %add3A_795 = arith.addi %mul3A_793, %add3A_794 : i32
      %get3A_796 = arith.index_cast %add3A_795 : i32 to index
      %get3A_797 = arith.constant 0 : index
      %get3A_798 = tpu.vector_load %arg5[%get3A_796, %get3A_797] {strides = array<i32>} : memref<128x256xf32, #tpu.memory_space<vmem>>, vector<1x16xf32>,
      %get3A_799 = vector.shape_cast %get3A_798 : vector<1x16xf32> to vector<16xf32>
      %mul3A_800 = arith.constant 4 : i32
      %mul3A_801 = arith.muli %mul3A_800, %scan3A_625 : i32
      %add3A_802 = arith.constant 2 : i32
      %add3A_803 = arith.addi %mul3A_801, %add3A_802 : i32
      %get3A_804 = arith.index_cast %add3A_803 : i32 to index
      %get3A_805 = arith.constant 0 : index
      %get3A_806 = tpu.vector_load %arg5[%get3A_804, %get3A_805] {strides = array<i32>} : memref<128x256xf32, #tpu.memory_space<vmem>>, vector<1x16xf32>,
      %get3A_807 = vector.shape_cast %get3A_806 : vector<1x16xf32> to vector<16xf32>
      %mul3A_808 = arith.constant 4 : i32
      %mul3A_809 = arith.muli %mul3A_808, %scan3A_625 : i32
      %add3A_810 = arith.constant 3 : i32
      %add3A_811 = arith.addi %mul3A_809, %add3A_810 : i32
      %get3A_812 = arith.index_cast %add3A_811 : i32 to index
      %get3A_813 = arith.constant 0 : index
      %get3A_814 = tpu.vector_load %arg5[%get3A_812, %get3A_813] {strides = array<i32>} : memref<128x256xf32, #tpu.memory_space<vmem>>, vector<1x16xf32>,
      %get3A_815 = vector.shape_cast %get3A_814 : vector<1x16xf32> to vector<16xf32>
      %mul3A_816 = arith.mulf %get3A_634, %get3A_791 : vector<16xf32>
      %mul3A_817 = arith.mulf %get3A_645, %get3A_799 : vector<16xf32>
      %add3A_818 = arith.addf %mul3A_816, %mul3A_817 : vector<16xf32>
      %add3A_819 = arith.addf %add3A_818, %get3A_676 : vector<16xf32>
      %max3A_820 = arith.maximumf %add3A_819, %broadcast_in_dim3A_785 : vector<16xf32>
      %mul3A_821 = arith.mulf %get3A_656, %get3A_807 : vector<16xf32>
      %mul3A_822 = arith.mulf %get3A_667, %get3A_815 : vector<16xf32>
      %add3A_823 = arith.addf %mul3A_821, %mul3A_822 : vector<16xf32>
      %add3A_824 = arith.addf %add3A_823, %get3A_687 : vector<16xf32>
      %max3A_825 = arith.maximumf %add3A_824, %broadcast_in_dim3A_785 : vector<16xf32>
      %mul3A_826 = arith.mulf %get3A_738, %max3A_820 : vector<16xf32>
      %mul3A_827 = arith.mulf %get3A_749, %max3A_825 : vector<16xf32>
      %add3A_828 = arith.addf %mul3A_826, %mul3A_827 : vector<16xf32>
      %add3A_829 = arith.addf %add3A_828, %get3A_756 : vector<16xf32>
      %max3A_830 = arith.maximumf %add3A_829, %broadcast_in_dim3A_785 : vector<16xf32>
      %mul3A_831 = arith.mulf %get3A_696, %get3A_791 : vector<16xf32>
      %mul3A_832 = arith.mulf %get3A_707, %get3A_799 : vector<16xf32>
      %add3A_833 = arith.addf %mul3A_831, %mul3A_832 : vector<16xf32>
      %mul3A_834 = arith.mulf %get3A_718, %get3A_807 : vector<16xf32>
      %add3A_835 = arith.addf %add3A_833, %mul3A_834 : vector<16xf32>
      %mul3A_836 = arith.mulf %get3A_729, %get3A_815 : vector<16xf32>
      %add3A_837 = arith.addf %add3A_835, %mul3A_836 : vector<16xf32>
      %swap3A_838 = arith.constant 0 : index
      %swap3A_839 = tpu.vector_load %arg7[%swap3A_838] {strides = array<i32>} : memref<256xf32, #tpu.memory_space<vmem>>, vector<16xf32>,
      %swap3A_840 = vector.shape_cast %swap3A_839 : vector<16xf32> to vector<16xf32>
      %swap3A_841 = vector.shape_cast %add3A_837 : vector<16xf32> to vector<16xf32>
      tpu.vector_store %arg7[%swap3A_838], %swap3A_841 {add = true, strides = array<i32>} : memref<256xf32, #tpu.memory_space<vmem>>, vector<16xf32>,
      %mul3A_842 = arith.mulf %get3A_765, %max3A_820 : vector<16xf32>
      %mul3A_843 = arith.mulf %get3A_776, %max3A_825 : vector<16xf32>
      %add3A_844 = arith.addf %mul3A_842, %mul3A_843 : vector<16xf32>
      %swap3A_845 = arith.constant 0 : index
      %swap3A_846 = tpu.vector_load %arg8[%swap3A_845] {strides = array<i32>} : memref<256xf32, #tpu.memory_space<vmem>>, vector<16xf32>,
      %swap3A_847 = vector.shape_cast %swap3A_846 : vector<16xf32> to vector<16xf32>
      %swap3A_848 = vector.shape_cast %add3A_844 : vector<16xf32> to vector<16xf32>
      tpu.vector_store %arg8[%swap3A_845], %swap3A_848 {add = true, strides = array<i32>} : memref<256xf32, #tpu.memory_space<vmem>>, vector<16xf32>,
      %mul3A_849 = arith.mulf %get3A_783, %max3A_830 : vector<16xf32>
      %swap3A_850 = arith.constant 0 : index
      %swap3A_851 = tpu.vector_load %arg9[%swap3A_850] {strides = array<i32>} : memref<256xf32, #tpu.memory_space<vmem>>, vector<16xf32>,
      %swap3A_852 = vector.shape_cast %swap3A_851 : vector<16xf32> to vector<16xf32>
      %swap3A_853 = vector.shape_cast %mul3A_849 : vector<16xf32> to vector<16xf32>
      tpu.vector_store %arg9[%swap3A_850], %swap3A_853 {add = true, strides = array<i32>} : memref<256xf32, #tpu.memory_space<vmem>>, vector<16xf32>,
      %mul3A_854 = arith.constant 4 : i32
      %mul3A_855 = arith.muli %mul3A_854, %scan3A_625 : i32
      %get3A_856 = arith.index_cast %mul3A_855 : i32 to index
      %get3A_857 = arith.constant 16 : index
      %get3A_858 = tpu.vector_load %arg5[%get3A_856, %get3A_857] {strides = array<i32>} : memref<128x256xf32, #tpu.memory_space<vmem>>, vector<1x16xf32>,
      %get3A_859 = vector.shape_cast %get3A_858 : vector<1x16xf32> to vector<16xf32>
      %mul3A_860 = arith.constant 4 : i32
      %mul3A_861 = arith.muli %mul3A_860, %scan3A_625 : i32
      %add3A_862 = arith.constant 1 : i32
      %add3A_863 = arith.addi %mul3A_861, %add3A_862 : i32
      %get3A_864 = arith.index_cast %add3A_863 : i32 to index
      %get3A_865 = arith.constant 16 : index
      %get3A_866 = tpu.vector_load %arg5[%get3A_864, %get3A_865] {strides = array<i32>} : memref<128x256xf32, #tpu.memory_space<vmem>>, vector<1x16xf32>,
      %get3A_867 = vector.shape_cast %get3A_866 : vector<1x16xf32> to vector<16xf32>
      %mul3A_868 = arith.constant 4 : i32
      %mul3A_869 = arith.muli %mul3A_868, %scan3A_625 : i32
      %add3A_870 = arith.constant 2 : i32
      %add3A_871 = arith.addi %mul3A_869, %add3A_870 : i32
      %get3A_872 = arith.index_cast %add3A_871 : i32 to index
      %get3A_873 = arith.constant 16 : index
      %get3A_874 = tpu.vector_load %arg5[%get3A_872, %get3A_873] {strides = array<i32>} : memref<128x256xf32, #tpu.memory_space<vmem>>, vector<1x16xf32>,
      %get3A_875 = vector.shape_cast %get3A_874 : vector<1x16xf32> to vector<16xf32>
      %mul3A_876 = arith.constant 4 : i32
      %mul3A_877 = arith.muli %mul3A_876, %scan3A_625 : i32
      %add3A_878 = arith.constant 3 : i32
      %add3A_879 = arith.addi %mul3A_877, %add3A_878 : i32
      %get3A_880 = arith.index_cast %add3A_879 : i32 to index
      %get3A_881 = arith.constant 16 : index
      %get3A_882 = tpu.vector_load %arg5[%get3A_880, %get3A_881] {strides = array<i32>} : memref<128x256xf32, #tpu.memory_space<vmem>>, vector<1x16xf32>,
      %get3A_883 = vector.shape_cast %get3A_882 : vector<1x16xf32> to vector<16xf32>
      %mul3A_884 = arith.mulf %get3A_634, %get3A_859 : vector<16xf32>
      %mul3A_885 = arith.mulf %get3A_645, %get3A_867 : vector<16xf32>
      %add3A_886 = arith.addf %mul3A_884, %mul3A_885 : vector<16xf32>
      %add3A_887 = arith.addf %add3A_886, %get3A_676 : vector<16xf32>
      %max3A_888 = arith.maximumf %add3A_887, %broadcast_in_dim3A_785 : vector<16xf32>
      %mul3A_889 = arith.mulf %get3A_656, %get3A_875 : vector<16xf32>
      %mul3A_890 = arith.mulf %get3A_667, %get3A_883 : vector<16xf32>
      %add3A_891 = arith.addf %mul3A_889, %mul3A_890 : vector<16xf32>
      %add3A_892 = arith.addf %add3A_891, %get3A_687 : vector<16xf32>
      %max3A_893 = arith.maximumf %add3A_892, %broadcast_in_dim3A_785 : vector<16xf32>
      %mul3A_894 = arith.mulf %get3A_738, %max3A_888 : vector<16xf32>
      %mul3A_895 = arith.mulf %get3A_749, %max3A_893 : vector<16xf32>
      %add3A_896 = arith.addf %mul3A_894, %mul3A_895 : vector<16xf32>
      %add3A_897 = arith.addf %add3A_896, %get3A_756 : vector<16xf32>
      %max3A_898 = arith.maximumf %add3A_897, %broadcast_in_dim3A_785 : vector<16xf32>
      %mul3A_899 = arith.mulf %get3A_696, %get3A_859 : vector<16xf32>
      %mul3A_900 = arith.mulf %get3A_707, %get3A_867 : vector<16xf32>
      %add3A_901 = arith.addf %mul3A_899, %mul3A_900 : vector<16xf32>
      %mul3A_902 = arith.mulf %get3A_718, %get3A_875 : vector<16xf32>
      %add3A_903 = arith.addf %add3A_901, %mul3A_902 : vector<16xf32>
      %mul3A_904 = arith.mulf %get3A_729, %get3A_883 : vector<16xf32>
      %add3A_905 = arith.addf %add3A_903, %mul3A_904 : vector<16xf32>
      %swap3A_906 = arith.constant 16 : index
      %swap3A_907 = tpu.vector_load %arg7[%swap3A_906] {strides = array<i32>} : memref<256xf32, #tpu.memory_space<vmem>>, vector<16xf32>,
      %swap3A_908 = vector.shape_cast %swap3A_907 : vector<16xf32> to vector<16xf32>
      %swap3A_909 = vector.shape_cast %add3A_905 : vector<16xf32> to vector<16xf32>
      tpu.vector_store %arg7[%swap3A_906], %swap3A_909 {add = true, strides = array<i32>} : memref<256xf32, #tpu.memory_space<vmem>>, vector<16xf32>,
      %mul3A_910 = arith.mulf %get3A_765, %max3A_888 : vector<16xf32>
      %mul3A_911 = arith.mulf %get3A_776, %max3A_893 : vector<16xf32>
      %add3A_912 = arith.addf %mul3A_910, %mul3A_911 : vector<16xf32>
      %swap3A_913 = arith.constant 16 : index
      %swap3A_914 = tpu.vector_load %arg8[%swap3A_913] {strides = array<i32>} : memref<256xf32, #tpu.memory_space<vmem>>, vector<16xf32>,
      %swap3A_915 = vector.shape_cast %swap3A_914 : vector<16xf32> to vector<16xf32>
      %swap3A_916 = vector.shape_cast %add3A_912 : vector<16xf32> to vector<16xf32>
      tpu.vector_store %arg8[%swap3A_913], %swap3A_916 {add = true, strides = array<i32>} : memref<256xf32, #tpu.memory_space<vmem>>, vector<16xf32>,
      %mul3A_917 = arith.mulf %get3A_783, %max3A_898 : vector<16xf32>
      %swap3A_918 = arith.constant 16 : index
      %swap3A_919 = tpu.vector_load %arg9[%swap3A_918] {strides = array<i32>} : memref<256xf32, #tpu.memory_space<vmem>>, vector<16xf32>,
      %swap3A_920 = vector.shape_cast %swap3A_919 : vector<16xf32> to vector<16xf32>
      %swap3A_921 = vector.shape_cast %mul3A_917 : vector<16xf32> to vector<16xf32>
      tpu.vector_store %arg9[%swap3A_918], %swap3A_921 {add = true, strides = array<i32>} : memref<256xf32, #tpu.memory_space<vmem>>, vector<16xf32>,
      %mul3A_922 = arith.constant 4 : i32
      %mul3A_923 = arith.muli %mul3A_922, %scan3A_625 : i32
      %get3A_924 = arith.index_cast %mul3A_923 : i32 to index
      %get3A_925 = arith.constant 32 : index
      %get3A_926 = tpu.vector_load %arg5[%get3A_924, %get3A_925] {strides = array<i32>} : memref<128x256xf32, #tpu.memory_space<vmem>>, vector<1x16xf32>,
      %get3A_927 = vector.shape_cast %get3A_926 : vector<1x16xf32> to vector<16xf32>
      %mul3A_928 = arith.constant 4 : i32
      %mul3A_929 = arith.muli %mul3A_928, %scan3A_625 : i32
      %add3A_930 = arith.constant 1 : i32
      %add3A_931 = arith.addi %mul3A_929, %add3A_930 : i32
      %get3A_932 = arith.index_cast %add3A_931 : i32 to index
      %get3A_933 = arith.constant 32 : index
      %get3A_934 = tpu.vector_load %arg5[%get3A_932, %get3A_933] {strides = array<i32>} : memref<128x256xf32, #tpu.memory_space<vmem>>, vector<1x16xf32>,
      %get3A_935 = vector.shape_cast %get3A_934 : vector<1x16xf32> to vector<16xf32>
      %mul3A_936 = arith.constant 4 : i32
      %mul3A_937 = arith.muli %mul3A_936, %scan3A_625 : i32
      %add3A_938 = arith.constant 2 : i32
      %add3A_939 = arith.addi %mul3A_937, %add3A_938 : i32
      %get3A_940 = arith.index_cast %add3A_939 : i32 to index
      %get3A_941 = arith.constant 32 : index
      %get3A_942 = tpu.vector_load %arg5[%get3A_940, %get3A_941] {strides = array<i32>} : memref<128x256xf32, #tpu.memory_space<vmem>>, vector<1x16xf32>,
      %get3A_943 = vector.shape_cast %get3A_942 : vector<1x16xf32> to vector<16xf32>
      %mul3A_944 = arith.constant 4 : i32
      %mul3A_945 = arith.muli %mul3A_944, %scan3A_625 : i32
      %add3A_946 = arith.constant 3 : i32
      %add3A_947 = arith.addi %mul3A_945, %add3A_946 : i32
      %get3A_948 = arith.index_cast %add3A_947 : i32 to index
      %get3A_949 = arith.constant 32 : index
      %get3A_950 = tpu.vector_load %arg5[%get3A_948, %get3A_949] {strides = array<i32>} : memref<128x256xf32, #tpu.memory_space<vmem>>, vector<1x16xf32>,
      %get3A_951 = vector.shape_cast %get3A_950 : vector<1x16xf32> to vector<16xf32>
      %mul3A_952 = arith.mulf %get3A_634, %get3A_927 : vector<16xf32>
      %mul3A_953 = arith.mulf %get3A_645, %get3A_935 : vector<16xf32>
      %add3A_954 = arith.addf %mul3A_952, %mul3A_953 : vector<16xf32>
      %add3A_955 = arith.addf %add3A_954, %get3A_676 : vector<16xf32>
      %max3A_956 = arith.maximumf %add3A_955, %broadcast_in_dim3A_785 : vector<16xf32>
      %mul3A_957 = arith.mulf %get3A_656, %get3A_943 : vector<16xf32>
      %mul3A_958 = arith.mulf %get3A_667, %get3A_951 : vector<16xf32>
      %add3A_959 = arith.addf %mul3A_957, %mul3A_958 : vector<16xf32>
      %add3A_960 = arith.addf %add3A_959, %get3A_687 : vector<16xf32>
      %max3A_961 = arith.maximumf %add3A_960, %broadcast_in_dim3A_785 : vector<16xf32>
      %mul3A_962 = arith.mulf %get3A_738, %max3A_956 : vector<16xf32>
      %mul3A_963 = arith.mulf %get3A_749, %max3A_961 : vector<16xf32>
      %add3A_964 = arith.addf %mul3A_962, %mul3A_963 : vector<16xf32>
      %add3A_965 = arith.addf %add3A_964, %get3A_756 : vector<16xf32>
      %max3A_966 = arith.maximumf %add3A_965, %broadcast_in_dim3A_785 : vector<16xf32>
      %mul3A_967 = arith.mulf %get3A_696, %get3A_927 : vector<16xf32>
      %mul3A_968 = arith.mulf %get3A_707, %get3A_935 : vector<16xf32>
      %add3A_969 = arith.addf %mul3A_967, %mul3A_968 : vector<16xf32>
      %mul3A_970 = arith.mulf %get3A_718, %get3A_943 : vector<16xf32>
      %add3A_971 = arith.addf %add3A_969, %mul3A_970 : vector<16xf32>
      %mul3A_972 = arith.mulf %get3A_729, %get3A_951 : vector<16xf32>
      %add3A_973 = arith.addf %add3A_971, %mul3A_972 : vector<16xf32>
      %swap3A_974 = arith.constant 32 : index
      %swap3A_975 = tpu.vector_load %arg7[%swap3A_974] {strides = array<i32>} : memref<256xf32, #tpu.memory_space<vmem>>, vector<16xf32>,
      %swap3A_976 = vector.shape_cast %swap3A_975 : vector<16xf32> to vector<16xf32>
      %swap3A_977 = vector.shape_cast %add3A_973 : vector<16xf32> to vector<16xf32>
      tpu.vector_store %arg7[%swap3A_974], %swap3A_977 {add = true, strides = array<i32>} : memref<256xf32, #tpu.memory_space<vmem>>, vector<16xf32>,
      %mul3A_978 = arith.mulf %get3A_765, %max3A_956 : vector<16xf32>
      %mul3A_979 = arith.mulf %get3A_776, %max3A_961 : vector<16xf32>
      %add3A_980 = arith.addf %mul3A_978, %mul3A_979 : vector<16xf32>
      %swap3A_981 = arith.constant 32 : index
      %swap3A_982 = tpu.vector_load %arg8[%swap3A_981] {strides = array<i32>} : memref<256xf32, #tpu.memory_space<vmem>>, vector<16xf32>,
      %swap3A_983 = vector.shape_cast %swap3A_982 : vector<16xf32> to vector<16xf32>
      %swap3A_984 = vector.shape_cast %add3A_980 : vector<16xf32> to vector<16xf32>
      tpu.vector_store %arg8[%swap3A_981], %swap3A_984 {add = true, strides = array<i32>} : memref<256xf32, #tpu.memory_space<vmem>>, vector<16xf32>,
      %mul3A_985 = arith.mulf %get3A_783, %max3A_966 : vector<16xf32>
      %swap3A_986 = arith.constant 32 : index
      %swap3A_987 = tpu.vector_load %arg9[%swap3A_986] {strides = array<i32>} : memref<256xf32, #tpu.memory_space<vmem>>, vector<16xf32>,
      %swap3A_988 = vector.shape_cast %swap3A_987 : vector<16xf32> to vector<16xf32>
      %swap3A_989 = vector.shape_cast %mul3A_985 : vector<16xf32> to vector<16xf32>
      tpu.vector_store %arg9[%swap3A_986], %swap3A_989 {add = true, strides = array<i32>} : memref<256xf32, #tpu.memory_space<vmem>>, vector<16xf32>,
      %mul3A_990 = arith.constant 4 : i32
      %mul3A_991 = arith.muli %mul3A_990, %scan3A_625 : i32
      %get3A_992 = arith.index_cast %mul3A_991 : i32 to index
      %get3A_993 = arith.constant 48 : index
      %get3A_994 = tpu.vector_load %arg5[%get3A_992, %get3A_993] {strides = array<i32>} : memref<128x256xf32, #tpu.memory_space<vmem>>, vector<1x16xf32>,
      %get3A_995 = vector.shape_cast %get3A_994 : vector<1x16xf32> to vector<16xf32>
      %mul3A_996 = arith.constant 4 : i32
      %mul3A_997 = arith.muli %mul3A_996, %scan3A_625 : i32
      %add3A_998 = arith.constant 1 : i32
      %add3A_999 = arith.addi %mul3A_997, %add3A_998 : i32
      %get3A_1000 = arith.index_cast %add3A_999 : i32 to index
      %get3A_1001 = arith.constant 48 : index
      %get3A_1002 = tpu.vector_load %arg5[%get3A_1000, %get3A_1001] {strides = array<i32>} : memref<128x256xf32, #tpu.memory_space<vmem>>, vector<1x16xf32>,
      %get3A_1003 = vector.shape_cast %get3A_1002 : vector<1x16xf32> to vector<16xf32>
      %mul3A_1004 = arith.constant 4 : i32
      %mul3A_1005 = arith.muli %mul3A_1004, %scan3A_625 : i32
      %add3A_1006 = arith.constant 2 : i32
      %add3A_1007 = arith.addi %mul3A_1005, %add3A_1006 : i32
      %get3A_1008 = arith.index_cast %add3A_1007 : i32 to index
      %get3A_1009 = arith.constant 48 : index
      %get3A_1010 = tpu.vector_load %arg5[%get3A_1008, %get3A_1009] {strides = array<i32>} : memref<128x256xf32, #tpu.memory_space<vmem>>, vector<1x16xf32>,
      %get3A_1011 = vector.shape_cast %get3A_1010 : vector<1x16xf32> to vector<16xf32>
      %mul3A_1012 = arith.constant 4 : i32
      %mul3A_1013 = arith.muli %mul3A_1012, %scan3A_625 : i32
      %add3A_1014 = arith.constant 3 : i32
      %add3A_1015 = arith.addi %mul3A_1013, %add3A_1014 : i32
      %get3A_1016 = arith.index_cast %add3A_1015 : i32 to index
      %get3A_1017 = arith.constant 48 : index
      %get3A_1018 = tpu.vector_load %arg5[%get3A_1016, %get3A_1017] {strides = array<i32>} : memref<128x256xf32, #tpu.memory_space<vmem>>, vector<1x16xf32>,
      %get3A_1019 = vector.shape_cast %get3A_1018 : vector<1x16xf32> to vector<16xf32>
      %mul3A_1020 = arith.mulf %get3A_634, %get3A_995 : vector<16xf32>
      %mul3A_1021 = arith.mulf %get3A_645, %get3A_1003 : vector<16xf32>
      %add3A_1022 = arith.addf %mul3A_1020, %mul3A_1021 : vector<16xf32>
      %add3A_1023 = arith.addf %add3A_1022, %get3A_676 : vector<16xf32>
      %max3A_1024 = arith.maximumf %add3A_1023, %broadcast_in_dim3A_785 : vector<16xf32>
      %mul3A_1025 = arith.mulf %get3A_656, %get3A_1011 : vector<16xf32>
      %mul3A_1026 = arith.mulf %get3A_667, %get3A_1019 : vector<16xf32>
      %add3A_1027 = arith.addf %mul3A_1025, %mul3A_1026 : vector<16xf32>
      %add3A_1028 = arith.addf %add3A_1027, %get3A_687 : vector<16xf32>
      %max3A_1029 = arith.maximumf %add3A_1028, %broadcast_in_dim3A_785 : vector<16xf32>
      %mul3A_1030 = arith.mulf %get3A_738, %max3A_1024 : vector<16xf32>
      %mul3A_1031 = arith.mulf %get3A_749, %max3A_1029 : vector<16xf32>
      %add3A_1032 = arith.addf %mul3A_1030, %mul3A_1031 : vector<16xf32>
      %add3A_1033 = arith.addf %add3A_1032, %get3A_756 : vector<16xf32>
      %max3A_1034 = arith.maximumf %add3A_1033, %broadcast_in_dim3A_785 : vector<16xf32>
      %mul3A_1035 = arith.mulf %get3A_696, %get3A_995 : vector<16xf32>
      %mul3A_1036 = arith.mulf %get3A_707, %get3A_1003 : vector<16xf32>
      %add3A_1037 = arith.addf %mul3A_1035, %mul3A_1036 : vector<16xf32>
      %mul3A_1038 = arith.mulf %get3A_718, %get3A_1011 : vector<16xf32>
      %add3A_1039 = arith.addf %add3A_1037, %mul3A_1038 : vector<16xf32>
      %mul3A_1040 = arith.mulf %get3A_729, %get3A_1019 : vector<16xf32>
      %add3A_1041 = arith.addf %add3A_1039, %mul3A_1040 : vector<16xf32>
      %swap3A_1042 = arith.constant 48 : index
      %swap3A_1043 = tpu.vector_load %arg7[%swap3A_1042] {strides = array<i32>} : memref<256xf32, #tpu.memory_space<vmem>>, vector<16xf32>,
      %swap3A_1044 = vector.shape_cast %swap3A_1043 : vector<16xf32> to vector<16xf32>
      %swap3A_1045 = vector.shape_cast %add3A_1041 : vector<16xf32> to vector<16xf32>
      tpu.vector_store %arg7[%swap3A_1042], %swap3A_1045 {add = true, strides = array<i32>} : memref<256xf32, #tpu.memory_space<vmem>>, vector<16xf32>,
      %mul3A_1046 = arith.mulf %get3A_765, %max3A_1024 : vector<16xf32>
      %mul3A_1047 = arith.mulf %get3A_776, %max3A_1029 : vector<16xf32>
      %add3A_1048 = arith.addf %mul3A_1046, %mul3A_1047 : vector<16xf32>
      %swap3A_1049 = arith.constant 48 : index
      %swap3A_1050 = tpu.vector_load %arg8[%swap3A_1049] {strides = array<i32>} : memref<256xf32, #tpu.memory_space<vmem>>, vector<16xf32>,
      %swap3A_1051 = vector.shape_cast %swap3A_1050 : vector<16xf32> to vector<16xf32>
      %swap3A_1052 = vector.shape_cast %add3A_1048 : vector<16xf32> to vector<16xf32>
      tpu.vector_store %arg8[%swap3A_1049], %swap3A_1052 {add = true, strides = array<i32>} : memref<256xf32, #tpu.memory_space<vmem>>, vector<16xf32>,
      %mul3A_1053 = arith.mulf %get3A_783, %max3A_1034 : vector<16xf32>
      %swap3A_1054 = arith.constant 48 : index
      %swap3A_1055 = tpu.vector_load %arg9[%swap3A_1054] {strides = array<i32>} : memref<256xf32, #tpu.memory_space<vmem>>, vector<16xf32>,
      %swap3A_1056 = vector.shape_cast %swap3A_1055 : vector<16xf32> to vector<16xf32>
      %swap3A_1057 = vector.shape_cast %mul3A_1053 : vector<16xf32> to vector<16xf32>
      tpu.vector_store %arg9[%swap3A_1054], %swap3A_1057 {add = true, strides = array<i32>} : memref<256xf32, #tpu.memory_space<vmem>>, vector<16xf32>,
      %mul3A_1058 = arith.constant 4 : i32
      %mul3A_1059 = arith.muli %mul3A_1058, %scan3A_625 : i32
      %get3A_1060 = arith.index_cast %mul3A_1059 : i32 to index
      %get3A_1061 = arith.constant 64 : index
      %get3A_1062 = tpu.vector_load %arg5[%get3A_1060, %get3A_1061] {strides = array<i32>} : memref<128x256xf32, #tpu.memory_space<vmem>>, vector<1x16xf32>,
      %get3A_1063 = vector.shape_cast %get3A_1062 : vector<1x16xf32> to vector<16xf32>
      %mul3A_1064 = arith.constant 4 : i32
      %mul3A_1065 = arith.muli %mul3A_1064, %scan3A_625 : i32
      %add3A_1066 = arith.constant 1 : i32
      %add3A_1067 = arith.addi %mul3A_1065, %add3A_1066 : i32
      %get3A_1068 = arith.index_cast %add3A_1067 : i32 to index
      %get3A_1069 = arith.constant 64 : index
      %get3A_1070 = tpu.vector_load %arg5[%get3A_1068, %get3A_1069] {strides = array<i32>} : memref<128x256xf32, #tpu.memory_space<vmem>>, vector<1x16xf32>,
      %get3A_1071 = vector.shape_cast %get3A_1070 : vector<1x16xf32> to vector<16xf32>
      %mul3A_1072 = arith.constant 4 : i32
      %mul3A_1073 = arith.muli %mul3A_1072, %scan3A_625 : i32
      %add3A_1074 = arith.constant 2 : i32
      %add3A_1075 = arith.addi %mul3A_1073, %add3A_1074 : i32
      %get3A_1076 = arith.index_cast %add3A_1075 : i32 to index
      %get3A_1077 = arith.constant 64 : index
      %get3A_1078 = tpu.vector_load %arg5[%get3A_1076, %get3A_1077] {strides = array<i32>} : memref<128x256xf32, #tpu.memory_space<vmem>>, vector<1x16xf32>,
      %get3A_1079 = vector.shape_cast %get3A_1078 : vector<1x16xf32> to vector<16xf32>
      %mul3A_1080 = arith.constant 4 : i32
      %mul3A_1081 = arith.muli %mul3A_1080, %scan3A_625 : i32
      %add3A_1082 = arith.constant 3 : i32
      %add3A_1083 = arith.addi %mul3A_1081, %add3A_1082 : i32
      %get3A_1084 = arith.index_cast %add3A_1083 : i32 to index
      %get3A_1085 = arith.constant 64 : index
      %get3A_1086 = tpu.vector_load %arg5[%get3A_1084, %get3A_1085] {strides = array<i32>} : memref<128x256xf32, #tpu.memory_space<vmem>>, vector<1x16xf32>,
      %get3A_1087 = vector.shape_cast %get3A_1086 : vector<1x16xf32> to vector<16xf32>
      %mul3A_1088 = arith.mulf %get3A_634, %get3A_1063 : vector<16xf32>
      %mul3A_1089 = arith.mulf %get3A_645, %get3A_1071 : vector<16xf32>
      %add3A_1090 = arith.addf %mul3A_1088, %mul3A_1089 : vector<16xf32>
      %add3A_1091 = arith.addf %add3A_1090, %get3A_676 : vector<16xf32>
      %max3A_1092 = arith.maximumf %add3A_1091, %broadcast_in_dim3A_785 : vector<16xf32>
      %mul3A_1093 = arith.mulf %get3A_656, %get3A_1079 : vector<16xf32>
      %mul3A_1094 = arith.mulf %get3A_667, %get3A_1087 : vector<16xf32>
      %add3A_1095 = arith.addf %mul3A_1093, %mul3A_1094 : vector<16xf32>
      %add3A_1096 = arith.addf %add3A_1095, %get3A_687 : vector<16xf32>
      %max3A_1097 = arith.maximumf %add3A_1096, %broadcast_in_dim3A_785 : vector<16xf32>
      %mul3A_1098 = arith.mulf %get3A_738, %max3A_1092 : vector<16xf32>
      %mul3A_1099 = arith.mulf %get3A_749, %max3A_1097 : vector<16xf32>
      %add3A_1100 = arith.addf %mul3A_1098, %mul3A_1099 : vector<16xf32>
      %add3A_1101 = arith.addf %add3A_1100, %get3A_756 : vector<16xf32>
      %max3A_1102 = arith.maximumf %add3A_1101, %broadcast_in_dim3A_785 : vector<16xf32>
      %mul3A_1103 = arith.mulf %get3A_696, %get3A_1063 : vector<16xf32>
      %mul3A_1104 = arith.mulf %get3A_707, %get3A_1071 : vector<16xf32>
      %add3A_1105 = arith.addf %mul3A_1103, %mul3A_1104 : vector<16xf32>
      %mul3A_1106 = arith.mulf %get3A_718, %get3A_1079 : vector<16xf32>
      %add3A_1107 = arith.addf %add3A_1105, %mul3A_1106 : vector<16xf32>
      %mul3A_1108 = arith.mulf %get3A_729, %get3A_1087 : vector<16xf32>
      %add3A_1109 = arith.addf %add3A_1107, %mul3A_1108 : vector<16xf32>
      %swap3A_1110 = arith.constant 64 : index
      %swap3A_1111 = tpu.vector_load %arg7[%swap3A_1110] {strides = array<i32>} : memref<256xf32, #tpu.memory_space<vmem>>, vector<16xf32>,
      %swap3A_1112 = vector.shape_cast %swap3A_1111 : vector<16xf32> to vector<16xf32>
      %swap3A_1113 = vector.shape_cast %add3A_1109 : vector<16xf32> to vector<16xf32>
      tpu.vector_store %arg7[%swap3A_1110], %swap3A_1113 {add = true, strides = array<i32>} : memref<256xf32, #tpu.memory_space<vmem>>, vector<16xf32>,
      %mul3A_1114 = arith.mulf %get3A_765, %max3A_1092 : vector<16xf32>
      %mul3A_1115 = arith.mulf %get3A_776, %max3A_1097 : vector<16xf32>
      %add3A_1116 = arith.addf %mul3A_1114, %mul3A_1115 : vector<16xf32>
      %swap3A_1117 = arith.constant 64 : index
      %swap3A_1118 = tpu.vector_load %arg8[%swap3A_1117] {strides = array<i32>} : memref<256xf32, #tpu.memory_space<vmem>>, vector<16xf32>,
      %swap3A_1119 = vector.shape_cast %swap3A_1118 : vector<16xf32> to vector<16xf32>
      %swap3A_1120 = vector.shape_cast %add3A_1116 : vector<16xf32> to vector<16xf32>
      tpu.vector_store %arg8[%swap3A_1117], %swap3A_1120 {add = true, strides = array<i32>} : memref<256xf32, #tpu.memory_space<vmem>>, vector<16xf32>,
      %mul3A_1121 = arith.mulf %get3A_783, %max3A_1102 : vector<16xf32>
      %swap3A_1122 = arith.constant 64 : index
      %swap3A_1123 = tpu.vector_load %arg9[%swap3A_1122] {strides = array<i32>} : memref<256xf32, #tpu.memory_space<vmem>>, vector<16xf32>,
      %swap3A_1124 = vector.shape_cast %swap3A_1123 : vector<16xf32> to vector<16xf32>
      %swap3A_1125 = vector.shape_cast %mul3A_1121 : vector<16xf32> to vector<16xf32>
      tpu.vector_store %arg9[%swap3A_1122], %swap3A_1125 {add = true, strides = array<i32>} : memref<256xf32, #tpu.memory_space<vmem>>, vector<16xf32>,
      %mul3A_1126 = arith.constant 4 : i32
      %mul3A_1127 = arith.muli %mul3A_1126, %scan3A_625 : i32
      %get3A_1128 = arith.index_cast %mul3A_1127 : i32 to index
      %get3A_1129 = arith.constant 80 : index
      %get3A_1130 = tpu.vector_load %arg5[%get3A_1128, %get3A_1129] {strides = array<i32>} : memref<128x256xf32, #tpu.memory_space<vmem>>, vector<1x16xf32>,
      %get3A_1131 = vector.shape_cast %get3A_1130 : vector<1x16xf32> to vector<16xf32>
      %mul3A_1132 = arith.constant 4 : i32
      %mul3A_1133 = arith.muli %mul3A_1132, %scan3A_625 : i32
      %add3A_1134 = arith.constant 1 : i32
      %add3A_1135 = arith.addi %mul3A_1133, %add3A_1134 : i32
      %get3A_1136 = arith.index_cast %add3A_1135 : i32 to index
      %get3A_1137 = arith.constant 80 : index
      %get3A_1138 = tpu.vector_load %arg5[%get3A_1136, %get3A_1137] {strides = array<i32>} : memref<128x256xf32, #tpu.memory_space<vmem>>, vector<1x16xf32>,
      %get3A_1139 = vector.shape_cast %get3A_1138 : vector<1x16xf32> to vector<16xf32>
      %mul3A_1140 = arith.constant 4 : i32
      %mul3A_1141 = arith.muli %mul3A_1140, %scan3A_625 : i32
      %add3A_1142 = arith.constant 2 : i32
      %add3A_1143 = arith.addi %mul3A_1141, %add3A_1142 : i32
      %get3A_1144 = arith.index_cast %add3A_1143 : i32 to index
      %get3A_1145 = arith.constant 80 : index
      %get3A_1146 = tpu.vector_load %arg5[%get3A_1144, %get3A_1145] {strides = array<i32>} : memref<128x256xf32, #tpu.memory_space<vmem>>, vector<1x16xf32>,
      %get3A_1147 = vector.shape_cast %get3A_1146 : vector<1x16xf32> to vector<16xf32>
      %mul3A_1148 = arith.constant 4 : i32
      %mul3A_1149 = arith.muli %mul3A_1148, %scan3A_625 : i32
      %add3A_1150 = arith.constant 3 : i32
      %add3A_1151 = arith.addi %mul3A_1149, %add3A_1150 : i32
      %get3A_1152 = arith.index_cast %add3A_1151 : i32 to index
      %get3A_1153 = arith.constant 80 : index
      %get3A_1154 = tpu.vector_load %arg5[%get3A_1152, %get3A_1153] {strides = array<i32>} : memref<128x256xf32, #tpu.memory_space<vmem>>, vector<1x16xf32>,
      %get3A_1155 = vector.shape_cast %get3A_1154 : vector<1x16xf32> to vector<16xf32>
      %mul3A_1156 = arith.mulf %get3A_634, %get3A_1131 : vector<16xf32>
      %mul3A_1157 = arith.mulf %get3A_645, %get3A_1139 : vector<16xf32>
      %add3A_1158 = arith.addf %mul3A_1156, %mul3A_1157 : vector<16xf32>
      %add3A_1159 = arith.addf %add3A_1158, %get3A_676 : vector<16xf32>
      %max3A_1160 = arith.maximumf %add3A_1159, %broadcast_in_dim3A_785 : vector<16xf32>
      %mul3A_1161 = arith.mulf %get3A_656, %get3A_1147 : vector<16xf32>
      %mul3A_1162 = arith.mulf %get3A_667, %get3A_1155 : vector<16xf32>
      %add3A_1163 = arith.addf %mul3A_1161, %mul3A_1162 : vector<16xf32>
      %add3A_1164 = arith.addf %add3A_1163, %get3A_687 : vector<16xf32>
      %max3A_1165 = arith.maximumf %add3A_1164, %broadcast_in_dim3A_785 : vector<16xf32>
      %mul3A_1166 = arith.mulf %get3A_738, %max3A_1160 : vector<16xf32>
      %mul3A_1167 = arith.mulf %get3A_749, %max3A_1165 : vector<16xf32>
      %add3A_1168 = arith.addf %mul3A_1166, %mul3A_1167 : vector<16xf32>
      %add3A_1169 = arith.addf %add3A_1168, %get3A_756 : vector<16xf32>
      %max3A_1170 = arith.maximumf %add3A_1169, %broadcast_in_dim3A_785 : vector<16xf32>
      %mul3A_1171 = arith.mulf %get3A_696, %get3A_1131 : vector<16xf32>
      %mul3A_1172 = arith.mulf %get3A_707, %get3A_1139 : vector<16xf32>
      %add3A_1173 = arith.addf %mul3A_1171, %mul3A_1172 : vector<16xf32>
      %mul3A_1174 = arith.mulf %get3A_718, %get3A_1147 : vector<16xf32>
      %add3A_1175 = arith.addf %add3A_1173, %mul3A_1174 : vector<16xf32>
      %mul3A_1176 = arith.mulf %get3A_729, %get3A_1155 : vector<16xf32>
      %add3A_1177 = arith.addf %add3A_1175, %mul3A_1176 : vector<16xf32>
      %swap3A_1178 = arith.constant 80 : index
      %swap3A_1179 = tpu.vector_load %arg7[%swap3A_1178] {strides = array<i32>} : memref<256xf32, #tpu.memory_space<vmem>>, vector<16xf32>,
      %swap3A_1180 = vector.shape_cast %swap3A_1179 : vector<16xf32> to vector<16xf32>
      %swap3A_1181 = vector.shape_cast %add3A_1177 : vector<16xf32> to vector<16xf32>
      tpu.vector_store %arg7[%swap3A_1178], %swap3A_1181 {add = true, strides = array<i32>} : memref<256xf32, #tpu.memory_space<vmem>>, vector<16xf32>,
      %mul3A_1182 = arith.mulf %get3A_765, %max3A_1160 : vector<16xf32>
      %mul3A_1183 = arith.mulf %get3A_776, %max3A_1165 : vector<16xf32>
      %add3A_1184 = arith.addf %mul3A_1182, %mul3A_1183 : vector<16xf32>
      %swap3A_1185 = arith.constant 80 : index
      %swap3A_1186 = tpu.vector_load %arg8[%swap3A_1185] {strides = array<i32>} : memref<256xf32, #tpu.memory_space<vmem>>, vector<16xf32>,
      %swap3A_1187 = vector.shape_cast %swap3A_1186 : vector<16xf32> to vector<16xf32>
      %swap3A_1188 = vector.shape_cast %add3A_1184 : vector<16xf32> to vector<16xf32>
      tpu.vector_store %arg8[%swap3A_1185], %swap3A_1188 {add = true, strides = array<i32>} : memref<256xf32, #tpu.memory_space<vmem>>, vector<16xf32>,
      %mul3A_1189 = arith.mulf %get3A_783, %max3A_1170 : vector<16xf32>
      %swap3A_1190 = arith.constant 80 : index
      %swap3A_1191 = tpu.vector_load %arg9[%swap3A_1190] {strides = array<i32>} : memref<256xf32, #tpu.memory_space<vmem>>, vector<16xf32>,
      %swap3A_1192 = vector.shape_cast %swap3A_1191 : vector<16xf32> to vector<16xf32>
      %swap3A_1193 = vector.shape_cast %mul3A_1189 : vector<16xf32> to vector<16xf32>
      tpu.vector_store %arg9[%swap3A_1190], %swap3A_1193 {add = true, strides = array<i32>} : memref<256xf32, #tpu.memory_space<vmem>>, vector<16xf32>,
      %mul3A_1194 = arith.constant 4 : i32
      %mul3A_1195 = arith.muli %mul3A_1194, %scan3A_625 : i32
      %get3A_1196 = arith.index_cast %mul3A_1195 : i32 to index
      %get3A_1197 = arith.constant 96 : index
      %get3A_1198 = tpu.vector_load %arg5[%get3A_1196, %get3A_1197] {strides = array<i32>} : memref<128x256xf32, #tpu.memory_space<vmem>>, vector<1x16xf32>,
      %get3A_1199 = vector.shape_cast %get3A_1198 : vector<1x16xf32> to vector<16xf32>
      %mul3A_1200 = arith.constant 4 : i32
      %mul3A_1201 = arith.muli %mul3A_1200, %scan3A_625 : i32
      %add3A_1202 = arith.constant 1 : i32
      %add3A_1203 = arith.addi %mul3A_1201, %add3A_1202 : i32
      %get3A_1204 = arith.index_cast %add3A_1203 : i32 to index
      %get3A_1205 = arith.constant 96 : index
      %get3A_1206 = tpu.vector_load %arg5[%get3A_1204, %get3A_1205] {strides = array<i32>} : memref<128x256xf32, #tpu.memory_space<vmem>>, vector<1x16xf32>,
      %get3A_1207 = vector.shape_cast %get3A_1206 : vector<1x16xf32> to vector<16xf32>
      %mul3A_1208 = arith.constant 4 : i32
      %mul3A_1209 = arith.muli %mul3A_1208, %scan3A_625 : i32
      %add3A_1210 = arith.constant 2 : i32
      %add3A_1211 = arith.addi %mul3A_1209, %add3A_1210 : i32
      %get3A_1212 = arith.index_cast %add3A_1211 : i32 to index
      %get3A_1213 = arith.constant 96 : index
      %get3A_1214 = tpu.vector_load %arg5[%get3A_1212, %get3A_1213] {strides = array<i32>} : memref<128x256xf32, #tpu.memory_space<vmem>>, vector<1x16xf32>,
      %get3A_1215 = vector.shape_cast %get3A_1214 : vector<1x16xf32> to vector<16xf32>
      %mul3A_1216 = arith.constant 4 : i32
      %mul3A_1217 = arith.muli %mul3A_1216, %scan3A_625 : i32
      %add3A_1218 = arith.constant 3 : i32
      %add3A_1219 = arith.addi %mul3A_1217, %add3A_1218 : i32
      %get3A_1220 = arith.index_cast %add3A_1219 : i32 to index
      %get3A_1221 = arith.constant 96 : index
      %get3A_1222 = tpu.vector_load %arg5[%get3A_1220, %get3A_1221] {strides = array<i32>} : memref<128x256xf32, #tpu.memory_space<vmem>>, vector<1x16xf32>,
      %get3A_1223 = vector.shape_cast %get3A_1222 : vector<1x16xf32> to vector<16xf32>
      %mul3A_1224 = arith.mulf %get3A_634, %get3A_1199 : vector<16xf32>
      %mul3A_1225 = arith.mulf %get3A_645, %get3A_1207 : vector<16xf32>
      %add3A_1226 = arith.addf %mul3A_1224, %mul3A_1225 : vector<16xf32>
      %add3A_1227 = arith.addf %add3A_1226, %get3A_676 : vector<16xf32>
      %max3A_1228 = arith.maximumf %add3A_1227, %broadcast_in_dim3A_785 : vector<16xf32>
      %mul3A_1229 = arith.mulf %get3A_656, %get3A_1215 : vector<16xf32>
      %mul3A_1230 = arith.mulf %get3A_667, %get3A_1223 : vector<16xf32>
      %add3A_1231 = arith.addf %mul3A_1229, %mul3A_1230 : vector<16xf32>
      %add3A_1232 = arith.addf %add3A_1231, %get3A_687 : vector<16xf32>
      %max3A_1233 = arith.maximumf %add3A_1232, %broadcast_in_dim3A_785 : vector<16xf32>
      %mul3A_1234 = arith.mulf %get3A_738, %max3A_1228 : vector<16xf32>
      %mul3A_1235 = arith.mulf %get3A_749, %max3A_1233 : vector<16xf32>
      %add3A_1236 = arith.addf %mul3A_1234, %mul3A_1235 : vector<16xf32>
      %add3A_1237 = arith.addf %add3A_1236, %get3A_756 : vector<16xf32>
      %max3A_1238 = arith.maximumf %add3A_1237, %broadcast_in_dim3A_785 : vector<16xf32>
      %mul3A_1239 = arith.mulf %get3A_696, %get3A_1199 : vector<16xf32>
      %mul3A_1240 = arith.mulf %get3A_707, %get3A_1207 : vector<16xf32>
      %add3A_1241 = arith.addf %mul3A_1239, %mul3A_1240 : vector<16xf32>
      %mul3A_1242 = arith.mulf %get3A_718, %get3A_1215 : vector<16xf32>
      %add3A_1243 = arith.addf %add3A_1241, %mul3A_1242 : vector<16xf32>
      %mul3A_1244 = arith.mulf %get3A_729, %get3A_1223 : vector<16xf32>
      %add3A_1245 = arith.addf %add3A_1243, %mul3A_1244 : vector<16xf32>
      %swap3A_1246 = arith.constant 96 : index
      %swap3A_1247 = tpu.vector_load %arg7[%swap3A_1246] {strides = array<i32>} : memref<256xf32, #tpu.memory_space<vmem>>, vector<16xf32>,
      %swap3A_1248 = vector.shape_cast %swap3A_1247 : vector<16xf32> to vector<16xf32>
      %swap3A_1249 = vector.shape_cast %add3A_1245 : vector<16xf32> to vector<16xf32>
      tpu.vector_store %arg7[%swap3A_1246], %swap3A_1249 {add = true, strides = array<i32>} : memref<256xf32, #tpu.memory_space<vmem>>, vector<16xf32>,
      %mul3A_1250 = arith.mulf %get3A_765, %max3A_1228 : vector<16xf32>
      %mul3A_1251 = arith.mulf %get3A_776, %max3A_1233 : vector<16xf32>
      %add3A_1252 = arith.addf %mul3A_1250, %mul3A_1251 : vector<16xf32>
      %swap3A_1253 = arith.constant 96 : index
      %swap3A_1254 = tpu.vector_load %arg8[%swap3A_1253] {strides = array<i32>} : memref<256xf32, #tpu.memory_space<vmem>>, vector<16xf32>,
      %swap3A_1255 = vector.shape_cast %swap3A_1254 : vector<16xf32> to vector<16xf32>
      %swap3A_1256 = vector.shape_cast %add3A_1252 : vector<16xf32> to vector<16xf32>
      tpu.vector_store %arg8[%swap3A_1253], %swap3A_1256 {add = true, strides = array<i32>} : memref<256xf32, #tpu.memory_space<vmem>>, vector<16xf32>,
      %mul3A_1257 = arith.mulf %get3A_783, %max3A_1238 : vector<16xf32>
      %swap3A_1258 = arith.constant 96 : index
      %swap3A_1259 = tpu.vector_load %arg9[%swap3A_1258] {strides = array<i32>} : memref<256xf32, #tpu.memory_space<vmem>>, vector<16xf32>,
      %swap3A_1260 = vector.shape_cast %swap3A_1259 : vector<16xf32> to vector<16xf32>
      %swap3A_1261 = vector.shape_cast %mul3A_1257 : vector<16xf32> to vector<16xf32>
      tpu.vector_store %arg9[%swap3A_1258], %swap3A_1261 {add = true, strides = array<i32>} : memref<256xf32, #tpu.memory_space<vmem>>, vector<16xf32>,
      %mul3A_1262 = arith.constant 4 : i32
      %mul3A_1263 = arith.muli %mul3A_1262, %scan3A_625 : i32
      %get3A_1264 = arith.index_cast %mul3A_1263 : i32 to index
      %get3A_1265 = arith.constant 112 : index
      %get3A_1266 = tpu.vector_load %arg5[%get3A_1264, %get3A_1265] {strides = array<i32>} : memref<128x256xf32, #tpu.memory_space<vmem>>, vector<1x16xf32>,
      %get3A_1267 = vector.shape_cast %get3A_1266 : vector<1x16xf32> to vector<16xf32>
      %mul3A_1268 = arith.constant 4 : i32
      %mul3A_1269 = arith.muli %mul3A_1268, %scan3A_625 : i32
      %add3A_1270 = arith.constant 1 : i32
      %add3A_1271 = arith.addi %mul3A_1269, %add3A_1270 : i32
      %get3A_1272 = arith.index_cast %add3A_1271 : i32 to index
      %get3A_1273 = arith.constant 112 : index
      %get3A_1274 = tpu.vector_load %arg5[%get3A_1272, %get3A_1273] {strides = array<i32>} : memref<128x256xf32, #tpu.memory_space<vmem>>, vector<1x16xf32>,
      %get3A_1275 = vector.shape_cast %get3A_1274 : vector<1x16xf32> to vector<16xf32>
      %mul3A_1276 = arith.constant 4 : i32
      %mul3A_1277 = arith.muli %mul3A_1276, %scan3A_625 : i32
      %add3A_1278 = arith.constant 2 : i32
      %add3A_1279 = arith.addi %mul3A_1277, %add3A_1278 : i32
      %get3A_1280 = arith.index_cast %add3A_1279 : i32 to index
      %get3A_1281 = arith.constant 112 : index
      %get3A_1282 = tpu.vector_load %arg5[%get3A_1280, %get3A_1281] {strides = array<i32>} : memref<128x256xf32, #tpu.memory_space<vmem>>, vector<1x16xf32>,
      %get3A_1283 = vector.shape_cast %get3A_1282 : vector<1x16xf32> to vector<16xf32>
      %mul3A_1284 = arith.constant 4 : i32
      %mul3A_1285 = arith.muli %mul3A_1284, %scan3A_625 : i32
      %add3A_1286 = arith.constant 3 : i32
      %add3A_1287 = arith.addi %mul3A_1285, %add3A_1286 : i32
      %get3A_1288 = arith.index_cast %add3A_1287 : i32 to index
      %get3A_1289 = arith.constant 112 : index
      %get3A_1290 = tpu.vector_load %arg5[%get3A_1288, %get3A_1289] {strides = array<i32>} : memref<128x256xf32, #tpu.memory_space<vmem>>, vector<1x16xf32>,
      %get3A_1291 = vector.shape_cast %get3A_1290 : vector<1x16xf32> to vector<16xf32>
      %mul3A_1292 = arith.mulf %get3A_634, %get3A_1267 : vector<16xf32>
      %mul3A_1293 = arith.mulf %get3A_645, %get3A_1275 : vector<16xf32>
      %add3A_1294 = arith.addf %mul3A_1292, %mul3A_1293 : vector<16xf32>
      %add3A_1295 = arith.addf %add3A_1294, %get3A_676 : vector<16xf32>
      %max3A_1296 = arith.maximumf %add3A_1295, %broadcast_in_dim3A_785 : vector<16xf32>
      %mul3A_1297 = arith.mulf %get3A_656, %get3A_1283 : vector<16xf32>
      %mul3A_1298 = arith.mulf %get3A_667, %get3A_1291 : vector<16xf32>
      %add3A_1299 = arith.addf %mul3A_1297, %mul3A_1298 : vector<16xf32>
      %add3A_1300 = arith.addf %add3A_1299, %get3A_687 : vector<16xf32>
      %max3A_1301 = arith.maximumf %add3A_1300, %broadcast_in_dim3A_785 : vector<16xf32>
      %mul3A_1302 = arith.mulf %get3A_738, %max3A_1296 : vector<16xf32>
      %mul3A_1303 = arith.mulf %get3A_749, %max3A_1301 : vector<16xf32>
      %add3A_1304 = arith.addf %mul3A_1302, %mul3A_1303 : vector<16xf32>
      %add3A_1305 = arith.addf %add3A_1304, %get3A_756 : vector<16xf32>
      %max3A_1306 = arith.maximumf %add3A_1305, %broadcast_in_dim3A_785 : vector<16xf32>
      %mul3A_1307 = arith.mulf %get3A_696, %get3A_1267 : vector<16xf32>
      %mul3A_1308 = arith.mulf %get3A_707, %get3A_1275 : vector<16xf32>
      %add3A_1309 = arith.addf %mul3A_1307, %mul3A_1308 : vector<16xf32>
      %mul3A_1310 = arith.mulf %get3A_718, %get3A_1283 : vector<16xf32>
      %add3A_1311 = arith.addf %add3A_1309, %mul3A_1310 : vector<16xf32>
      %mul3A_1312 = arith.mulf %get3A_729, %get3A_1291 : vector<16xf32>
      %add3A_1313 = arith.addf %add3A_1311, %mul3A_1312 : vector<16xf32>
      %swap3A_1314 = arith.constant 112 : index
      %swap3A_1315 = tpu.vector_load %arg7[%swap3A_1314] {strides = array<i32>} : memref<256xf32, #tpu.memory_space<vmem>>, vector<16xf32>,
      %swap3A_1316 = vector.shape_cast %swap3A_1315 : vector<16xf32> to vector<16xf32>
      %swap3A_1317 = vector.shape_cast %add3A_1313 : vector<16xf32> to vector<16xf32>
      tpu.vector_store %arg7[%swap3A_1314], %swap3A_1317 {add = true, strides = array<i32>} : memref<256xf32, #tpu.memory_space<vmem>>, vector<16xf32>,
      %mul3A_1318 = arith.mulf %get3A_765, %max3A_1296 : vector<16xf32>
      %mul3A_1319 = arith.mulf %get3A_776, %max3A_1301 : vector<16xf32>
      %add3A_1320 = arith.addf %mul3A_1318, %mul3A_1319 : vector<16xf32>
      %swap3A_1321 = arith.constant 112 : index
      %swap3A_1322 = tpu.vector_load %arg8[%swap3A_1321] {strides = array<i32>} : memref<256xf32, #tpu.memory_space<vmem>>, vector<16xf32>,
      %swap3A_1323 = vector.shape_cast %swap3A_1322 : vector<16xf32> to vector<16xf32>
      %swap3A_1324 = vector.shape_cast %add3A_1320 : vector<16xf32> to vector<16xf32>
      tpu.vector_store %arg8[%swap3A_1321], %swap3A_1324 {add = true, strides = array<i32>} : memref<256xf32, #tpu.memory_space<vmem>>, vector<16xf32>,
      %mul3A_1325 = arith.mulf %get3A_783, %max3A_1306 : vector<16xf32>
      %swap3A_1326 = arith.constant 112 : index
      %swap3A_1327 = tpu.vector_load %arg9[%swap3A_1326] {strides = array<i32>} : memref<256xf32, #tpu.memory_space<vmem>>, vector<16xf32>,
      %swap3A_1328 = vector.shape_cast %swap3A_1327 : vector<16xf32> to vector<16xf32>
      %swap3A_1329 = vector.shape_cast %mul3A_1325 : vector<16xf32> to vector<16xf32>
      tpu.vector_store %arg9[%swap3A_1326], %swap3A_1329 {add = true, strides = array<i32>} : memref<256xf32, #tpu.memory_space<vmem>>, vector<16xf32>,
      %mul3A_1330 = arith.constant 4 : i32
      %mul3A_1331 = arith.muli %mul3A_1330, %scan3A_625 : i32
      %get3A_1332 = arith.index_cast %mul3A_1331 : i32 to index
      %get3A_1333 = arith.constant 128 : index
      %get3A_1334 = tpu.vector_load %arg5[%get3A_1332, %get3A_1333] {strides = array<i32>} : memref<128x256xf32, #tpu.memory_space<vmem>>, vector<1x16xf32>,
      %get3A_1335 = vector.shape_cast %get3A_1334 : vector<1x16xf32> to vector<16xf32>
      %mul3A_1336 = arith.constant 4 : i32
      %mul3A_1337 = arith.muli %mul3A_1336, %scan3A_625 : i32
      %add3A_1338 = arith.constant 1 : i32
      %add3A_1339 = arith.addi %mul3A_1337, %add3A_1338 : i32
      %get3A_1340 = arith.index_cast %add3A_1339 : i32 to index
      %get3A_1341 = arith.constant 128 : index
      %get3A_1342 = tpu.vector_load %arg5[%get3A_1340, %get3A_1341] {strides = array<i32>} : memref<128x256xf32, #tpu.memory_space<vmem>>, vector<1x16xf32>,
      %get3A_1343 = vector.shape_cast %get3A_1342 : vector<1x16xf32> to vector<16xf32>
      %mul3A_1344 = arith.constant 4 : i32
      %mul3A_1345 = arith.muli %mul3A_1344, %scan3A_625 : i32
      %add3A_1346 = arith.constant 2 : i32
      %add3A_1347 = arith.addi %mul3A_1345, %add3A_1346 : i32
      %get3A_1348 = arith.index_cast %add3A_1347 : i32 to index
      %get3A_1349 = arith.constant 128 : index
      %get3A_1350 = tpu.vector_load %arg5[%get3A_1348, %get3A_1349] {strides = array<i32>} : memref<128x256xf32, #tpu.memory_space<vmem>>, vector<1x16xf32>,
      %get3A_1351 = vector.shape_cast %get3A_1350 : vector<1x16xf32> to vector<16xf32>
      %mul3A_1352 = arith.constant 4 : i32
      %mul3A_1353 = arith.muli %mul3A_1352, %scan3A_625 : i32
      %add3A_1354 = arith.constant 3 : i32
      %add3A_1355 = arith.addi %mul3A_1353, %add3A_1354 : i32
      %get3A_1356 = arith.index_cast %add3A_1355 : i32 to index
      %get3A_1357 = arith.constant 128 : index
      %get3A_1358 = tpu.vector_load %arg5[%get3A_1356, %get3A_1357] {strides = array<i32>} : memref<128x256xf32, #tpu.memory_space<vmem>>, vector<1x16xf32>,
      %get3A_1359 = vector.shape_cast %get3A_1358 : vector<1x16xf32> to vector<16xf32>
      %mul3A_1360 = arith.mulf %get3A_634, %get3A_1335 : vector<16xf32>
      %mul3A_1361 = arith.mulf %get3A_645, %get3A_1343 : vector<16xf32>
      %add3A_1362 = arith.addf %mul3A_1360, %mul3A_1361 : vector<16xf32>
      %add3A_1363 = arith.addf %add3A_1362, %get3A_676 : vector<16xf32>
      %max3A_1364 = arith.maximumf %add3A_1363, %broadcast_in_dim3A_785 : vector<16xf32>
      %mul3A_1365 = arith.mulf %get3A_656, %get3A_1351 : vector<16xf32>
      %mul3A_1366 = arith.mulf %get3A_667, %get3A_1359 : vector<16xf32>
      %add3A_1367 = arith.addf %mul3A_1365, %mul3A_1366 : vector<16xf32>
      %add3A_1368 = arith.addf %add3A_1367, %get3A_687 : vector<16xf32>
      %max3A_1369 = arith.maximumf %add3A_1368, %broadcast_in_dim3A_785 : vector<16xf32>
      %mul3A_1370 = arith.mulf %get3A_738, %max3A_1364 : vector<16xf32>
      %mul3A_1371 = arith.mulf %get3A_749, %max3A_1369 : vector<16xf32>
      %add3A_1372 = arith.addf %mul3A_1370, %mul3A_1371 : vector<16xf32>
      %add3A_1373 = arith.addf %add3A_1372, %get3A_756 : vector<16xf32>
      %max3A_1374 = arith.maximumf %add3A_1373, %broadcast_in_dim3A_785 : vector<16xf32>
      %mul3A_1375 = arith.mulf %get3A_696, %get3A_1335 : vector<16xf32>
      %mul3A_1376 = arith.mulf %get3A_707, %get3A_1343 : vector<16xf32>
      %add3A_1377 = arith.addf %mul3A_1375, %mul3A_1376 : vector<16xf32>
      %mul3A_1378 = arith.mulf %get3A_718, %get3A_1351 : vector<16xf32>
      %add3A_1379 = arith.addf %add3A_1377, %mul3A_1378 : vector<16xf32>
      %mul3A_1380 = arith.mulf %get3A_729, %get3A_1359 : vector<16xf32>
      %add3A_1381 = arith.addf %add3A_1379, %mul3A_1380 : vector<16xf32>
      %swap3A_1382 = arith.constant 128 : index
      %swap3A_1383 = tpu.vector_load %arg7[%swap3A_1382] {strides = array<i32>} : memref<256xf32, #tpu.memory_space<vmem>>, vector<16xf32>,
      %swap3A_1384 = vector.shape_cast %swap3A_1383 : vector<16xf32> to vector<16xf32>
      %swap3A_1385 = vector.shape_cast %add3A_1381 : vector<16xf32> to vector<16xf32>
      tpu.vector_store %arg7[%swap3A_1382], %swap3A_1385 {add = true, strides = array<i32>} : memref<256xf32, #tpu.memory_space<vmem>>, vector<16xf32>,
      %mul3A_1386 = arith.mulf %get3A_765, %max3A_1364 : vector<16xf32>
      %mul3A_1387 = arith.mulf %get3A_776, %max3A_1369 : vector<16xf32>
      %add3A_1388 = arith.addf %mul3A_1386, %mul3A_1387 : vector<16xf32>
      %swap3A_1389 = arith.constant 128 : index
      %swap3A_1390 = tpu.vector_load %arg8[%swap3A_1389] {strides = array<i32>} : memref<256xf32, #tpu.memory_space<vmem>>, vector<16xf32>,
      %swap3A_1391 = vector.shape_cast %swap3A_1390 : vector<16xf32> to vector<16xf32>
      %swap3A_1392 = vector.shape_cast %add3A_1388 : vector<16xf32> to vector<16xf32>
      tpu.vector_store %arg8[%swap3A_1389], %swap3A_1392 {add = true, strides = array<i32>} : memref<256xf32, #tpu.memory_space<vmem>>, vector<16xf32>,
      %mul3A_1393 = arith.mulf %get3A_783, %max3A_1374 : vector<16xf32>
      %swap3A_1394 = arith.constant 128 : index
      %swap3A_1395 = tpu.vector_load %arg9[%swap3A_1394] {strides = array<i32>} : memref<256xf32, #tpu.memory_space<vmem>>, vector<16xf32>,
      %swap3A_1396 = vector.shape_cast %swap3A_1395 : vector<16xf32> to vector<16xf32>
      %swap3A_1397 = vector.shape_cast %mul3A_1393 : vector<16xf32> to vector<16xf32>
      tpu.vector_store %arg9[%swap3A_1394], %swap3A_1397 {add = true, strides = array<i32>} : memref<256xf32, #tpu.memory_space<vmem>>, vector<16xf32>,
      %mul3A_1398 = arith.constant 4 : i32
      %mul3A_1399 = arith.muli %mul3A_1398, %scan3A_625 : i32
      %get3A_1400 = arith.index_cast %mul3A_1399 : i32 to index
      %get3A_1401 = arith.constant 144 : index
      %get3A_1402 = tpu.vector_load %arg5[%get3A_1400, %get3A_1401] {strides = array<i32>} : memref<128x256xf32, #tpu.memory_space<vmem>>, vector<1x16xf32>,
      %get3A_1403 = vector.shape_cast %get3A_1402 : vector<1x16xf32> to vector<16xf32>
      %mul3A_1404 = arith.constant 4 : i32
      %mul3A_1405 = arith.muli %mul3A_1404, %scan3A_625 : i32
      %add3A_1406 = arith.constant 1 : i32
      %add3A_1407 = arith.addi %mul3A_1405, %add3A_1406 : i32
      %get3A_1408 = arith.index_cast %add3A_1407 : i32 to index
      %get3A_1409 = arith.constant 144 : index
      %get3A_1410 = tpu.vector_load %arg5[%get3A_1408, %get3A_1409] {strides = array<i32>} : memref<128x256xf32, #tpu.memory_space<vmem>>, vector<1x16xf32>,
      %get3A_1411 = vector.shape_cast %get3A_1410 : vector<1x16xf32> to vector<16xf32>
      %mul3A_1412 = arith.constant 4 : i32
      %mul3A_1413 = arith.muli %mul3A_1412, %scan3A_625 : i32
      %add3A_1414 = arith.constant 2 : i32
      %add3A_1415 = arith.addi %mul3A_1413, %add3A_1414 : i32
      %get3A_1416 = arith.index_cast %add3A_1415 : i32 to index
      %get3A_1417 = arith.constant 144 : index
      %get3A_1418 = tpu.vector_load %arg5[%get3A_1416, %get3A_1417] {strides = array<i32>} : memref<128x256xf32, #tpu.memory_space<vmem>>, vector<1x16xf32>,
      %get3A_1419 = vector.shape_cast %get3A_1418 : vector<1x16xf32> to vector<16xf32>
      %mul3A_1420 = arith.constant 4 : i32
      %mul3A_1421 = arith.muli %mul3A_1420, %scan3A_625 : i32
      %add3A_1422 = arith.constant 3 : i32
      %add3A_1423 = arith.addi %mul3A_1421, %add3A_1422 : i32
      %get3A_1424 = arith.index_cast %add3A_1423 : i32 to index
      %get3A_1425 = arith.constant 144 : index
      %get3A_1426 = tpu.vector_load %arg5[%get3A_1424, %get3A_1425] {strides = array<i32>} : memref<128x256xf32, #tpu.memory_space<vmem>>, vector<1x16xf32>,
      %get3A_1427 = vector.shape_cast %get3A_1426 : vector<1x16xf32> to vector<16xf32>
      %mul3A_1428 = arith.mulf %get3A_634, %get3A_1403 : vector<16xf32>
      %mul3A_1429 = arith.mulf %get3A_645, %get3A_1411 : vector<16xf32>
      %add3A_1430 = arith.addf %mul3A_1428, %mul3A_1429 : vector<16xf32>
      %add3A_1431 = arith.addf %add3A_1430, %get3A_676 : vector<16xf32>
      %max3A_1432 = arith.maximumf %add3A_1431, %broadcast_in_dim3A_785 : vector<16xf32>
      %mul3A_1433 = arith.mulf %get3A_656, %get3A_1419 : vector<16xf32>
      %mul3A_1434 = arith.mulf %get3A_667, %get3A_1427 : vector<16xf32>
      %add3A_1435 = arith.addf %mul3A_1433, %mul3A_1434 : vector<16xf32>
      %add3A_1436 = arith.addf %add3A_1435, %get3A_687 : vector<16xf32>
      %max3A_1437 = arith.maximumf %add3A_1436, %broadcast_in_dim3A_785 : vector<16xf32>
      %mul3A_1438 = arith.mulf %get3A_738, %max3A_1432 : vector<16xf32>
      %mul3A_1439 = arith.mulf %get3A_749, %max3A_1437 : vector<16xf32>
      %add3A_1440 = arith.addf %mul3A_1438, %mul3A_1439 : vector<16xf32>
      %add3A_1441 = arith.addf %add3A_1440, %get3A_756 : vector<16xf32>
      %max3A_1442 = arith.maximumf %add3A_1441, %broadcast_in_dim3A_785 : vector<16xf32>
      %mul3A_1443 = arith.mulf %get3A_696, %get3A_1403 : vector<16xf32>
      %mul3A_1444 = arith.mulf %get3A_707, %get3A_1411 : vector<16xf32>
      %add3A_1445 = arith.addf %mul3A_1443, %mul3A_1444 : vector<16xf32>
      %mul3A_1446 = arith.mulf %get3A_718, %get3A_1419 : vector<16xf32>
      %add3A_1447 = arith.addf %add3A_1445, %mul3A_1446 : vector<16xf32>
      %mul3A_1448 = arith.mulf %get3A_729, %get3A_1427 : vector<16xf32>
      %add3A_1449 = arith.addf %add3A_1447, %mul3A_1448 : vector<16xf32>
      %swap3A_1450 = arith.constant 144 : index
      %swap3A_1451 = tpu.vector_load %arg7[%swap3A_1450] {strides = array<i32>} : memref<256xf32, #tpu.memory_space<vmem>>, vector<16xf32>,
      %swap3A_1452 = vector.shape_cast %swap3A_1451 : vector<16xf32> to vector<16xf32>
      %swap3A_1453 = vector.shape_cast %add3A_1449 : vector<16xf32> to vector<16xf32>
      tpu.vector_store %arg7[%swap3A_1450], %swap3A_1453 {add = true, strides = array<i32>} : memref<256xf32, #tpu.memory_space<vmem>>, vector<16xf32>,
      %mul3A_1454 = arith.mulf %get3A_765, %max3A_1432 : vector<16xf32>
      %mul3A_1455 = arith.mulf %get3A_776, %max3A_1437 : vector<16xf32>
      %add3A_1456 = arith.addf %mul3A_1454, %mul3A_1455 : vector<16xf32>
      %swap3A_1457 = arith.constant 144 : index
      %swap3A_1458 = tpu.vector_load %arg8[%swap3A_1457] {strides = array<i32>} : memref<256xf32, #tpu.memory_space<vmem>>, vector<16xf32>,
      %swap3A_1459 = vector.shape_cast %swap3A_1458 : vector<16xf32> to vector<16xf32>
      %swap3A_1460 = vector.shape_cast %add3A_1456 : vector<16xf32> to vector<16xf32>
      tpu.vector_store %arg8[%swap3A_1457], %swap3A_1460 {add = true, strides = array<i32>} : memref<256xf32, #tpu.memory_space<vmem>>, vector<16xf32>,
      %mul3A_1461 = arith.mulf %get3A_783, %max3A_1442 : vector<16xf32>
      %swap3A_1462 = arith.constant 144 : index
      %swap3A_1463 = tpu.vector_load %arg9[%swap3A_1462] {strides = array<i32>} : memref<256xf32, #tpu.memory_space<vmem>>, vector<16xf32>,
      %swap3A_1464 = vector.shape_cast %swap3A_1463 : vector<16xf32> to vector<16xf32>
      %swap3A_1465 = vector.shape_cast %mul3A_1461 : vector<16xf32> to vector<16xf32>
      tpu.vector_store %arg9[%swap3A_1462], %swap3A_1465 {add = true, strides = array<i32>} : memref<256xf32, #tpu.memory_space<vmem>>, vector<16xf32>,
      %mul3A_1466 = arith.constant 4 : i32
      %mul3A_1467 = arith.muli %mul3A_1466, %scan3A_625 : i32
      %get3A_1468 = arith.index_cast %mul3A_1467 : i32 to index
      %get3A_1469 = arith.constant 160 : index
      %get3A_1470 = tpu.vector_load %arg5[%get3A_1468, %get3A_1469] {strides = array<i32>} : memref<128x256xf32, #tpu.memory_space<vmem>>, vector<1x16xf32>,
      %get3A_1471 = vector.shape_cast %get3A_1470 : vector<1x16xf32> to vector<16xf32>
      %mul3A_1472 = arith.constant 4 : i32
      %mul3A_1473 = arith.muli %mul3A_1472, %scan3A_625 : i32
      %add3A_1474 = arith.constant 1 : i32
      %add3A_1475 = arith.addi %mul3A_1473, %add3A_1474 : i32
      %get3A_1476 = arith.index_cast %add3A_1475 : i32 to index
      %get3A_1477 = arith.constant 160 : index
      %get3A_1478 = tpu.vector_load %arg5[%get3A_1476, %get3A_1477] {strides = array<i32>} : memref<128x256xf32, #tpu.memory_space<vmem>>, vector<1x16xf32>,
      %get3A_1479 = vector.shape_cast %get3A_1478 : vector<1x16xf32> to vector<16xf32>
      %mul3A_1480 = arith.constant 4 : i32
      %mul3A_1481 = arith.muli %mul3A_1480, %scan3A_625 : i32
      %add3A_1482 = arith.constant 2 : i32
      %add3A_1483 = arith.addi %mul3A_1481, %add3A_1482 : i32
      %get3A_1484 = arith.index_cast %add3A_1483 : i32 to index
      %get3A_1485 = arith.constant 160 : index
      %get3A_1486 = tpu.vector_load %arg5[%get3A_1484, %get3A_1485] {strides = array<i32>} : memref<128x256xf32, #tpu.memory_space<vmem>>, vector<1x16xf32>,
      %get3A_1487 = vector.shape_cast %get3A_1486 : vector<1x16xf32> to vector<16xf32>
      %mul3A_1488 = arith.constant 4 : i32
      %mul3A_1489 = arith.muli %mul3A_1488, %scan3A_625 : i32
      %add3A_1490 = arith.constant 3 : i32
      %add3A_1491 = arith.addi %mul3A_1489, %add3A_1490 : i32
      %get3A_1492 = arith.index_cast %add3A_1491 : i32 to index
      %get3A_1493 = arith.constant 160 : index
      %get3A_1494 = tpu.vector_load %arg5[%get3A_1492, %get3A_1493] {strides = array<i32>} : memref<128x256xf32, #tpu.memory_space<vmem>>, vector<1x16xf32>,
      %get3A_1495 = vector.shape_cast %get3A_1494 : vector<1x16xf32> to vector<16xf32>
      %mul3A_1496 = arith.mulf %get3A_634, %get3A_1471 : vector<16xf32>
      %mul3A_1497 = arith.mulf %get3A_645, %get3A_1479 : vector<16xf32>
      %add3A_1498 = arith.addf %mul3A_1496, %mul3A_1497 : vector<16xf32>
      %add3A_1499 = arith.addf %add3A_1498, %get3A_676 : vector<16xf32>
      %max3A_1500 = arith.maximumf %add3A_1499, %broadcast_in_dim3A_785 : vector<16xf32>
      %mul3A_1501 = arith.mulf %get3A_656, %get3A_1487 : vector<16xf32>
      %mul3A_1502 = arith.mulf %get3A_667, %get3A_1495 : vector<16xf32>
      %add3A_1503 = arith.addf %mul3A_1501, %mul3A_1502 : vector<16xf32>
      %add3A_1504 = arith.addf %add3A_1503, %get3A_687 : vector<16xf32>
      %max3A_1505 = arith.maximumf %add3A_1504, %broadcast_in_dim3A_785 : vector<16xf32>
      %mul3A_1506 = arith.mulf %get3A_738, %max3A_1500 : vector<16xf32>
      %mul3A_1507 = arith.mulf %get3A_749, %max3A_1505 : vector<16xf32>
      %add3A_1508 = arith.addf %mul3A_1506, %mul3A_1507 : vector<16xf32>
      %add3A_1509 = arith.addf %add3A_1508, %get3A_756 : vector<16xf32>
      %max3A_1510 = arith.maximumf %add3A_1509, %broadcast_in_dim3A_785 : vector<16xf32>
      %mul3A_1511 = arith.mulf %get3A_696, %get3A_1471 : vector<16xf32>
      %mul3A_1512 = arith.mulf %get3A_707, %get3A_1479 : vector<16xf32>
      %add3A_1513 = arith.addf %mul3A_1511, %mul3A_1512 : vector<16xf32>
      %mul3A_1514 = arith.mulf %get3A_718, %get3A_1487 : vector<16xf32>
      %add3A_1515 = arith.addf %add3A_1513, %mul3A_1514 : vector<16xf32>
      %mul3A_1516 = arith.mulf %get3A_729, %get3A_1495 : vector<16xf32>
      %add3A_1517 = arith.addf %add3A_1515, %mul3A_1516 : vector<16xf32>
      %swap3A_1518 = arith.constant 160 : index
      %swap3A_1519 = tpu.vector_load %arg7[%swap3A_1518] {strides = array<i32>} : memref<256xf32, #tpu.memory_space<vmem>>, vector<16xf32>,
      %swap3A_1520 = vector.shape_cast %swap3A_1519 : vector<16xf32> to vector<16xf32>
      %swap3A_1521 = vector.shape_cast %add3A_1517 : vector<16xf32> to vector<16xf32>
      tpu.vector_store %arg7[%swap3A_1518], %swap3A_1521 {add = true, strides = array<i32>} : memref<256xf32, #tpu.memory_space<vmem>>, vector<16xf32>,
      %mul3A_1522 = arith.mulf %get3A_765, %max3A_1500 : vector<16xf32>
      %mul3A_1523 = arith.mulf %get3A_776, %max3A_1505 : vector<16xf32>
      %add3A_1524 = arith.addf %mul3A_1522, %mul3A_1523 : vector<16xf32>
      %swap3A_1525 = arith.constant 160 : index
      %swap3A_1526 = tpu.vector_load %arg8[%swap3A_1525] {strides = array<i32>} : memref<256xf32, #tpu.memory_space<vmem>>, vector<16xf32>,
      %swap3A_1527 = vector.shape_cast %swap3A_1526 : vector<16xf32> to vector<16xf32>
      %swap3A_1528 = vector.shape_cast %add3A_1524 : vector<16xf32> to vector<16xf32>
      tpu.vector_store %arg8[%swap3A_1525], %swap3A_1528 {add = true, strides = array<i32>} : memref<256xf32, #tpu.memory_space<vmem>>, vector<16xf32>,
      %mul3A_1529 = arith.mulf %get3A_783, %max3A_1510 : vector<16xf32>
      %swap3A_1530 = arith.constant 160 : index
      %swap3A_1531 = tpu.vector_load %arg9[%swap3A_1530] {strides = array<i32>} : memref<256xf32, #tpu.memory_space<vmem>>, vector<16xf32>,
      %swap3A_1532 = vector.shape_cast %swap3A_1531 : vector<16xf32> to vector<16xf32>
      %swap3A_1533 = vector.shape_cast %mul3A_1529 : vector<16xf32> to vector<16xf32>
      tpu.vector_store %arg9[%swap3A_1530], %swap3A_1533 {add = true, strides = array<i32>} : memref<256xf32, #tpu.memory_space<vmem>>, vector<16xf32>,
      %mul3A_1534 = arith.constant 4 : i32
      %mul3A_1535 = arith.muli %mul3A_1534, %scan3A_625 : i32
      %get3A_1536 = arith.index_cast %mul3A_1535 : i32 to index
      %get3A_1537 = arith.constant 176 : index
      %get3A_1538 = tpu.vector_load %arg5[%get3A_1536, %get3A_1537] {strides = array<i32>} : memref<128x256xf32, #tpu.memory_space<vmem>>, vector<1x16xf32>,
      %get3A_1539 = vector.shape_cast %get3A_1538 : vector<1x16xf32> to vector<16xf32>
      %mul3A_1540 = arith.constant 4 : i32
      %mul3A_1541 = arith.muli %mul3A_1540, %scan3A_625 : i32
      %add3A_1542 = arith.constant 1 : i32
      %add3A_1543 = arith.addi %mul3A_1541, %add3A_1542 : i32
      %get3A_1544 = arith.index_cast %add3A_1543 : i32 to index
      %get3A_1545 = arith.constant 176 : index
      %get3A_1546 = tpu.vector_load %arg5[%get3A_1544, %get3A_1545] {strides = array<i32>} : memref<128x256xf32, #tpu.memory_space<vmem>>, vector<1x16xf32>,
      %get3A_1547 = vector.shape_cast %get3A_1546 : vector<1x16xf32> to vector<16xf32>
      %mul3A_1548 = arith.constant 4 : i32
      %mul3A_1549 = arith.muli %mul3A_1548, %scan3A_625 : i32
      %add3A_1550 = arith.constant 2 : i32
      %add3A_1551 = arith.addi %mul3A_1549, %add3A_1550 : i32
      %get3A_1552 = arith.index_cast %add3A_1551 : i32 to index
      %get3A_1553 = arith.constant 176 : index
      %get3A_1554 = tpu.vector_load %arg5[%get3A_1552, %get3A_1553] {strides = array<i32>} : memref<128x256xf32, #tpu.memory_space<vmem>>, vector<1x16xf32>,
      %get3A_1555 = vector.shape_cast %get3A_1554 : vector<1x16xf32> to vector<16xf32>
      %mul3A_1556 = arith.constant 4 : i32
      %mul3A_1557 = arith.muli %mul3A_1556, %scan3A_625 : i32
      %add3A_1558 = arith.constant 3 : i32
      %add3A_1559 = arith.addi %mul3A_1557, %add3A_1558 : i32
      %get3A_1560 = arith.index_cast %add3A_1559 : i32 to index
      %get3A_1561 = arith.constant 176 : index
      %get3A_1562 = tpu.vector_load %arg5[%get3A_1560, %get3A_1561] {strides = array<i32>} : memref<128x256xf32, #tpu.memory_space<vmem>>, vector<1x16xf32>,
      %get3A_1563 = vector.shape_cast %get3A_1562 : vector<1x16xf32> to vector<16xf32>
      %mul3A_1564 = arith.mulf %get3A_634, %get3A_1539 : vector<16xf32>
      %mul3A_1565 = arith.mulf %get3A_645, %get3A_1547 : vector<16xf32>
      %add3A_1566 = arith.addf %mul3A_1564, %mul3A_1565 : vector<16xf32>
      %add3A_1567 = arith.addf %add3A_1566, %get3A_676 : vector<16xf32>
      %max3A_1568 = arith.maximumf %add3A_1567, %broadcast_in_dim3A_785 : vector<16xf32>
      %mul3A_1569 = arith.mulf %get3A_656, %get3A_1555 : vector<16xf32>
      %mul3A_1570 = arith.mulf %get3A_667, %get3A_1563 : vector<16xf32>
      %add3A_1571 = arith.addf %mul3A_1569, %mul3A_1570 : vector<16xf32>
      %add3A_1572 = arith.addf %add3A_1571, %get3A_687 : vector<16xf32>
      %max3A_1573 = arith.maximumf %add3A_1572, %broadcast_in_dim3A_785 : vector<16xf32>
      %mul3A_1574 = arith.mulf %get3A_738, %max3A_1568 : vector<16xf32>
      %mul3A_1575 = arith.mulf %get3A_749, %max3A_1573 : vector<16xf32>
      %add3A_1576 = arith.addf %mul3A_1574, %mul3A_1575 : vector<16xf32>
      %add3A_1577 = arith.addf %add3A_1576, %get3A_756 : vector<16xf32>
      %max3A_1578 = arith.maximumf %add3A_1577, %broadcast_in_dim3A_785 : vector<16xf32>
      %mul3A_1579 = arith.mulf %get3A_696, %get3A_1539 : vector<16xf32>
      %mul3A_1580 = arith.mulf %get3A_707, %get3A_1547 : vector<16xf32>
      %add3A_1581 = arith.addf %mul3A_1579, %mul3A_1580 : vector<16xf32>
      %mul3A_1582 = arith.mulf %get3A_718, %get3A_1555 : vector<16xf32>
      %add3A_1583 = arith.addf %add3A_1581, %mul3A_1582 : vector<16xf32>
      %mul3A_1584 = arith.mulf %get3A_729, %get3A_1563 : vector<16xf32>
      %add3A_1585 = arith.addf %add3A_1583, %mul3A_1584 : vector<16xf32>
      %swap3A_1586 = arith.constant 176 : index
      %swap3A_1587 = tpu.vector_load %arg7[%swap3A_1586] {strides = array<i32>} : memref<256xf32, #tpu.memory_space<vmem>>, vector<16xf32>,
      %swap3A_1588 = vector.shape_cast %swap3A_1587 : vector<16xf32> to vector<16xf32>
      %swap3A_1589 = vector.shape_cast %add3A_1585 : vector<16xf32> to vector<16xf32>
      tpu.vector_store %arg7[%swap3A_1586], %swap3A_1589 {add = true, strides = array<i32>} : memref<256xf32, #tpu.memory_space<vmem>>, vector<16xf32>,
      %mul3A_1590 = arith.mulf %get3A_765, %max3A_1568 : vector<16xf32>
      %mul3A_1591 = arith.mulf %get3A_776, %max3A_1573 : vector<16xf32>
      %add3A_1592 = arith.addf %mul3A_1590, %mul3A_1591 : vector<16xf32>
      %swap3A_1593 = arith.constant 176 : index
      %swap3A_1594 = tpu.vector_load %arg8[%swap3A_1593] {strides = array<i32>} : memref<256xf32, #tpu.memory_space<vmem>>, vector<16xf32>,
      %swap3A_1595 = vector.shape_cast %swap3A_1594 : vector<16xf32> to vector<16xf32>
      %swap3A_1596 = vector.shape_cast %add3A_1592 : vector<16xf32> to vector<16xf32>
      tpu.vector_store %arg8[%swap3A_1593], %swap3A_1596 {add = true, strides = array<i32>} : memref<256xf32, #tpu.memory_space<vmem>>, vector<16xf32>,
      %mul3A_1597 = arith.mulf %get3A_783, %max3A_1578 : vector<16xf32>
      %swap3A_1598 = arith.constant 176 : index
      %swap3A_1599 = tpu.vector_load %arg9[%swap3A_1598] {strides = array<i32>} : memref<256xf32, #tpu.memory_space<vmem>>, vector<16xf32>,
      %swap3A_1600 = vector.shape_cast %swap3A_1599 : vector<16xf32> to vector<16xf32>
      %swap3A_1601 = vector.shape_cast %mul3A_1597 : vector<16xf32> to vector<16xf32>
      tpu.vector_store %arg9[%swap3A_1598], %swap3A_1601 {add = true, strides = array<i32>} : memref<256xf32, #tpu.memory_space<vmem>>, vector<16xf32>,
      %mul3A_1602 = arith.constant 4 : i32
      %mul3A_1603 = arith.muli %mul3A_1602, %scan3A_625 : i32
      %get3A_1604 = arith.index_cast %mul3A_1603 : i32 to index
      %get3A_1605 = arith.constant 192 : index
      %get3A_1606 = tpu.vector_load %arg5[%get3A_1604, %get3A_1605] {strides = array<i32>} : memref<128x256xf32, #tpu.memory_space<vmem>>, vector<1x16xf32>,
      %get3A_1607 = vector.shape_cast %get3A_1606 : vector<1x16xf32> to vector<16xf32>
      %mul3A_1608 = arith.constant 4 : i32
      %mul3A_1609 = arith.muli %mul3A_1608, %scan3A_625 : i32
      %add3A_1610 = arith.constant 1 : i32
      %add3A_1611 = arith.addi %mul3A_1609, %add3A_1610 : i32
      %get3A_1612 = arith.index_cast %add3A_1611 : i32 to index
      %get3A_1613 = arith.constant 192 : index
      %get3A_1614 = tpu.vector_load %arg5[%get3A_1612, %get3A_1613] {strides = array<i32>} : memref<128x256xf32, #tpu.memory_space<vmem>>, vector<1x16xf32>,
      %get3A_1615 = vector.shape_cast %get3A_1614 : vector<1x16xf32> to vector<16xf32>
      %mul3A_1616 = arith.constant 4 : i32
      %mul3A_1617 = arith.muli %mul3A_1616, %scan3A_625 : i32
      %add3A_1618 = arith.constant 2 : i32
      %add3A_1619 = arith.addi %mul3A_1617, %add3A_1618 : i32
      %get3A_1620 = arith.index_cast %add3A_1619 : i32 to index
      %get3A_1621 = arith.constant 192 : index
      %get3A_1622 = tpu.vector_load %arg5[%get3A_1620, %get3A_1621] {strides = array<i32>} : memref<128x256xf32, #tpu.memory_space<vmem>>, vector<1x16xf32>,
      %get3A_1623 = vector.shape_cast %get3A_1622 : vector<1x16xf32> to vector<16xf32>
      %mul3A_1624 = arith.constant 4 : i32
      %mul3A_1625 = arith.muli %mul3A_1624, %scan3A_625 : i32
      %add3A_1626 = arith.constant 3 : i32
      %add3A_1627 = arith.addi %mul3A_1625, %add3A_1626 : i32
      %get3A_1628 = arith.index_cast %add3A_1627 : i32 to index
      %get3A_1629 = arith.constant 192 : index
      %get3A_1630 = tpu.vector_load %arg5[%get3A_1628, %get3A_1629] {strides = array<i32>} : memref<128x256xf32, #tpu.memory_space<vmem>>, vector<1x16xf32>,
      %get3A_1631 = vector.shape_cast %get3A_1630 : vector<1x16xf32> to vector<16xf32>
      %mul3A_1632 = arith.mulf %get3A_634, %get3A_1607 : vector<16xf32>
      %mul3A_1633 = arith.mulf %get3A_645, %get3A_1615 : vector<16xf32>
      %add3A_1634 = arith.addf %mul3A_1632, %mul3A_1633 : vector<16xf32>
      %add3A_1635 = arith.addf %add3A_1634, %get3A_676 : vector<16xf32>
      %max3A_1636 = arith.maximumf %add3A_1635, %broadcast_in_dim3A_785 : vector<16xf32>
      %mul3A_1637 = arith.mulf %get3A_656, %get3A_1623 : vector<16xf32>
      %mul3A_1638 = arith.mulf %get3A_667, %get3A_1631 : vector<16xf32>
      %add3A_1639 = arith.addf %mul3A_1637, %mul3A_1638 : vector<16xf32>
      %add3A_1640 = arith.addf %add3A_1639, %get3A_687 : vector<16xf32>
      %max3A_1641 = arith.maximumf %add3A_1640, %broadcast_in_dim3A_785 : vector<16xf32>
      %mul3A_1642 = arith.mulf %get3A_738, %max3A_1636 : vector<16xf32>
      %mul3A_1643 = arith.mulf %get3A_749, %max3A_1641 : vector<16xf32>
      %add3A_1644 = arith.addf %mul3A_1642, %mul3A_1643 : vector<16xf32>
      %add3A_1645 = arith.addf %add3A_1644, %get3A_756 : vector<16xf32>
      %max3A_1646 = arith.maximumf %add3A_1645, %broadcast_in_dim3A_785 : vector<16xf32>
      %mul3A_1647 = arith.mulf %get3A_696, %get3A_1607 : vector<16xf32>
      %mul3A_1648 = arith.mulf %get3A_707, %get3A_1615 : vector<16xf32>
      %add3A_1649 = arith.addf %mul3A_1647, %mul3A_1648 : vector<16xf32>
      %mul3A_1650 = arith.mulf %get3A_718, %get3A_1623 : vector<16xf32>
      %add3A_1651 = arith.addf %add3A_1649, %mul3A_1650 : vector<16xf32>
      %mul3A_1652 = arith.mulf %get3A_729, %get3A_1631 : vector<16xf32>
      %add3A_1653 = arith.addf %add3A_1651, %mul3A_1652 : vector<16xf32>
      %swap3A_1654 = arith.constant 192 : index
      %swap3A_1655 = tpu.vector_load %arg7[%swap3A_1654] {strides = array<i32>} : memref<256xf32, #tpu.memory_space<vmem>>, vector<16xf32>,
      %swap3A_1656 = vector.shape_cast %swap3A_1655 : vector<16xf32> to vector<16xf32>
      %swap3A_1657 = vector.shape_cast %add3A_1653 : vector<16xf32> to vector<16xf32>
      tpu.vector_store %arg7[%swap3A_1654], %swap3A_1657 {add = true, strides = array<i32>} : memref<256xf32, #tpu.memory_space<vmem>>, vector<16xf32>,
      %mul3A_1658 = arith.mulf %get3A_765, %max3A_1636 : vector<16xf32>
      %mul3A_1659 = arith.mulf %get3A_776, %max3A_1641 : vector<16xf32>
      %add3A_1660 = arith.addf %mul3A_1658, %mul3A_1659 : vector<16xf32>
      %swap3A_1661 = arith.constant 192 : index
      %swap3A_1662 = tpu.vector_load %arg8[%swap3A_1661] {strides = array<i32>} : memref<256xf32, #tpu.memory_space<vmem>>, vector<16xf32>,
      %swap3A_1663 = vector.shape_cast %swap3A_1662 : vector<16xf32> to vector<16xf32>
      %swap3A_1664 = vector.shape_cast %add3A_1660 : vector<16xf32> to vector<16xf32>
      tpu.vector_store %arg8[%swap3A_1661], %swap3A_1664 {add = true, strides = array<i32>} : memref<256xf32, #tpu.memory_space<vmem>>, vector<16xf32>,
      %mul3A_1665 = arith.mulf %get3A_783, %max3A_1646 : vector<16xf32>
      %swap3A_1666 = arith.constant 192 : index
      %swap3A_1667 = tpu.vector_load %arg9[%swap3A_1666] {strides = array<i32>} : memref<256xf32, #tpu.memory_space<vmem>>, vector<16xf32>,
      %swap3A_1668 = vector.shape_cast %swap3A_1667 : vector<16xf32> to vector<16xf32>
      %swap3A_1669 = vector.shape_cast %mul3A_1665 : vector<16xf32> to vector<16xf32>
      tpu.vector_store %arg9[%swap3A_1666], %swap3A_1669 {add = true, strides = array<i32>} : memref<256xf32, #tpu.memory_space<vmem>>, vector<16xf32>,
      %mul3A_1670 = arith.constant 4 : i32
      %mul3A_1671 = arith.muli %mul3A_1670, %scan3A_625 : i32
      %get3A_1672 = arith.index_cast %mul3A_1671 : i32 to index
      %get3A_1673 = arith.constant 208 : index
      %get3A_1674 = tpu.vector_load %arg5[%get3A_1672, %get3A_1673] {strides = array<i32>} : memref<128x256xf32, #tpu.memory_space<vmem>>, vector<1x16xf32>,
      %get3A_1675 = vector.shape_cast %get3A_1674 : vector<1x16xf32> to vector<16xf32>
      %mul3A_1676 = arith.constant 4 : i32
      %mul3A_1677 = arith.muli %mul3A_1676, %scan3A_625 : i32
      %add3A_1678 = arith.constant 1 : i32
      %add3A_1679 = arith.addi %mul3A_1677, %add3A_1678 : i32
      %get3A_1680 = arith.index_cast %add3A_1679 : i32 to index
      %get3A_1681 = arith.constant 208 : index
      %get3A_1682 = tpu.vector_load %arg5[%get3A_1680, %get3A_1681] {strides = array<i32>} : memref<128x256xf32, #tpu.memory_space<vmem>>, vector<1x16xf32>,
      %get3A_1683 = vector.shape_cast %get3A_1682 : vector<1x16xf32> to vector<16xf32>
      %mul3A_1684 = arith.constant 4 : i32
      %mul3A_1685 = arith.muli %mul3A_1684, %scan3A_625 : i32
      %add3A_1686 = arith.constant 2 : i32
      %add3A_1687 = arith.addi %mul3A_1685, %add3A_1686 : i32
      %get3A_1688 = arith.index_cast %add3A_1687 : i32 to index
      %get3A_1689 = arith.constant 208 : index
      %get3A_1690 = tpu.vector_load %arg5[%get3A_1688, %get3A_1689] {strides = array<i32>} : memref<128x256xf32, #tpu.memory_space<vmem>>, vector<1x16xf32>,
      %get3A_1691 = vector.shape_cast %get3A_1690 : vector<1x16xf32> to vector<16xf32>
      %mul3A_1692 = arith.constant 4 : i32
      %mul3A_1693 = arith.muli %mul3A_1692, %scan3A_625 : i32
      %add3A_1694 = arith.constant 3 : i32
      %add3A_1695 = arith.addi %mul3A_1693, %add3A_1694 : i32
      %get3A_1696 = arith.index_cast %add3A_1695 : i32 to index
      %get3A_1697 = arith.constant 208 : index
      %get3A_1698 = tpu.vector_load %arg5[%get3A_1696, %get3A_1697] {strides = array<i32>} : memref<128x256xf32, #tpu.memory_space<vmem>>, vector<1x16xf32>,
      %get3A_1699 = vector.shape_cast %get3A_1698 : vector<1x16xf32> to vector<16xf32>
      %mul3A_1700 = arith.mulf %get3A_634, %get3A_1675 : vector<16xf32>
      %mul3A_1701 = arith.mulf %get3A_645, %get3A_1683 : vector<16xf32>
      %add3A_1702 = arith.addf %mul3A_1700, %mul3A_1701 : vector<16xf32>
      %add3A_1703 = arith.addf %add3A_1702, %get3A_676 : vector<16xf32>
      %max3A_1704 = arith.maximumf %add3A_1703, %broadcast_in_dim3A_785 : vector<16xf32>
      %mul3A_1705 = arith.mulf %get3A_656, %get3A_1691 : vector<16xf32>
      %mul3A_1706 = arith.mulf %get3A_667, %get3A_1699 : vector<16xf32>
      %add3A_1707 = arith.addf %mul3A_1705, %mul3A_1706 : vector<16xf32>
      %add3A_1708 = arith.addf %add3A_1707, %get3A_687 : vector<16xf32>
      %max3A_1709 = arith.maximumf %add3A_1708, %broadcast_in_dim3A_785 : vector<16xf32>
      %mul3A_1710 = arith.mulf %get3A_738, %max3A_1704 : vector<16xf32>
      %mul3A_1711 = arith.mulf %get3A_749, %max3A_1709 : vector<16xf32>
      %add3A_1712 = arith.addf %mul3A_1710, %mul3A_1711 : vector<16xf32>
      %add3A_1713 = arith.addf %add3A_1712, %get3A_756 : vector<16xf32>
      %max3A_1714 = arith.maximumf %add3A_1713, %broadcast_in_dim3A_785 : vector<16xf32>
      %mul3A_1715 = arith.mulf %get3A_696, %get3A_1675 : vector<16xf32>
      %mul3A_1716 = arith.mulf %get3A_707, %get3A_1683 : vector<16xf32>
      %add3A_1717 = arith.addf %mul3A_1715, %mul3A_1716 : vector<16xf32>
      %mul3A_1718 = arith.mulf %get3A_718, %get3A_1691 : vector<16xf32>
      %add3A_1719 = arith.addf %add3A_1717, %mul3A_1718 : vector<16xf32>
      %mul3A_1720 = arith.mulf %get3A_729, %get3A_1699 : vector<16xf32>
      %add3A_1721 = arith.addf %add3A_1719, %mul3A_1720 : vector<16xf32>
      %swap3A_1722 = arith.constant 208 : index
      %swap3A_1723 = tpu.vector_load %arg7[%swap3A_1722] {strides = array<i32>} : memref<256xf32, #tpu.memory_space<vmem>>, vector<16xf32>,
      %swap3A_1724 = vector.shape_cast %swap3A_1723 : vector<16xf32> to vector<16xf32>
      %swap3A_1725 = vector.shape_cast %add3A_1721 : vector<16xf32> to vector<16xf32>
      tpu.vector_store %arg7[%swap3A_1722], %swap3A_1725 {add = true, strides = array<i32>} : memref<256xf32, #tpu.memory_space<vmem>>, vector<16xf32>,
      %mul3A_1726 = arith.mulf %get3A_765, %max3A_1704 : vector<16xf32>
      %mul3A_1727 = arith.mulf %get3A_776, %max3A_1709 : vector<16xf32>
      %add3A_1728 = arith.addf %mul3A_1726, %mul3A_1727 : vector<16xf32>
      %swap3A_1729 = arith.constant 208 : index
      %swap3A_1730 = tpu.vector_load %arg8[%swap3A_1729] {strides = array<i32>} : memref<256xf32, #tpu.memory_space<vmem>>, vector<16xf32>,
      %swap3A_1731 = vector.shape_cast %swap3A_1730 : vector<16xf32> to vector<16xf32>
      %swap3A_1732 = vector.shape_cast %add3A_1728 : vector<16xf32> to vector<16xf32>
      tpu.vector_store %arg8[%swap3A_1729], %swap3A_1732 {add = true, strides = array<i32>} : memref<256xf32, #tpu.memory_space<vmem>>, vector<16xf32>,
      %mul3A_1733 = arith.mulf %get3A_783, %max3A_1714 : vector<16xf32>
      %swap3A_1734 = arith.constant 208 : index
      %swap3A_1735 = tpu.vector_load %arg9[%swap3A_1734] {strides = array<i32>} : memref<256xf32, #tpu.memory_space<vmem>>, vector<16xf32>,
      %swap3A_1736 = vector.shape_cast %swap3A_1735 : vector<16xf32> to vector<16xf32>
      %swap3A_1737 = vector.shape_cast %mul3A_1733 : vector<16xf32> to vector<16xf32>
      tpu.vector_store %arg9[%swap3A_1734], %swap3A_1737 {add = true, strides = array<i32>} : memref<256xf32, #tpu.memory_space<vmem>>, vector<16xf32>,
      %mul3A_1738 = arith.constant 4 : i32
      %mul3A_1739 = arith.muli %mul3A_1738, %scan3A_625 : i32
      %get3A_1740 = arith.index_cast %mul3A_1739 : i32 to index
      %get3A_1741 = arith.constant 224 : index
      %get3A_1742 = tpu.vector_load %arg5[%get3A_1740, %get3A_1741] {strides = array<i32>} : memref<128x256xf32, #tpu.memory_space<vmem>>, vector<1x16xf32>,
      %get3A_1743 = vector.shape_cast %get3A_1742 : vector<1x16xf32> to vector<16xf32>
      %mul3A_1744 = arith.constant 4 : i32
      %mul3A_1745 = arith.muli %mul3A_1744, %scan3A_625 : i32
      %add3A_1746 = arith.constant 1 : i32
      %add3A_1747 = arith.addi %mul3A_1745, %add3A_1746 : i32
      %get3A_1748 = arith.index_cast %add3A_1747 : i32 to index
      %get3A_1749 = arith.constant 224 : index
      %get3A_1750 = tpu.vector_load %arg5[%get3A_1748, %get3A_1749] {strides = array<i32>} : memref<128x256xf32, #tpu.memory_space<vmem>>, vector<1x16xf32>,
      %get3A_1751 = vector.shape_cast %get3A_1750 : vector<1x16xf32> to vector<16xf32>
      %mul3A_1752 = arith.constant 4 : i32
      %mul3A_1753 = arith.muli %mul3A_1752, %scan3A_625 : i32
      %add3A_1754 = arith.constant 2 : i32
      %add3A_1755 = arith.addi %mul3A_1753, %add3A_1754 : i32
      %get3A_1756 = arith.index_cast %add3A_1755 : i32 to index
      %get3A_1757 = arith.constant 224 : index
      %get3A_1758 = tpu.vector_load %arg5[%get3A_1756, %get3A_1757] {strides = array<i32>} : memref<128x256xf32, #tpu.memory_space<vmem>>, vector<1x16xf32>,
      %get3A_1759 = vector.shape_cast %get3A_1758 : vector<1x16xf32> to vector<16xf32>
      %mul3A_1760 = arith.constant 4 : i32
      %mul3A_1761 = arith.muli %mul3A_1760, %scan3A_625 : i32
      %add3A_1762 = arith.constant 3 : i32
      %add3A_1763 = arith.addi %mul3A_1761, %add3A_1762 : i32
      %get3A_1764 = arith.index_cast %add3A_1763 : i32 to index
      %get3A_1765 = arith.constant 224 : index
      %get3A_1766 = tpu.vector_load %arg5[%get3A_1764, %get3A_1765] {strides = array<i32>} : memref<128x256xf32, #tpu.memory_space<vmem>>, vector<1x16xf32>,
      %get3A_1767 = vector.shape_cast %get3A_1766 : vector<1x16xf32> to vector<16xf32>
      %mul3A_1768 = arith.mulf %get3A_634, %get3A_1743 : vector<16xf32>
      %mul3A_1769 = arith.mulf %get3A_645, %get3A_1751 : vector<16xf32>
      %add3A_1770 = arith.addf %mul3A_1768, %mul3A_1769 : vector<16xf32>
      %add3A_1771 = arith.addf %add3A_1770, %get3A_676 : vector<16xf32>
      %max3A_1772 = arith.maximumf %add3A_1771, %broadcast_in_dim3A_785 : vector<16xf32>
      %mul3A_1773 = arith.mulf %get3A_656, %get3A_1759 : vector<16xf32>
      %mul3A_1774 = arith.mulf %get3A_667, %get3A_1767 : vector<16xf32>
      %add3A_1775 = arith.addf %mul3A_1773, %mul3A_1774 : vector<16xf32>
      %add3A_1776 = arith.addf %add3A_1775, %get3A_687 : vector<16xf32>
      %max3A_1777 = arith.maximumf %add3A_1776, %broadcast_in_dim3A_785 : vector<16xf32>
      %mul3A_1778 = arith.mulf %get3A_738, %max3A_1772 : vector<16xf32>
      %mul3A_1779 = arith.mulf %get3A_749, %max3A_1777 : vector<16xf32>
      %add3A_1780 = arith.addf %mul3A_1778, %mul3A_1779 : vector<16xf32>
      %add3A_1781 = arith.addf %add3A_1780, %get3A_756 : vector<16xf32>
      %max3A_1782 = arith.maximumf %add3A_1781, %broadcast_in_dim3A_785 : vector<16xf32>
      %mul3A_1783 = arith.mulf %get3A_696, %get3A_1743 : vector<16xf32>
      %mul3A_1784 = arith.mulf %get3A_707, %get3A_1751 : vector<16xf32>
      %add3A_1785 = arith.addf %mul3A_1783, %mul3A_1784 : vector<16xf32>
      %mul3A_1786 = arith.mulf %get3A_718, %get3A_1759 : vector<16xf32>
      %add3A_1787 = arith.addf %add3A_1785, %mul3A_1786 : vector<16xf32>
      %mul3A_1788 = arith.mulf %get3A_729, %get3A_1767 : vector<16xf32>
      %add3A_1789 = arith.addf %add3A_1787, %mul3A_1788 : vector<16xf32>
      %swap3A_1790 = arith.constant 224 : index
      %swap3A_1791 = tpu.vector_load %arg7[%swap3A_1790] {strides = array<i32>} : memref<256xf32, #tpu.memory_space<vmem>>, vector<16xf32>,
      %swap3A_1792 = vector.shape_cast %swap3A_1791 : vector<16xf32> to vector<16xf32>
      %swap3A_1793 = vector.shape_cast %add3A_1789 : vector<16xf32> to vector<16xf32>
      tpu.vector_store %arg7[%swap3A_1790], %swap3A_1793 {add = true, strides = array<i32>} : memref<256xf32, #tpu.memory_space<vmem>>, vector<16xf32>,
      %mul3A_1794 = arith.mulf %get3A_765, %max3A_1772 : vector<16xf32>
      %mul3A_1795 = arith.mulf %get3A_776, %max3A_1777 : vector<16xf32>
      %add3A_1796 = arith.addf %mul3A_1794, %mul3A_1795 : vector<16xf32>
      %swap3A_1797 = arith.constant 224 : index
      %swap3A_1798 = tpu.vector_load %arg8[%swap3A_1797] {strides = array<i32>} : memref<256xf32, #tpu.memory_space<vmem>>, vector<16xf32>,
      %swap3A_1799 = vector.shape_cast %swap3A_1798 : vector<16xf32> to vector<16xf32>
      %swap3A_1800 = vector.shape_cast %add3A_1796 : vector<16xf32> to vector<16xf32>
      tpu.vector_store %arg8[%swap3A_1797], %swap3A_1800 {add = true, strides = array<i32>} : memref<256xf32, #tpu.memory_space<vmem>>, vector<16xf32>,
      %mul3A_1801 = arith.mulf %get3A_783, %max3A_1782 : vector<16xf32>
      %swap3A_1802 = arith.constant 224 : index
      %swap3A_1803 = tpu.vector_load %arg9[%swap3A_1802] {strides = array<i32>} : memref<256xf32, #tpu.memory_space<vmem>>, vector<16xf32>,
      %swap3A_1804 = vector.shape_cast %swap3A_1803 : vector<16xf32> to vector<16xf32>
      %swap3A_1805 = vector.shape_cast %mul3A_1801 : vector<16xf32> to vector<16xf32>
      tpu.vector_store %arg9[%swap3A_1802], %swap3A_1805 {add = true, strides = array<i32>} : memref<256xf32, #tpu.memory_space<vmem>>, vector<16xf32>,
      %mul3A_1806 = arith.constant 4 : i32
      %mul3A_1807 = arith.muli %mul3A_1806, %scan3A_625 : i32
      %get3A_1808 = arith.index_cast %mul3A_1807 : i32 to index
      %get3A_1809 = arith.constant 240 : index
      %get3A_1810 = tpu.vector_load %arg5[%get3A_1808, %get3A_1809] {strides = array<i32>} : memref<128x256xf32, #tpu.memory_space<vmem>>, vector<1x16xf32>,
      %get3A_1811 = vector.shape_cast %get3A_1810 : vector<1x16xf32> to vector<16xf32>
      %mul3A_1812 = arith.constant 4 : i32
      %mul3A_1813 = arith.muli %mul3A_1812, %scan3A_625 : i32
      %add3A_1814 = arith.constant 1 : i32
      %add3A_1815 = arith.addi %mul3A_1813, %add3A_1814 : i32
      %get3A_1816 = arith.index_cast %add3A_1815 : i32 to index
      %get3A_1817 = arith.constant 240 : index
      %get3A_1818 = tpu.vector_load %arg5[%get3A_1816, %get3A_1817] {strides = array<i32>} : memref<128x256xf32, #tpu.memory_space<vmem>>, vector<1x16xf32>,
      %get3A_1819 = vector.shape_cast %get3A_1818 : vector<1x16xf32> to vector<16xf32>
      %mul3A_1820 = arith.constant 4 : i32
      %mul3A_1821 = arith.muli %mul3A_1820, %scan3A_625 : i32
      %add3A_1822 = arith.constant 2 : i32
      %add3A_1823 = arith.addi %mul3A_1821, %add3A_1822 : i32
      %get3A_1824 = arith.index_cast %add3A_1823 : i32 to index
      %get3A_1825 = arith.constant 240 : index
      %get3A_1826 = tpu.vector_load %arg5[%get3A_1824, %get3A_1825] {strides = array<i32>} : memref<128x256xf32, #tpu.memory_space<vmem>>, vector<1x16xf32>,
      %get3A_1827 = vector.shape_cast %get3A_1826 : vector<1x16xf32> to vector<16xf32>
      %mul3A_1828 = arith.constant 4 : i32
      %mul3A_1829 = arith.muli %mul3A_1828, %scan3A_625 : i32
      %add3A_1830 = arith.constant 3 : i32
      %add3A_1831 = arith.addi %mul3A_1829, %add3A_1830 : i32
      %get3A_1832 = arith.index_cast %add3A_1831 : i32 to index
      %get3A_1833 = arith.constant 240 : index
      %get3A_1834 = tpu.vector_load %arg5[%get3A_1832, %get3A_1833] {strides = array<i32>} : memref<128x256xf32, #tpu.memory_space<vmem>>, vector<1x16xf32>,
      %get3A_1835 = vector.shape_cast %get3A_1834 : vector<1x16xf32> to vector<16xf32>
      %mul3A_1836 = arith.mulf %get3A_634, %get3A_1811 : vector<16xf32>
      %mul3A_1837 = arith.mulf %get3A_645, %get3A_1819 : vector<16xf32>
      %add3A_1838 = arith.addf %mul3A_1836, %mul3A_1837 : vector<16xf32>
      %add3A_1839 = arith.addf %add3A_1838, %get3A_676 : vector<16xf32>
      %max3A_1840 = arith.maximumf %add3A_1839, %broadcast_in_dim3A_785 : vector<16xf32>
      %mul3A_1841 = arith.mulf %get3A_656, %get3A_1827 : vector<16xf32>
      %mul3A_1842 = arith.mulf %get3A_667, %get3A_1835 : vector<16xf32>
      %add3A_1843 = arith.addf %mul3A_1841, %mul3A_1842 : vector<16xf32>
      %add3A_1844 = arith.addf %add3A_1843, %get3A_687 : vector<16xf32>
      %max3A_1845 = arith.maximumf %add3A_1844, %broadcast_in_dim3A_785 : vector<16xf32>
      %mul3A_1846 = arith.mulf %get3A_738, %max3A_1840 : vector<16xf32>
      %mul3A_1847 = arith.mulf %get3A_749, %max3A_1845 : vector<16xf32>
      %add3A_1848 = arith.addf %mul3A_1846, %mul3A_1847 : vector<16xf32>
      %add3A_1849 = arith.addf %add3A_1848, %get3A_756 : vector<16xf32>
      %max3A_1850 = arith.maximumf %add3A_1849, %broadcast_in_dim3A_785 : vector<16xf32>
      %mul3A_1851 = arith.mulf %get3A_696, %get3A_1811 : vector<16xf32>
      %mul3A_1852 = arith.mulf %get3A_707, %get3A_1819 : vector<16xf32>
      %add3A_1853 = arith.addf %mul3A_1851, %mul3A_1852 : vector<16xf32>
      %mul3A_1854 = arith.mulf %get3A_718, %get3A_1827 : vector<16xf32>
      %add3A_1855 = arith.addf %add3A_1853, %mul3A_1854 : vector<16xf32>
      %mul3A_1856 = arith.mulf %get3A_729, %get3A_1835 : vector<16xf32>
      %add3A_1857 = arith.addf %add3A_1855, %mul3A_1856 : vector<16xf32>
      %swap3A_1858 = arith.constant 240 : index
      %swap3A_1859 = tpu.vector_load %arg7[%swap3A_1858] {strides = array<i32>} : memref<256xf32, #tpu.memory_space<vmem>>, vector<16xf32>,
      %swap3A_1860 = vector.shape_cast %swap3A_1859 : vector<16xf32> to vector<16xf32>
      %swap3A_1861 = vector.shape_cast %add3A_1857 : vector<16xf32> to vector<16xf32>
      tpu.vector_store %arg7[%swap3A_1858], %swap3A_1861 {add = true, strides = array<i32>} : memref<256xf32, #tpu.memory_space<vmem>>, vector<16xf32>,
      %mul3A_1862 = arith.mulf %get3A_765, %max3A_1840 : vector<16xf32>
      %mul3A_1863 = arith.mulf %get3A_776, %max3A_1845 : vector<16xf32>
      %add3A_1864 = arith.addf %mul3A_1862, %mul3A_1863 : vector<16xf32>
      %swap3A_1865 = arith.constant 240 : index
      %swap3A_1866 = tpu.vector_load %arg8[%swap3A_1865] {strides = array<i32>} : memref<256xf32, #tpu.memory_space<vmem>>, vector<16xf32>,
      %swap3A_1867 = vector.shape_cast %swap3A_1866 : vector<16xf32> to vector<16xf32>
      %swap3A_1868 = vector.shape_cast %add3A_1864 : vector<16xf32> to vector<16xf32>
      tpu.vector_store %arg8[%swap3A_1865], %swap3A_1868 {add = true, strides = array<i32>} : memref<256xf32, #tpu.memory_space<vmem>>, vector<16xf32>,
      %mul3A_1869 = arith.mulf %get3A_783, %max3A_1850 : vector<16xf32>
      %swap3A_1870 = arith.constant 240 : index
      %swap3A_1871 = tpu.vector_load %arg9[%swap3A_1870] {strides = array<i32>} : memref<256xf32, #tpu.memory_space<vmem>>, vector<16xf32>,
      %swap3A_1872 = vector.shape_cast %swap3A_1871 : vector<16xf32> to vector<16xf32>
      %swap3A_1873 = vector.shape_cast %mul3A_1869 : vector<16xf32> to vector<16xf32>
      tpu.vector_store %arg9[%swap3A_1870], %swap3A_1873 {add = true, strides = array<i32>} : memref<256xf32, #tpu.memory_space<vmem>>, vector<16xf32>,
    }
    %scan3A_221 = arith.constant 32 : i32
    %broadcast_in_dim3A_222 = arith.constant 0.000000e+00 : f32
    %broadcast_in_dim3A_223 = vector.broadcast %broadcast_in_dim3A_222 : f32 to vector<16xf32>
    %get3A_224 = arith.constant 0 : index
    %get3A_225 = tpu.vector_load %arg7[%get3A_224] {strides = array<i32>} : memref<256xf32, #tpu.memory_space<vmem>>, vector<16xf32>,
    %get3A_226 = vector.shape_cast %get3A_225 : vector<16xf32> to vector<16xf32>
    %add3A_227 = arith.addf %get3A_226, %get3A_4 : vector<16xf32>
    %max3A = arith.maximumf %add3A_227, %broadcast_in_dim3A_223 : vector<16xf32>
    %get3A_228 = arith.constant 0 : index
    %get3A_229 = tpu.vector_load %arg8[%get3A_228] {strides = array<i32>} : memref<256xf32, #tpu.memory_space<vmem>>, vector<16xf32>,
    %get3A_230 = vector.shape_cast %get3A_229 : vector<16xf32> to vector<16xf32>
    %add3A_231 = arith.addf %get3A_230, %get3A_7 : vector<16xf32>
    %max3A_232 = arith.maximumf %add3A_231, %broadcast_in_dim3A_223 : vector<16xf32>
    %get3A_233 = arith.constant 0 : index
    %get3A_234 = tpu.vector_load %arg9[%get3A_233] {strides = array<i32>} : memref<256xf32, #tpu.memory_space<vmem>>, vector<16xf32>,
    %get3A_235 = vector.shape_cast %get3A_234 : vector<16xf32> to vector<16xf32>
    %add3A_236 = arith.addf %get3A_235, %get3A_10 : vector<16xf32>
    %max3A_237 = arith.maximumf %add3A_236, %broadcast_in_dim3A_223 : vector<16xf32>
    %mul3A_238 = arith.mulf %get3A_13, %max3A : vector<16xf32>
    %mul3A_239 = arith.mulf %get3A_16, %max3A_232 : vector<16xf32>
    %add3A_240 = arith.addf %mul3A_238, %mul3A_239 : vector<16xf32>
    %mul3A_241 = arith.mulf %get3A_19, %max3A_237 : vector<16xf32>
    %add3A_242 = arith.addf %add3A_240, %mul3A_241 : vector<16xf32>
    %add3A_243 = arith.addf %add3A_242, %get3A_22 : vector<16xf32>
    %swap3A_244 = arith.constant 0 : index
    %swap3A_245 = tpu.vector_load %arg10[%swap3A_244] {strides = array<i32>} : memref<256xf32, #tpu.memory_space<vmem>>, vector<16xf32>,
    %swap3A_246 = vector.shape_cast %swap3A_245 : vector<16xf32> to vector<16xf32>
    %swap3A_247 = vector.shape_cast %add3A_243 : vector<16xf32> to vector<16xf32>
    tpu.vector_store %arg10[%swap3A_244], %swap3A_247 {strides = array<i32>} : memref<256xf32, #tpu.memory_space<vmem>>, vector<16xf32>,
    %get3A_248 = arith.constant 16 : index
    %get3A_249 = tpu.vector_load %arg7[%get3A_248] {strides = array<i32>} : memref<256xf32, #tpu.memory_space<vmem>>, vector<16xf32>,
    %get3A_250 = vector.shape_cast %get3A_249 : vector<16xf32> to vector<16xf32>
    %add3A_251 = arith.addf %get3A_250, %get3A_4 : vector<16xf32>
    %max3A_252 = arith.maximumf %add3A_251, %broadcast_in_dim3A_223 : vector<16xf32>
    %get3A_253 = arith.constant 16 : index
    %get3A_254 = tpu.vector_load %arg8[%get3A_253] {strides = array<i32>} : memref<256xf32, #tpu.memory_space<vmem>>, vector<16xf32>,
    %get3A_255 = vector.shape_cast %get3A_254 : vector<16xf32> to vector<16xf32>
    %add3A_256 = arith.addf %get3A_255, %get3A_7 : vector<16xf32>
    %max3A_257 = arith.maximumf %add3A_256, %broadcast_in_dim3A_223 : vector<16xf32>
    %get3A_258 = arith.constant 16 : index
    %get3A_259 = tpu.vector_load %arg9[%get3A_258] {strides = array<i32>} : memref<256xf32, #tpu.memory_space<vmem>>, vector<16xf32>,
    %get3A_260 = vector.shape_cast %get3A_259 : vector<16xf32> to vector<16xf32>
    %add3A_261 = arith.addf %get3A_260, %get3A_10 : vector<16xf32>
    %max3A_262 = arith.maximumf %add3A_261, %broadcast_in_dim3A_223 : vector<16xf32>
    %mul3A_263 = arith.mulf %get3A_13, %max3A_252 : vector<16xf32>
    %mul3A_264 = arith.mulf %get3A_16, %max3A_257 : vector<16xf32>
    %add3A_265 = arith.addf %mul3A_263, %mul3A_264 : vector<16xf32>
    %mul3A_266 = arith.mulf %get3A_19, %max3A_262 : vector<16xf32>
    %add3A_267 = arith.addf %add3A_265, %mul3A_266 : vector<16xf32>
    %add3A_268 = arith.addf %add3A_267, %get3A_22 : vector<16xf32>
    %swap3A_269 = arith.constant 16 : index
    %swap3A_270 = tpu.vector_load %arg10[%swap3A_269] {strides = array<i32>} : memref<256xf32, #tpu.memory_space<vmem>>, vector<16xf32>,
    %swap3A_271 = vector.shape_cast %swap3A_270 : vector<16xf32> to vector<16xf32>
    %swap3A_272 = vector.shape_cast %add3A_268 : vector<16xf32> to vector<16xf32>
    tpu.vector_store %arg10[%swap3A_269], %swap3A_272 {strides = array<i32>} : memref<256xf32, #tpu.memory_space<vmem>>, vector<16xf32>,
    %get3A_273 = arith.constant 32 : index
    %get3A_274 = tpu.vector_load %arg7[%get3A_273] {strides = array<i32>} : memref<256xf32, #tpu.memory_space<vmem>>, vector<16xf32>,
    %get3A_275 = vector.shape_cast %get3A_274 : vector<16xf32> to vector<16xf32>
    %add3A_276 = arith.addf %get3A_275, %get3A_4 : vector<16xf32>
    %max3A_277 = arith.maximumf %add3A_276, %broadcast_in_dim3A_223 : vector<16xf32>
    %get3A_278 = arith.constant 32 : index
    %get3A_279 = tpu.vector_load %arg8[%get3A_278] {strides = array<i32>} : memref<256xf32, #tpu.memory_space<vmem>>, vector<16xf32>,
    %get3A_280 = vector.shape_cast %get3A_279 : vector<16xf32> to vector<16xf32>
    %add3A_281 = arith.addf %get3A_280, %get3A_7 : vector<16xf32>
    %max3A_282 = arith.maximumf %add3A_281, %broadcast_in_dim3A_223 : vector<16xf32>
    %get3A_283 = arith.constant 32 : index
    %get3A_284 = tpu.vector_load %arg9[%get3A_283] {strides = array<i32>} : memref<256xf32, #tpu.memory_space<vmem>>, vector<16xf32>,
    %get3A_285 = vector.shape_cast %get3A_284 : vector<16xf32> to vector<16xf32>
    %add3A_286 = arith.addf %get3A_285, %get3A_10 : vector<16xf32>
    %max3A_287 = arith.maximumf %add3A_286, %broadcast_in_dim3A_223 : vector<16xf32>
    %mul3A_288 = arith.mulf %get3A_13, %max3A_277 : vector<16xf32>
    %mul3A_289 = arith.mulf %get3A_16, %max3A_282 : vector<16xf32>
    %add3A_290 = arith.addf %mul3A_288, %mul3A_289 : vector<16xf32>
    %mul3A_291 = arith.mulf %get3A_19, %max3A_287 : vector<16xf32>
    %add3A_292 = arith.addf %add3A_290, %mul3A_291 : vector<16xf32>
    %add3A_293 = arith.addf %add3A_292, %get3A_22 : vector<16xf32>
    %swap3A_294 = arith.constant 32 : index
    %swap3A_295 = tpu.vector_load %arg10[%swap3A_294] {strides = array<i32>} : memref<256xf32, #tpu.memory_space<vmem>>, vector<16xf32>,
    %swap3A_296 = vector.shape_cast %swap3A_295 : vector<16xf32> to vector<16xf32>
    %swap3A_297 = vector.shape_cast %add3A_293 : vector<16xf32> to vector<16xf32>
    tpu.vector_store %arg10[%swap3A_294], %swap3A_297 {strides = array<i32>} : memref<256xf32, #tpu.memory_space<vmem>>, vector<16xf32>,
    %get3A_298 = arith.constant 48 : index
    %get3A_299 = tpu.vector_load %arg7[%get3A_298] {strides = array<i32>} : memref<256xf32, #tpu.memory_space<vmem>>, vector<16xf32>,
    %get3A_300 = vector.shape_cast %get3A_299 : vector<16xf32> to vector<16xf32>
    %add3A_301 = arith.addf %get3A_300, %get3A_4 : vector<16xf32>
    %max3A_302 = arith.maximumf %add3A_301, %broadcast_in_dim3A_223 : vector<16xf32>
    %get3A_303 = arith.constant 48 : index
    %get3A_304 = tpu.vector_load %arg8[%get3A_303] {strides = array<i32>} : memref<256xf32, #tpu.memory_space<vmem>>, vector<16xf32>,
    %get3A_305 = vector.shape_cast %get3A_304 : vector<16xf32> to vector<16xf32>
    %add3A_306 = arith.addf %get3A_305, %get3A_7 : vector<16xf32>
    %max3A_307 = arith.maximumf %add3A_306, %broadcast_in_dim3A_223 : vector<16xf32>
    %get3A_308 = arith.constant 48 : index
    %get3A_309 = tpu.vector_load %arg9[%get3A_308] {strides = array<i32>} : memref<256xf32, #tpu.memory_space<vmem>>, vector<16xf32>,
    %get3A_310 = vector.shape_cast %get3A_309 : vector<16xf32> to vector<16xf32>
    %add3A_311 = arith.addf %get3A_310, %get3A_10 : vector<16xf32>
    %max3A_312 = arith.maximumf %add3A_311, %broadcast_in_dim3A_223 : vector<16xf32>
    %mul3A_313 = arith.mulf %get3A_13, %max3A_302 : vector<16xf32>
    %mul3A_314 = arith.mulf %get3A_16, %max3A_307 : vector<16xf32>
    %add3A_315 = arith.addf %mul3A_313, %mul3A_314 : vector<16xf32>
    %mul3A_316 = arith.mulf %get3A_19, %max3A_312 : vector<16xf32>
    %add3A_317 = arith.addf %add3A_315, %mul3A_316 : vector<16xf32>
    %add3A_318 = arith.addf %add3A_317, %get3A_22 : vector<16xf32>
    %swap3A_319 = arith.constant 48 : index
    %swap3A_320 = tpu.vector_load %arg10[%swap3A_319] {strides = array<i32>} : memref<256xf32, #tpu.memory_space<vmem>>, vector<16xf32>,
    %swap3A_321 = vector.shape_cast %swap3A_320 : vector<16xf32> to vector<16xf32>
    %swap3A_322 = vector.shape_cast %add3A_318 : vector<16xf32> to vector<16xf32>
    tpu.vector_store %arg10[%swap3A_319], %swap3A_322 {strides = array<i32>} : memref<256xf32, #tpu.memory_space<vmem>>, vector<16xf32>,
    %get3A_323 = arith.constant 64 : index
    %get3A_324 = tpu.vector_load %arg7[%get3A_323] {strides = array<i32>} : memref<256xf32, #tpu.memory_space<vmem>>, vector<16xf32>,
    %get3A_325 = vector.shape_cast %get3A_324 : vector<16xf32> to vector<16xf32>
    %add3A_326 = arith.addf %get3A_325, %get3A_4 : vector<16xf32>
    %max3A_327 = arith.maximumf %add3A_326, %broadcast_in_dim3A_223 : vector<16xf32>
    %get3A_328 = arith.constant 64 : index
    %get3A_329 = tpu.vector_load %arg8[%get3A_328] {strides = array<i32>} : memref<256xf32, #tpu.memory_space<vmem>>, vector<16xf32>,
    %get3A_330 = vector.shape_cast %get3A_329 : vector<16xf32> to vector<16xf32>
    %add3A_331 = arith.addf %get3A_330, %get3A_7 : vector<16xf32>
    %max3A_332 = arith.maximumf %add3A_331, %broadcast_in_dim3A_223 : vector<16xf32>
    %get3A_333 = arith.constant 64 : index
    %get3A_334 = tpu.vector_load %arg9[%get3A_333] {strides = array<i32>} : memref<256xf32, #tpu.memory_space<vmem>>, vector<16xf32>,
    %get3A_335 = vector.shape_cast %get3A_334 : vector<16xf32> to vector<16xf32>
    %add3A_336 = arith.addf %get3A_335, %get3A_10 : vector<16xf32>
    %max3A_337 = arith.maximumf %add3A_336, %broadcast_in_dim3A_223 : vector<16xf32>
    %mul3A_338 = arith.mulf %get3A_13, %max3A_327 : vector<16xf32>
    %mul3A_339 = arith.mulf %get3A_16, %max3A_332 : vector<16xf32>
    %add3A_340 = arith.addf %mul3A_338, %mul3A_339 : vector<16xf32>
    %mul3A_341 = arith.mulf %get3A_19, %max3A_337 : vector<16xf32>
    %add3A_342 = arith.addf %add3A_340, %mul3A_341 : vector<16xf32>
    %add3A_343 = arith.addf %add3A_342, %get3A_22 : vector<16xf32>
    %swap3A_344 = arith.constant 64 : index
    %swap3A_345 = tpu.vector_load %arg10[%swap3A_344] {strides = array<i32>} : memref<256xf32, #tpu.memory_space<vmem>>, vector<16xf32>,
    %swap3A_346 = vector.shape_cast %swap3A_345 : vector<16xf32> to vector<16xf32>
    %swap3A_347 = vector.shape_cast %add3A_343 : vector<16xf32> to vector<16xf32>
    tpu.vector_store %arg10[%swap3A_344], %swap3A_347 {strides = array<i32>} : memref<256xf32, #tpu.memory_space<vmem>>, vector<16xf32>,
    %get3A_348 = arith.constant 80 : index
    %get3A_349 = tpu.vector_load %arg7[%get3A_348] {strides = array<i32>} : memref<256xf32, #tpu.memory_space<vmem>>, vector<16xf32>,
    %get3A_350 = vector.shape_cast %get3A_349 : vector<16xf32> to vector<16xf32>
    %add3A_351 = arith.addf %get3A_350, %get3A_4 : vector<16xf32>
    %max3A_352 = arith.maximumf %add3A_351, %broadcast_in_dim3A_223 : vector<16xf32>
    %get3A_353 = arith.constant 80 : index
    %get3A_354 = tpu.vector_load %arg8[%get3A_353] {strides = array<i32>} : memref<256xf32, #tpu.memory_space<vmem>>, vector<16xf32>,
    %get3A_355 = vector.shape_cast %get3A_354 : vector<16xf32> to vector<16xf32>
    %add3A_356 = arith.addf %get3A_355, %get3A_7 : vector<16xf32>
    %max3A_357 = arith.maximumf %add3A_356, %broadcast_in_dim3A_223 : vector<16xf32>
    %get3A_358 = arith.constant 80 : index
    %get3A_359 = tpu.vector_load %arg9[%get3A_358] {strides = array<i32>} : memref<256xf32, #tpu.memory_space<vmem>>, vector<16xf32>,
    %get3A_360 = vector.shape_cast %get3A_359 : vector<16xf32> to vector<16xf32>
    %add3A_361 = arith.addf %get3A_360, %get3A_10 : vector<16xf32>
    %max3A_362 = arith.maximumf %add3A_361, %broadcast_in_dim3A_223 : vector<16xf32>
    %mul3A_363 = arith.mulf %get3A_13, %max3A_352 : vector<16xf32>
    %mul3A_364 = arith.mulf %get3A_16, %max3A_357 : vector<16xf32>
    %add3A_365 = arith.addf %mul3A_363, %mul3A_364 : vector<16xf32>
    %mul3A_366 = arith.mulf %get3A_19, %max3A_362 : vector<16xf32>
    %add3A_367 = arith.addf %add3A_365, %mul3A_366 : vector<16xf32>
    %add3A_368 = arith.addf %add3A_367, %get3A_22 : vector<16xf32>
    %swap3A_369 = arith.constant 80 : index
    %swap3A_370 = tpu.vector_load %arg10[%swap3A_369] {strides = array<i32>} : memref<256xf32, #tpu.memory_space<vmem>>, vector<16xf32>,
    %swap3A_371 = vector.shape_cast %swap3A_370 : vector<16xf32> to vector<16xf32>
    %swap3A_372 = vector.shape_cast %add3A_368 : vector<16xf32> to vector<16xf32>
    tpu.vector_store %arg10[%swap3A_369], %swap3A_372 {strides = array<i32>} : memref<256xf32, #tpu.memory_space<vmem>>, vector<16xf32>,
    %get3A_373 = arith.constant 96 : index
    %get3A_374 = tpu.vector_load %arg7[%get3A_373] {strides = array<i32>} : memref<256xf32, #tpu.memory_space<vmem>>, vector<16xf32>,
    %get3A_375 = vector.shape_cast %get3A_374 : vector<16xf32> to vector<16xf32>
    %add3A_376 = arith.addf %get3A_375, %get3A_4 : vector<16xf32>
    %max3A_377 = arith.maximumf %add3A_376, %broadcast_in_dim3A_223 : vector<16xf32>
    %get3A_378 = arith.constant 96 : index
    %get3A_379 = tpu.vector_load %arg8[%get3A_378] {strides = array<i32>} : memref<256xf32, #tpu.memory_space<vmem>>, vector<16xf32>,
    %get3A_380 = vector.shape_cast %get3A_379 : vector<16xf32> to vector<16xf32>
    %add3A_381 = arith.addf %get3A_380, %get3A_7 : vector<16xf32>
    %max3A_382 = arith.maximumf %add3A_381, %broadcast_in_dim3A_223 : vector<16xf32>
    %get3A_383 = arith.constant 96 : index
    %get3A_384 = tpu.vector_load %arg9[%get3A_383] {strides = array<i32>} : memref<256xf32, #tpu.memory_space<vmem>>, vector<16xf32>,
    %get3A_385 = vector.shape_cast %get3A_384 : vector<16xf32> to vector<16xf32>
    %add3A_386 = arith.addf %get3A_385, %get3A_10 : vector<16xf32>
    %max3A_387 = arith.maximumf %add3A_386, %broadcast_in_dim3A_223 : vector<16xf32>
    %mul3A_388 = arith.mulf %get3A_13, %max3A_377 : vector<16xf32>
    %mul3A_389 = arith.mulf %get3A_16, %max3A_382 : vector<16xf32>
    %add3A_390 = arith.addf %mul3A_388, %mul3A_389 : vector<16xf32>
    %mul3A_391 = arith.mulf %get3A_19, %max3A_387 : vector<16xf32>
    %add3A_392 = arith.addf %add3A_390, %mul3A_391 : vector<16xf32>
    %add3A_393 = arith.addf %add3A_392, %get3A_22 : vector<16xf32>
    %swap3A_394 = arith.constant 96 : index
    %swap3A_395 = tpu.vector_load %arg10[%swap3A_394] {strides = array<i32>} : memref<256xf32, #tpu.memory_space<vmem>>, vector<16xf32>,
    %swap3A_396 = vector.shape_cast %swap3A_395 : vector<16xf32> to vector<16xf32>
    %swap3A_397 = vector.shape_cast %add3A_393 : vector<16xf32> to vector<16xf32>
    tpu.vector_store %arg10[%swap3A_394], %swap3A_397 {strides = array<i32>} : memref<256xf32, #tpu.memory_space<vmem>>, vector<16xf32>,
    %get3A_398 = arith.constant 112 : index
    %get3A_399 = tpu.vector_load %arg7[%get3A_398] {strides = array<i32>} : memref<256xf32, #tpu.memory_space<vmem>>, vector<16xf32>,
    %get3A_400 = vector.shape_cast %get3A_399 : vector<16xf32> to vector<16xf32>
    %add3A_401 = arith.addf %get3A_400, %get3A_4 : vector<16xf32>
    %max3A_402 = arith.maximumf %add3A_401, %broadcast_in_dim3A_223 : vector<16xf32>
    %get3A_403 = arith.constant 112 : index
    %get3A_404 = tpu.vector_load %arg8[%get3A_403] {strides = array<i32>} : memref<256xf32, #tpu.memory_space<vmem>>, vector<16xf32>,
    %get3A_405 = vector.shape_cast %get3A_404 : vector<16xf32> to vector<16xf32>
    %add3A_406 = arith.addf %get3A_405, %get3A_7 : vector<16xf32>
    %max3A_407 = arith.maximumf %add3A_406, %broadcast_in_dim3A_223 : vector<16xf32>
    %get3A_408 = arith.constant 112 : index
    %get3A_409 = tpu.vector_load %arg9[%get3A_408] {strides = array<i32>} : memref<256xf32, #tpu.memory_space<vmem>>, vector<16xf32>,
    %get3A_410 = vector.shape_cast %get3A_409 : vector<16xf32> to vector<16xf32>
    %add3A_411 = arith.addf %get3A_410, %get3A_10 : vector<16xf32>
    %max3A_412 = arith.maximumf %add3A_411, %broadcast_in_dim3A_223 : vector<16xf32>
    %mul3A_413 = arith.mulf %get3A_13, %max3A_402 : vector<16xf32>
    %mul3A_414 = arith.mulf %get3A_16, %max3A_407 : vector<16xf32>
    %add3A_415 = arith.addf %mul3A_413, %mul3A_414 : vector<16xf32>
    %mul3A_416 = arith.mulf %get3A_19, %max3A_412 : vector<16xf32>
    %add3A_417 = arith.addf %add3A_415, %mul3A_416 : vector<16xf32>
    %add3A_418 = arith.addf %add3A_417, %get3A_22 : vector<16xf32>
    %swap3A_419 = arith.constant 112 : index
    %swap3A_420 = tpu.vector_load %arg10[%swap3A_419] {strides = array<i32>} : memref<256xf32, #tpu.memory_space<vmem>>, vector<16xf32>,
    %swap3A_421 = vector.shape_cast %swap3A_420 : vector<16xf32> to vector<16xf32>
    %swap3A_422 = vector.shape_cast %add3A_418 : vector<16xf32> to vector<16xf32>
    tpu.vector_store %arg10[%swap3A_419], %swap3A_422 {strides = array<i32>} : memref<256xf32, #tpu.memory_space<vmem>>, vector<16xf32>,
    %get3A_423 = arith.constant 128 : index
    %get3A_424 = tpu.vector_load %arg7[%get3A_423] {strides = array<i32>} : memref<256xf32, #tpu.memory_space<vmem>>, vector<16xf32>,
    %get3A_425 = vector.shape_cast %get3A_424 : vector<16xf32> to vector<16xf32>
    %add3A_426 = arith.addf %get3A_425, %get3A_4 : vector<16xf32>
    %max3A_427 = arith.maximumf %add3A_426, %broadcast_in_dim3A_223 : vector<16xf32>
    %get3A_428 = arith.constant 128 : index
    %get3A_429 = tpu.vector_load %arg8[%get3A_428] {strides = array<i32>} : memref<256xf32, #tpu.memory_space<vmem>>, vector<16xf32>,
    %get3A_430 = vector.shape_cast %get3A_429 : vector<16xf32> to vector<16xf32>
    %add3A_431 = arith.addf %get3A_430, %get3A_7 : vector<16xf32>
    %max3A_432 = arith.maximumf %add3A_431, %broadcast_in_dim3A_223 : vector<16xf32>
    %get3A_433 = arith.constant 128 : index
    %get3A_434 = tpu.vector_load %arg9[%get3A_433] {strides = array<i32>} : memref<256xf32, #tpu.memory_space<vmem>>, vector<16xf32>,
    %get3A_435 = vector.shape_cast %get3A_434 : vector<16xf32> to vector<16xf32>
    %add3A_436 = arith.addf %get3A_435, %get3A_10 : vector<16xf32>
    %max3A_437 = arith.maximumf %add3A_436, %broadcast_in_dim3A_223 : vector<16xf32>
    %mul3A_438 = arith.mulf %get3A_13, %max3A_427 : vector<16xf32>
    %mul3A_439 = arith.mulf %get3A_16, %max3A_432 : vector<16xf32>
    %add3A_440 = arith.addf %mul3A_438, %mul3A_439 : vector<16xf32>
    %mul3A_441 = arith.mulf %get3A_19, %max3A_437 : vector<16xf32>
    %add3A_442 = arith.addf %add3A_440, %mul3A_441 : vector<16xf32>
    %add3A_443 = arith.addf %add3A_442, %get3A_22 : vector<16xf32>
    %swap3A_444 = arith.constant 128 : index
    %swap3A_445 = tpu.vector_load %arg10[%swap3A_444] {strides = array<i32>} : memref<256xf32, #tpu.memory_space<vmem>>, vector<16xf32>,
    %swap3A_446 = vector.shape_cast %swap3A_445 : vector<16xf32> to vector<16xf32>
    %swap3A_447 = vector.shape_cast %add3A_443 : vector<16xf32> to vector<16xf32>
    tpu.vector_store %arg10[%swap3A_444], %swap3A_447 {strides = array<i32>} : memref<256xf32, #tpu.memory_space<vmem>>, vector<16xf32>,
    %get3A_448 = arith.constant 144 : index
    %get3A_449 = tpu.vector_load %arg7[%get3A_448] {strides = array<i32>} : memref<256xf32, #tpu.memory_space<vmem>>, vector<16xf32>,
    %get3A_450 = vector.shape_cast %get3A_449 : vector<16xf32> to vector<16xf32>
    %add3A_451 = arith.addf %get3A_450, %get3A_4 : vector<16xf32>
    %max3A_452 = arith.maximumf %add3A_451, %broadcast_in_dim3A_223 : vector<16xf32>
    %get3A_453 = arith.constant 144 : index
    %get3A_454 = tpu.vector_load %arg8[%get3A_453] {strides = array<i32>} : memref<256xf32, #tpu.memory_space<vmem>>, vector<16xf32>,
    %get3A_455 = vector.shape_cast %get3A_454 : vector<16xf32> to vector<16xf32>
    %add3A_456 = arith.addf %get3A_455, %get3A_7 : vector<16xf32>
    %max3A_457 = arith.maximumf %add3A_456, %broadcast_in_dim3A_223 : vector<16xf32>
    %get3A_458 = arith.constant 144 : index
    %get3A_459 = tpu.vector_load %arg9[%get3A_458] {strides = array<i32>} : memref<256xf32, #tpu.memory_space<vmem>>, vector<16xf32>,
    %get3A_460 = vector.shape_cast %get3A_459 : vector<16xf32> to vector<16xf32>
    %add3A_461 = arith.addf %get3A_460, %get3A_10 : vector<16xf32>
    %max3A_462 = arith.maximumf %add3A_461, %broadcast_in_dim3A_223 : vector<16xf32>
    %mul3A_463 = arith.mulf %get3A_13, %max3A_452 : vector<16xf32>
    %mul3A_464 = arith.mulf %get3A_16, %max3A_457 : vector<16xf32>
    %add3A_465 = arith.addf %mul3A_463, %mul3A_464 : vector<16xf32>
    %mul3A_466 = arith.mulf %get3A_19, %max3A_462 : vector<16xf32>
    %add3A_467 = arith.addf %add3A_465, %mul3A_466 : vector<16xf32>
    %add3A_468 = arith.addf %add3A_467, %get3A_22 : vector<16xf32>
    %swap3A_469 = arith.constant 144 : index
    %swap3A_470 = tpu.vector_load %arg10[%swap3A_469] {strides = array<i32>} : memref<256xf32, #tpu.memory_space<vmem>>, vector<16xf32>,
    %swap3A_471 = vector.shape_cast %swap3A_470 : vector<16xf32> to vector<16xf32>
    %swap3A_472 = vector.shape_cast %add3A_468 : vector<16xf32> to vector<16xf32>
    tpu.vector_store %arg10[%swap3A_469], %swap3A_472 {strides = array<i32>} : memref<256xf32, #tpu.memory_space<vmem>>, vector<16xf32>,
    %get3A_473 = arith.constant 160 : index
    %get3A_474 = tpu.vector_load %arg7[%get3A_473] {strides = array<i32>} : memref<256xf32, #tpu.memory_space<vmem>>, vector<16xf32>,
    %get3A_475 = vector.shape_cast %get3A_474 : vector<16xf32> to vector<16xf32>
    %add3A_476 = arith.addf %get3A_475, %get3A_4 : vector<16xf32>
    %max3A_477 = arith.maximumf %add3A_476, %broadcast_in_dim3A_223 : vector<16xf32>
    %get3A_478 = arith.constant 160 : index
    %get3A_479 = tpu.vector_load %arg8[%get3A_478] {strides = array<i32>} : memref<256xf32, #tpu.memory_space<vmem>>, vector<16xf32>,
    %get3A_480 = vector.shape_cast %get3A_479 : vector<16xf32> to vector<16xf32>
    %add3A_481 = arith.addf %get3A_480, %get3A_7 : vector<16xf32>
    %max3A_482 = arith.maximumf %add3A_481, %broadcast_in_dim3A_223 : vector<16xf32>
    %get3A_483 = arith.constant 160 : index
    %get3A_484 = tpu.vector_load %arg9[%get3A_483] {strides = array<i32>} : memref<256xf32, #tpu.memory_space<vmem>>, vector<16xf32>,
    %get3A_485 = vector.shape_cast %get3A_484 : vector<16xf32> to vector<16xf32>
    %add3A_486 = arith.addf %get3A_485, %get3A_10 : vector<16xf32>
    %max3A_487 = arith.maximumf %add3A_486, %broadcast_in_dim3A_223 : vector<16xf32>
    %mul3A_488 = arith.mulf %get3A_13, %max3A_477 : vector<16xf32>
    %mul3A_489 = arith.mulf %get3A_16, %max3A_482 : vector<16xf32>
    %add3A_490 = arith.addf %mul3A_488, %mul3A_489 : vector<16xf32>
    %mul3A_491 = arith.mulf %get3A_19, %max3A_487 : vector<16xf32>
    %add3A_492 = arith.addf %add3A_490, %mul3A_491 : vector<16xf32>
    %add3A_493 = arith.addf %add3A_492, %get3A_22 : vector<16xf32>
    %swap3A_494 = arith.constant 160 : index
    %swap3A_495 = tpu.vector_load %arg10[%swap3A_494] {strides = array<i32>} : memref<256xf32, #tpu.memory_space<vmem>>, vector<16xf32>,
    %swap3A_496 = vector.shape_cast %swap3A_495 : vector<16xf32> to vector<16xf32>
    %swap3A_497 = vector.shape_cast %add3A_493 : vector<16xf32> to vector<16xf32>
    tpu.vector_store %arg10[%swap3A_494], %swap3A_497 {strides = array<i32>} : memref<256xf32, #tpu.memory_space<vmem>>, vector<16xf32>,
    %get3A_498 = arith.constant 176 : index
    %get3A_499 = tpu.vector_load %arg7[%get3A_498] {strides = array<i32>} : memref<256xf32, #tpu.memory_space<vmem>>, vector<16xf32>,
    %get3A_500 = vector.shape_cast %get3A_499 : vector<16xf32> to vector<16xf32>
    %add3A_501 = arith.addf %get3A_500, %get3A_4 : vector<16xf32>
    %max3A_502 = arith.maximumf %add3A_501, %broadcast_in_dim3A_223 : vector<16xf32>
    %get3A_503 = arith.constant 176 : index
    %get3A_504 = tpu.vector_load %arg8[%get3A_503] {strides = array<i32>} : memref<256xf32, #tpu.memory_space<vmem>>, vector<16xf32>,
    %get3A_505 = vector.shape_cast %get3A_504 : vector<16xf32> to vector<16xf32>
    %add3A_506 = arith.addf %get3A_505, %get3A_7 : vector<16xf32>
    %max3A_507 = arith.maximumf %add3A_506, %broadcast_in_dim3A_223 : vector<16xf32>
    %get3A_508 = arith.constant 176 : index
    %get3A_509 = tpu.vector_load %arg9[%get3A_508] {strides = array<i32>} : memref<256xf32, #tpu.memory_space<vmem>>, vector<16xf32>,
    %get3A_510 = vector.shape_cast %get3A_509 : vector<16xf32> to vector<16xf32>
    %add3A_511 = arith.addf %get3A_510, %get3A_10 : vector<16xf32>
    %max3A_512 = arith.maximumf %add3A_511, %broadcast_in_dim3A_223 : vector<16xf32>
    %mul3A_513 = arith.mulf %get3A_13, %max3A_502 : vector<16xf32>
    %mul3A_514 = arith.mulf %get3A_16, %max3A_507 : vector<16xf32>
    %add3A_515 = arith.addf %mul3A_513, %mul3A_514 : vector<16xf32>
    %mul3A_516 = arith.mulf %get3A_19, %max3A_512 : vector<16xf32>
    %add3A_517 = arith.addf %add3A_515, %mul3A_516 : vector<16xf32>
    %add3A_518 = arith.addf %add3A_517, %get3A_22 : vector<16xf32>
    %swap3A_519 = arith.constant 176 : index
    %swap3A_520 = tpu.vector_load %arg10[%swap3A_519] {strides = array<i32>} : memref<256xf32, #tpu.memory_space<vmem>>, vector<16xf32>,
    %swap3A_521 = vector.shape_cast %swap3A_520 : vector<16xf32> to vector<16xf32>
    %swap3A_522 = vector.shape_cast %add3A_518 : vector<16xf32> to vector<16xf32>
    tpu.vector_store %arg10[%swap3A_519], %swap3A_522 {strides = array<i32>} : memref<256xf32, #tpu.memory_space<vmem>>, vector<16xf32>,
    %get3A_523 = arith.constant 192 : index
    %get3A_524 = tpu.vector_load %arg7[%get3A_523] {strides = array<i32>} : memref<256xf32, #tpu.memory_space<vmem>>, vector<16xf32>,
    %get3A_525 = vector.shape_cast %get3A_524 : vector<16xf32> to vector<16xf32>
    %add3A_526 = arith.addf %get3A_525, %get3A_4 : vector<16xf32>
    %max3A_527 = arith.maximumf %add3A_526, %broadcast_in_dim3A_223 : vector<16xf32>
    %get3A_528 = arith.constant 192 : index
    %get3A_529 = tpu.vector_load %arg8[%get3A_528] {strides = array<i32>} : memref<256xf32, #tpu.memory_space<vmem>>, vector<16xf32>,
    %get3A_530 = vector.shape_cast %get3A_529 : vector<16xf32> to vector<16xf32>
    %add3A_531 = arith.addf %get3A_530, %get3A_7 : vector<16xf32>
    %max3A_532 = arith.maximumf %add3A_531, %broadcast_in_dim3A_223 : vector<16xf32>
    %get3A_533 = arith.constant 192 : index
    %get3A_534 = tpu.vector_load %arg9[%get3A_533] {strides = array<i32>} : memref<256xf32, #tpu.memory_space<vmem>>, vector<16xf32>,
    %get3A_535 = vector.shape_cast %get3A_534 : vector<16xf32> to vector<16xf32>
    %add3A_536 = arith.addf %get3A_535, %get3A_10 : vector<16xf32>
    %max3A_537 = arith.maximumf %add3A_536, %broadcast_in_dim3A_223 : vector<16xf32>
    %mul3A_538 = arith.mulf %get3A_13, %max3A_527 : vector<16xf32>
    %mul3A_539 = arith.mulf %get3A_16, %max3A_532 : vector<16xf32>
    %add3A_540 = arith.addf %mul3A_538, %mul3A_539 : vector<16xf32>
    %mul3A_541 = arith.mulf %get3A_19, %max3A_537 : vector<16xf32>
    %add3A_542 = arith.addf %add3A_540, %mul3A_541 : vector<16xf32>
    %add3A_543 = arith.addf %add3A_542, %get3A_22 : vector<16xf32>
    %swap3A_544 = arith.constant 192 : index
    %swap3A_545 = tpu.vector_load %arg10[%swap3A_544] {strides = array<i32>} : memref<256xf32, #tpu.memory_space<vmem>>, vector<16xf32>,
    %swap3A_546 = vector.shape_cast %swap3A_545 : vector<16xf32> to vector<16xf32>
    %swap3A_547 = vector.shape_cast %add3A_543 : vector<16xf32> to vector<16xf32>
    tpu.vector_store %arg10[%swap3A_544], %swap3A_547 {strides = array<i32>} : memref<256xf32, #tpu.memory_space<vmem>>, vector<16xf32>,
    %get3A_548 = arith.constant 208 : index
    %get3A_549 = tpu.vector_load %arg7[%get3A_548] {strides = array<i32>} : memref<256xf32, #tpu.memory_space<vmem>>, vector<16xf32>,
    %get3A_550 = vector.shape_cast %get3A_549 : vector<16xf32> to vector<16xf32>
    %add3A_551 = arith.addf %get3A_550, %get3A_4 : vector<16xf32>
    %max3A_552 = arith.maximumf %add3A_551, %broadcast_in_dim3A_223 : vector<16xf32>
    %get3A_553 = arith.constant 208 : index
    %get3A_554 = tpu.vector_load %arg8[%get3A_553] {strides = array<i32>} : memref<256xf32, #tpu.memory_space<vmem>>, vector<16xf32>,
    %get3A_555 = vector.shape_cast %get3A_554 : vector<16xf32> to vector<16xf32>
    %add3A_556 = arith.addf %get3A_555, %get3A_7 : vector<16xf32>
    %max3A_557 = arith.maximumf %add3A_556, %broadcast_in_dim3A_223 : vector<16xf32>
    %get3A_558 = arith.constant 208 : index
    %get3A_559 = tpu.vector_load %arg9[%get3A_558] {strides = array<i32>} : memref<256xf32, #tpu.memory_space<vmem>>, vector<16xf32>,
    %get3A_560 = vector.shape_cast %get3A_559 : vector<16xf32> to vector<16xf32>
    %add3A_561 = arith.addf %get3A_560, %get3A_10 : vector<16xf32>
    %max3A_562 = arith.maximumf %add3A_561, %broadcast_in_dim3A_223 : vector<16xf32>
    %mul3A_563 = arith.mulf %get3A_13, %max3A_552 : vector<16xf32>
    %mul3A_564 = arith.mulf %get3A_16, %max3A_557 : vector<16xf32>
    %add3A_565 = arith.addf %mul3A_563, %mul3A_564 : vector<16xf32>
    %mul3A_566 = arith.mulf %get3A_19, %max3A_562 : vector<16xf32>
    %add3A_567 = arith.addf %add3A_565, %mul3A_566 : vector<16xf32>
    %add3A_568 = arith.addf %add3A_567, %get3A_22 : vector<16xf32>
    %swap3A_569 = arith.constant 208 : index
    %swap3A_570 = tpu.vector_load %arg10[%swap3A_569] {strides = array<i32>} : memref<256xf32, #tpu.memory_space<vmem>>, vector<16xf32>,
    %swap3A_571 = vector.shape_cast %swap3A_570 : vector<16xf32> to vector<16xf32>
    %swap3A_572 = vector.shape_cast %add3A_568 : vector<16xf32> to vector<16xf32>
    tpu.vector_store %arg10[%swap3A_569], %swap3A_572 {strides = array<i32>} : memref<256xf32, #tpu.memory_space<vmem>>, vector<16xf32>,
    %get3A_573 = arith.constant 224 : index
    %get3A_574 = tpu.vector_load %arg7[%get3A_573] {strides = array<i32>} : memref<256xf32, #tpu.memory_space<vmem>>, vector<16xf32>,
    %get3A_575 = vector.shape_cast %get3A_574 : vector<16xf32> to vector<16xf32>
    %add3A_576 = arith.addf %get3A_575, %get3A_4 : vector<16xf32>
    %max3A_577 = arith.maximumf %add3A_576, %broadcast_in_dim3A_223 : vector<16xf32>
    %get3A_578 = arith.constant 224 : index
    %get3A_579 = tpu.vector_load %arg8[%get3A_578] {strides = array<i32>} : memref<256xf32, #tpu.memory_space<vmem>>, vector<16xf32>,
    %get3A_580 = vector.shape_cast %get3A_579 : vector<16xf32> to vector<16xf32>
    %add3A_581 = arith.addf %get3A_580, %get3A_7 : vector<16xf32>
    %max3A_582 = arith.maximumf %add3A_581, %broadcast_in_dim3A_223 : vector<16xf32>
    %get3A_583 = arith.constant 224 : index
    %get3A_584 = tpu.vector_load %arg9[%get3A_583] {strides = array<i32>} : memref<256xf32, #tpu.memory_space<vmem>>, vector<16xf32>,
    %get3A_585 = vector.shape_cast %get3A_584 : vector<16xf32> to vector<16xf32>
    %add3A_586 = arith.addf %get3A_585, %get3A_10 : vector<16xf32>
    %max3A_587 = arith.maximumf %add3A_586, %broadcast_in_dim3A_223 : vector<16xf32>
    %mul3A_588 = arith.mulf %get3A_13, %max3A_577 : vector<16xf32>
    %mul3A_589 = arith.mulf %get3A_16, %max3A_582 : vector<16xf32>
    %add3A_590 = arith.addf %mul3A_588, %mul3A_589 : vector<16xf32>
    %mul3A_591 = arith.mulf %get3A_19, %max3A_587 : vector<16xf32>
    %add3A_592 = arith.addf %add3A_590, %mul3A_591 : vector<16xf32>
    %add3A_593 = arith.addf %add3A_592, %get3A_22 : vector<16xf32>
    %swap3A_594 = arith.constant 224 : index
    %swap3A_595 = tpu.vector_load %arg10[%swap3A_594] {strides = array<i32>} : memref<256xf32, #tpu.memory_space<vmem>>, vector<16xf32>,
    %swap3A_596 = vector.shape_cast %swap3A_595 : vector<16xf32> to vector<16xf32>
    %swap3A_597 = vector.shape_cast %add3A_593 : vector<16xf32> to vector<16xf32>
    tpu.vector_store %arg10[%swap3A_594], %swap3A_597 {strides = array<i32>} : memref<256xf32, #tpu.memory_space<vmem>>, vector<16xf32>,
    %get3A_598 = arith.constant 240 : index
    %get3A_599 = tpu.vector_load %arg7[%get3A_598] {strides = array<i32>} : memref<256xf32, #tpu.memory_space<vmem>>, vector<16xf32>,
    %get3A_600 = vector.shape_cast %get3A_599 : vector<16xf32> to vector<16xf32>
    %add3A_601 = arith.addf %get3A_600, %get3A_4 : vector<16xf32>
    %max3A_602 = arith.maximumf %add3A_601, %broadcast_in_dim3A_223 : vector<16xf32>
    %get3A_603 = arith.constant 240 : index
    %get3A_604 = tpu.vector_load %arg8[%get3A_603] {strides = array<i32>} : memref<256xf32, #tpu.memory_space<vmem>>, vector<16xf32>,
    %get3A_605 = vector.shape_cast %get3A_604 : vector<16xf32> to vector<16xf32>
    %add3A_606 = arith.addf %get3A_605, %get3A_7 : vector<16xf32>
    %max3A_607 = arith.maximumf %add3A_606, %broadcast_in_dim3A_223 : vector<16xf32>
    %get3A_608 = arith.constant 240 : index
    %get3A_609 = tpu.vector_load %arg9[%get3A_608] {strides = array<i32>} : memref<256xf32, #tpu.memory_space<vmem>>, vector<16xf32>,
    %get3A_610 = vector.shape_cast %get3A_609 : vector<16xf32> to vector<16xf32>
    %add3A_611 = arith.addf %get3A_610, %get3A_10 : vector<16xf32>
    %max3A_612 = arith.maximumf %add3A_611, %broadcast_in_dim3A_223 : vector<16xf32>
    %mul3A_613 = arith.mulf %get3A_13, %max3A_602 : vector<16xf32>
    %mul3A_614 = arith.mulf %get3A_16, %max3A_607 : vector<16xf32>
    %add3A_615 = arith.addf %mul3A_613, %mul3A_614 : vector<16xf32>
    %mul3A_616 = arith.mulf %get3A_19, %max3A_612 : vector<16xf32>
    %add3A_617 = arith.addf %add3A_615, %mul3A_616 : vector<16xf32>
    %add3A_618 = arith.addf %add3A_617, %get3A_22 : vector<16xf32>
    %swap3A_619 = arith.constant 240 : index
    %swap3A_620 = tpu.vector_load %arg10[%swap3A_619] {strides = array<i32>} : memref<256xf32, #tpu.memory_space<vmem>>, vector<16xf32>,
    %swap3A_621 = vector.shape_cast %swap3A_620 : vector<16xf32> to vector<16xf32>
    %swap3A_622 = vector.shape_cast %add3A_618 : vector<16xf32> to vector<16xf32>
    tpu.vector_store %arg10[%swap3A_619], %swap3A_622 {strides = array<i32>} : memref<256xf32, #tpu.memory_space<vmem>>, vector<16xf32>,
    %mul3A_623 = arith.constant 256 : i32
    %mul3A_624 = arith.muli %add3A, %mul3A_623 : i32
    "tpu.region"() ({
      %run_scoped3A = tpu.sem_alloc : memref<!tpu.dma_semaphore, #tpu.memory_space<semaphore_mem>>
      %dma_start3A = tpu.memref_slice %arg4[%mul3A_624] : memref<8192xf32, #tpu.memory_space<hbm>> -> memref<256xf32, #tpu.memory_space<hbm>>
      %dma_start3A_625 = tpu.memref_slice %arg4[%mul3A_624] : memref<8192xf32, #tpu.memory_space<hbm>> -> memref<256xf32, #tpu.memory_space<hbm>>
      tpu.enqueue_dma source(%arg10 : memref<256xf32, #tpu.memory_space<vmem>>) target(%dma_start3A_625 : memref<256xf32, #tpu.memory_space<hbm>>) target_semaphore(%run_scoped3A : memref<!tpu.dma_semaphore, #tpu.memory_space<semaphore_mem>>)
      %dma_wait3A = tpu.memref_slice %arg4[%mul3A_624] : memref<8192xf32, #tpu.memory_space<hbm>> -> memref<256xf32, #tpu.memory_space<hbm>>
      %dma_wait3A_626 = tpu.memref_slice %arg4[%mul3A_624] : memref<8192xf32, #tpu.memory_space<hbm>> -> memref<256xf32, #tpu.memory_space<hbm>>
      tpu.wait_dma2 semaphore(%run_scoped3A : memref<!tpu.dma_semaphore, #tpu.memory_space<semaphore_mem>>) src(%arg10 : memref<256xf32, #tpu.memory_space<vmem>>) dst(%dma_wait3A_626 : memref<256xf32, #tpu.memory_space<hbm>>)
      tpu.yield
    }) : () -> ()
    return
  }
}

module attributes {stable_mosaic.version = 14 : i64} {
  func.func @_tc_body(%arg0: i32, %arg1: memref<12288x128xf32, #tpu.memory_space<vmem>>, %arg2: memref<128xf32, #tpu.memory_space<vmem>>, %arg3: memref<64xf32, #tpu.memory_space<vmem>>, %arg4: memref<1x128xf32, #tpu.memory_space<vmem>>, %arg5: memref<1xf32, #tpu.memory_space<vmem>>, %arg6: memref<64xf32, #tpu.memory_space<vmem>>, %arg7: memref<32xf32, #tpu.memory_space<vmem>>, %arg8: memref<1x64xf32, #tpu.memory_space<vmem>>, %arg9: memref<1xf32, #tpu.memory_space<vmem>>, %arg10: memref<1x32xf32, #tpu.memory_space<vmem>>, %arg11: memref<1xf32, #tpu.memory_space<vmem>>, %arg12: memref<1x3xf32, #tpu.memory_space<vmem>>, %arg13: memref<1xf32, #tpu.memory_space<vmem>>, %arg14: memref<128xi32, #tpu.memory_space<vmem>>, %arg15: memref<128xi32, #tpu.memory_space<vmem>>, %arg16: memref<64xi32, #tpu.memory_space<vmem>>, %arg17: memref<64xi32, #tpu.memory_space<vmem>>, %arg18: memref<96x128xf32, #tpu.memory_space<vmem>>, %arg19: memref<128x128xbf16, #tpu.memory_space<vmem>>, %arg20: memref<128x128xbf16, #tpu.memory_space<vmem>>, %arg21: memref<128x128xbf16, #tpu.memory_space<vmem>>, %arg22: memref<128x128xbf16, #tpu.memory_space<vmem>>, %arg23: memref<1x128xbf16, #tpu.memory_space<vmem>>) attributes {dimension_semantics = [#tpu.dimension_semantics<arbitrary>], iteration_bounds = array<i64: 10>, scalar_prefetch = 0 : i64, scratch_operands = 5 : i64, tpu.core_type = #tpu.core_type<tc>, window_params = [{transform_indices = @transform_0, window_bounds = array<i64: 12288, 128>}, {pipeline_mode = #tpu.pipeline_mode<synchronous>, transform_indices = @transform_1, window_bounds = array<i64: 128>}, {pipeline_mode = #tpu.pipeline_mode<synchronous>, transform_indices = @transform_2, window_bounds = array<i64: 64>}, {pipeline_mode = #tpu.pipeline_mode<synchronous>, transform_indices = @transform_3, window_bounds = array<i64: 1, 128>}, {pipeline_mode = #tpu.pipeline_mode<synchronous>, transform_indices = @transform_4, window_bounds = array<i64: 1>}, {pipeline_mode = #tpu.pipeline_mode<synchronous>, transform_indices = @transform_5, window_bounds = array<i64: 64>}, {pipeline_mode = #tpu.pipeline_mode<synchronous>, transform_indices = @transform_6, window_bounds = array<i64: 32>}, {pipeline_mode = #tpu.pipeline_mode<synchronous>, transform_indices = @transform_7, window_bounds = array<i64: 1, 64>}, {pipeline_mode = #tpu.pipeline_mode<synchronous>, transform_indices = @transform_8, window_bounds = array<i64: 1>}, {pipeline_mode = #tpu.pipeline_mode<synchronous>, transform_indices = @transform_9, window_bounds = array<i64: 1, 32>}, {pipeline_mode = #tpu.pipeline_mode<synchronous>, transform_indices = @transform_10, window_bounds = array<i64: 1>}, {pipeline_mode = #tpu.pipeline_mode<synchronous>, transform_indices = @transform_11, window_bounds = array<i64: 1, 3>}, {pipeline_mode = #tpu.pipeline_mode<synchronous>, transform_indices = @transform_12, window_bounds = array<i64: 1>}, {pipeline_mode = #tpu.pipeline_mode<synchronous>, transform_indices = @transform_13, window_bounds = array<i64: 128>}, {pipeline_mode = #tpu.pipeline_mode<synchronous>, transform_indices = @transform_14, window_bounds = array<i64: 128>}, {pipeline_mode = #tpu.pipeline_mode<synchronous>, transform_indices = @transform_15, window_bounds = array<i64: 64>}, {pipeline_mode = #tpu.pipeline_mode<synchronous>, transform_indices = @transform_16, window_bounds = array<i64: 64>}, {transform_indices = @transform_17, window_bounds = array<i64: 96, 128>}]} {
    %eq3A = arith.constant 0 : i32
    %eq3A_0 = arith.cmpi eq, %arg0, %eq3A : i32
    %convert_element_type3A = arith.extui %eq3A_0 : i1 to i32
    %cond3A = arith.constant 0 : i32
    %cond3A_1 = arith.cmpi ne, %convert_element_type3A, %cond3A : i32
    scf.if %cond3A_1 {
      %get3A_42 = arith.constant 0 : index
      %get3A_43 = vector.load %arg2[%get3A_42] : memref<128xf32, #tpu.memory_space<vmem>>, vector<128xf32>
      %get3A_44 = arith.constant 0 : index
      %get3A_45 = vector.load %arg14[%get3A_44] : memref<128xi32, #tpu.memory_space<vmem>>, vector<128xi32>
      %get3A_46 = arith.constant 0 : index
      %get3A_47 = vector.load %arg15[%get3A_46] : memref<128xi32, #tpu.memory_space<vmem>>, vector<128xi32>
      %iota3A = tpu.iota {dimensions = array<i32: 0>} : vector<128x128xi32>
      %broadcast_in_dim3A_48 = vector.shape_cast %get3A_47 : vector<128xi32> to vector<1x128xi32>
      %eq3A_49 = vector.broadcast %broadcast_in_dim3A_48 : vector<1x128xi32> to vector<128x128xi32>
      %eq3A_50 = arith.cmpi eq, %eq3A_49, %iota3A : vector<128x128xi32>
      %broadcast_in_dim3A_51 = vector.shape_cast %get3A_43 : vector<128xf32> to vector<1x128xf32>
      %jit3A = arith.constant 0.000000e+00 : f32
      %broadcast_in_dim3A_52 = vector.shape_cast %broadcast_in_dim3A_51 : vector<1x128xf32> to vector<1x128xf32>
      %broadcast_in_dim3A_53 = vector.broadcast %broadcast_in_dim3A_52 : vector<1x128xf32> to vector<128x128xf32>
      %broadcast_in_dim3A_54 = vector.broadcast %jit3A : f32 to vector<128x128xf32>
      %select_n3A = arith.select %eq3A_50, %broadcast_in_dim3A_53, %broadcast_in_dim3A_54 : vector<128x128xi1>, vector<128x128xf32>
      %iota3A_55 = tpu.iota {dimensions = array<i32: 0>} : vector<128x128xi32>
      %broadcast_in_dim3A_56 = vector.shape_cast %get3A_45 : vector<128xi32> to vector<1x128xi32>
      %eq3A_57 = vector.broadcast %broadcast_in_dim3A_56 : vector<1x128xi32> to vector<128x128xi32>
      %eq3A_58 = arith.cmpi eq, %eq3A_57, %iota3A_55 : vector<128x128xi32>
      %jit3A_59 = arith.constant 1.000000e+00 : f32
      %jit3A_60 = arith.constant 0.000000e+00 : f32
      %broadcast_in_dim3A_61 = vector.broadcast %jit3A_59 : f32 to vector<128x128xf32>
      %broadcast_in_dim3A_62 = vector.broadcast %jit3A_60 : f32 to vector<128x128xf32>
      %select_n3A_63 = arith.select %eq3A_58, %broadcast_in_dim3A_61, %broadcast_in_dim3A_62 : vector<128x128xi1>, vector<128x128xf32>
      %dot_general3A_64 = arith.constant dense<0.000000e+00> : vector<128x128xf32>
      %dot_general3A_65 = tpu.matmul %select_n3A, %select_n3A_63, %dot_general3A_64 {dimension_numbers = #tpu.dot_dimension_numbers<[1], [1], [0], [0], [0, 0, 1, 0], [], []>, precision = #tpu.contract_precision<fp32>, transpose_lhs_hint = false} : vector<128x128xf32>, vector<128x128xf32>, vector<128x128xf32> -> vector<128x128xf32>
      %get3A_66 = arith.constant 0 : index
      %get3A_67 = arith.constant 0 : index
      %get3A_68 = vector.load %arg4[%get3A_66, %get3A_67] : memref<1x128xf32, #tpu.memory_space<vmem>>, vector<1x128xf32>
      %iota3A_69 = tpu.iota {dimensions = array<i32: 1>} : vector<1x128xi32>
      %eq3A_70 = arith.constant 64 : i32
      %eq3A_71 = vector.broadcast %eq3A_70 : i32 to vector<1x128xi32>
      %eq3A_72 = arith.cmpi eq, %iota3A_69, %eq3A_71 : vector<1x128xi32>
      %convert_element_type3A_73 = arith.extui %eq3A_72 : vector<1x128xi1> to vector<1x128xi32>
      %convert_element_type3A_74 = arith.sitofp %convert_element_type3A_73 : vector<1x128xi32> to vector<1x128xf32>
      %dot_general3A_75 = arith.constant dense<0.000000e+00> : vector<128x128xf32>
      %dot_general3A_76 = tpu.matmul %get3A_68, %convert_element_type3A_74, %dot_general3A_75 {dimension_numbers = #tpu.dot_dimension_numbers<[0], [0], [1], [1], [0, 1, 1, 1], [], []>, precision = #tpu.contract_precision<fp32>, transpose_lhs_hint = false} : vector<1x128xf32>, vector<1x128xf32>, vector<128x128xf32> -> vector<128x128xf32>
      %add3A_77 = arith.addf %dot_general3A_65, %dot_general3A_76 : vector<128x128xf32>
      %convert_element_type3A_78 = arith.truncf %add3A_77 : vector<128x128xf32> to vector<128x128xbf16>
      %swap3A_79 = arith.constant 0 : index
      %swap3A_80 = arith.constant 0 : index
      %swap3A_81 = vector.load %arg19[%swap3A_79, %swap3A_80] : memref<128x128xbf16, #tpu.memory_space<vmem>>, vector<128x128xbf16>
      tpu.vector_store %arg19[%swap3A_79, %swap3A_80], %convert_element_type3A_78 {strides = array<i32>} : memref<128x128xbf16, #tpu.memory_space<vmem>>, vector<128x128xbf16>,
      %get3A_82 = arith.constant 0 : index
      %get3A_83 = vector.load %arg3[%get3A_82] : memref<64xf32, #tpu.memory_space<vmem>>, vector<64xf32>
      %get3A_84 = arith.constant 0 : index
      %get3A_85 = vector.load %arg5[%get3A_84] : memref<1xf32, #tpu.memory_space<vmem>>, vector<1xf32>
      %broadcast_in_dim3A_86 = arith.constant 1.000000e+00 : f32
      %broadcast_in_dim3A_87 = vector.broadcast %broadcast_in_dim3A_86 : f32 to vector<1xf32>
      %broadcast_in_dim3A_88 = arith.constant 0.000000e+00 : f32
      %broadcast_in_dim3A_89 = vector.broadcast %broadcast_in_dim3A_88 : f32 to vector<62xf32>
      %concatenate3A = tpu.concatenate %get3A_83, %get3A_85, %broadcast_in_dim3A_87, %broadcast_in_dim3A_89 in 0 : vector<64xf32>, vector<1xf32>, vector<1xf32>, vector<62xf32> -> vector<128xf32>
      %reshape3A_90 = vector.shape_cast %concatenate3A : vector<128xf32> to vector<1x128xf32>
      %convert_element_type3A_91 = arith.truncf %reshape3A_90 : vector<1x128xf32> to vector<1x128xbf16>
      %swap3A_92 = arith.constant 0 : index
      %swap3A_93 = arith.constant 0 : index
      %swap3A_94 = vector.load %arg23[%swap3A_92, %swap3A_93] : memref<1x128xbf16, #tpu.memory_space<vmem>>, vector<1x128xbf16>
      tpu.vector_store %arg23[%swap3A_92, %swap3A_93], %convert_element_type3A_91 {strides = array<i32>} : memref<1x128xbf16, #tpu.memory_space<vmem>>, vector<1x128xbf16>,
      %get3A_95 = arith.constant 0 : index
      %get3A_96 = arith.constant 0 : index
      %get3A_97 = vector.load %arg8[%get3A_95, %get3A_96] : memref<1x64xf32, #tpu.memory_space<vmem>>, vector<1x64xf32>
      %broadcast_in_dim3A_98 = arith.constant 0.000000e+00 : f32
      %broadcast_in_dim3A_99 = vector.broadcast %broadcast_in_dim3A_98 : f32 to vector<1x64xf32>
      %concatenate3A_100 = tpu.concatenate %get3A_97, %broadcast_in_dim3A_99 in 1 : vector<1x64xf32>, vector<1x64xf32> -> vector<1x128xf32>
      %get3A_101 = arith.constant 0 : index
      %get3A_102 = vector.load %arg7[%get3A_101] : memref<32xf32, #tpu.memory_space<vmem>>, vector<32xf32>
      %get3A_103 = arith.constant 0 : index
      %get3A_104 = vector.load %arg9[%get3A_103] : memref<1xf32, #tpu.memory_space<vmem>>, vector<1xf32>
      %broadcast_in_dim3A_105 = arith.constant 0.000000e+00 : f32
      %broadcast_in_dim3A_106 = vector.broadcast %broadcast_in_dim3A_105 : f32 to vector<1xf32>
      %broadcast_in_dim3A_107 = arith.constant 1.000000e+00 : f32
      %broadcast_in_dim3A_108 = vector.broadcast %broadcast_in_dim3A_107 : f32 to vector<1xf32>
      %broadcast_in_dim3A_109 = arith.constant 0.000000e+00 : f32
      %broadcast_in_dim3A_110 = vector.broadcast %broadcast_in_dim3A_109 : f32 to vector<93xf32>
      %concatenate3A_111 = tpu.concatenate %get3A_102, %get3A_104, %broadcast_in_dim3A_106, %broadcast_in_dim3A_108, %broadcast_in_dim3A_110 in 0 : vector<32xf32>, vector<1xf32>, vector<1xf32>, vector<1xf32>, vector<93xf32> -> vector<128xf32>
      %get3A_112 = arith.constant 0 : index
      %get3A_113 = vector.load %arg6[%get3A_112] : memref<64xf32, #tpu.memory_space<vmem>>, vector<64xf32>
      %get3A_114 = arith.constant 0 : index
      %get3A_115 = vector.load %arg16[%get3A_114] : memref<64xi32, #tpu.memory_space<vmem>>, vector<64xi32>
      %get3A_116 = arith.constant 0 : index
      %get3A_117 = vector.load %arg17[%get3A_116] : memref<64xi32, #tpu.memory_space<vmem>>, vector<64xi32>
      %iota3A_118 = tpu.iota {dimensions = array<i32: 0>} : vector<128x64xi32>
      %broadcast_in_dim3A_119 = vector.shape_cast %get3A_117 : vector<64xi32> to vector<1x64xi32>
      %eq3A_120 = vector.broadcast %broadcast_in_dim3A_119 : vector<1x64xi32> to vector<128x64xi32>
      %eq3A_121 = arith.cmpi eq, %eq3A_120, %iota3A_118 : vector<128x64xi32>
      %broadcast_in_dim3A_122 = vector.shape_cast %get3A_113 : vector<64xf32> to vector<1x64xf32>
      %jit3A_123 = arith.constant 0.000000e+00 : f32
      %broadcast_in_dim3A_124 = vector.shape_cast %broadcast_in_dim3A_122 : vector<1x64xf32> to vector<1x64xf32>
      %broadcast_in_dim3A_125 = vector.broadcast %broadcast_in_dim3A_124 : vector<1x64xf32> to vector<128x64xf32>
      %broadcast_in_dim3A_126 = vector.broadcast %jit3A_123 : f32 to vector<128x64xf32>
      %select_n3A_127 = arith.select %eq3A_121, %broadcast_in_dim3A_125, %broadcast_in_dim3A_126 : vector<128x64xi1>, vector<128x64xf32>
      %iota3A_128 = tpu.iota {dimensions = array<i32: 0>} : vector<128x64xi32>
      %broadcast_in_dim3A_129 = vector.shape_cast %get3A_115 : vector<64xi32> to vector<1x64xi32>
      %eq3A_130 = vector.broadcast %broadcast_in_dim3A_129 : vector<1x64xi32> to vector<128x64xi32>
      %eq3A_131 = arith.cmpi eq, %eq3A_130, %iota3A_128 : vector<128x64xi32>
      %jit3A_132 = arith.constant 1.000000e+00 : f32
      %jit3A_133 = arith.constant 0.000000e+00 : f32
      %broadcast_in_dim3A_134 = vector.broadcast %jit3A_132 : f32 to vector<128x64xf32>
      %broadcast_in_dim3A_135 = vector.broadcast %jit3A_133 : f32 to vector<128x64xf32>
      %select_n3A_136 = arith.select %eq3A_131, %broadcast_in_dim3A_134, %broadcast_in_dim3A_135 : vector<128x64xi1>, vector<128x64xf32>
      %dot_general3A_137 = arith.constant dense<0.000000e+00> : vector<128x128xf32>
      %dot_general3A_138 = tpu.matmul %select_n3A_127, %select_n3A_136, %dot_general3A_137 {dimension_numbers = #tpu.dot_dimension_numbers<[1], [1], [0], [0], [0, 0, 1, 0], [], []>, precision = #tpu.contract_precision<fp32>, transpose_lhs_hint = false} : vector<128x64xf32>, vector<128x64xf32>, vector<128x128xf32> -> vector<128x128xf32>
      %iota3A_139 = tpu.iota {dimensions = array<i32: 1>} : vector<1x128xi32>
      %eq3A_140 = arith.constant 32 : i32
      %eq3A_141 = vector.broadcast %eq3A_140 : i32 to vector<1x128xi32>
      %eq3A_142 = arith.cmpi eq, %iota3A_139, %eq3A_141 : vector<1x128xi32>
      %convert_element_type3A_143 = arith.extui %eq3A_142 : vector<1x128xi1> to vector<1x128xi32>
      %convert_element_type3A_144 = arith.sitofp %convert_element_type3A_143 : vector<1x128xi32> to vector<1x128xf32>
      %dot_general3A_145 = arith.constant dense<0.000000e+00> : vector<128x128xf32>
      %dot_general3A_146 = tpu.matmul %concatenate3A_100, %convert_element_type3A_144, %dot_general3A_145 {dimension_numbers = #tpu.dot_dimension_numbers<[0], [0], [1], [1], [0, 1, 1, 1], [], []>, precision = #tpu.contract_precision<fp32>, transpose_lhs_hint = false} : vector<1x128xf32>, vector<1x128xf32>, vector<128x128xf32> -> vector<128x128xf32>
      %add3A_147 = arith.addf %dot_general3A_138, %dot_general3A_146 : vector<128x128xf32>
      %iota3A_148 = tpu.iota {dimensions = array<i32: 0>} : vector<128x128xi32>
      %iota3A_149 = tpu.iota {dimensions = array<i32: 1>} : vector<128x128xi32>
      %eq3A_150 = arith.constant 64 : i32
      %eq3A_151 = vector.broadcast %eq3A_150 : i32 to vector<128x128xi32>
      %eq3A_152 = arith.cmpi eq, %iota3A_148, %eq3A_151 : vector<128x128xi32>
      %eq3A_153 = arith.constant 33 : i32
      %eq3A_154 = vector.broadcast %eq3A_153 : i32 to vector<128x128xi32>
      %eq3A_155 = arith.cmpi eq, %iota3A_149, %eq3A_154 : vector<128x128xi32>
      %and3A = arith.andi %eq3A_152, %eq3A_155 : vector<128x128xi1>
      %convert_element_type3A_156 = arith.extui %and3A : vector<128x128xi1> to vector<128x128xi32>
      %convert_element_type3A_157 = arith.sitofp %convert_element_type3A_156 : vector<128x128xi32> to vector<128x128xf32>
      %add3A_158 = arith.addf %add3A_147, %convert_element_type3A_157 : vector<128x128xf32>
      %iota3A_159 = tpu.iota {dimensions = array<i32: 1>} : vector<1x128xi32>
      %eq3A_160 = arith.constant 65 : i32
      %eq3A_161 = vector.broadcast %eq3A_160 : i32 to vector<1x128xi32>
      %eq3A_162 = arith.cmpi eq, %iota3A_159, %eq3A_161 : vector<1x128xi32>
      %convert_element_type3A_163 = arith.extui %eq3A_162 : vector<1x128xi1> to vector<1x128xi32>
      %convert_element_type3A_164 = arith.sitofp %convert_element_type3A_163 : vector<1x128xi32> to vector<1x128xf32>
      %reshape3A_165 = vector.shape_cast %concatenate3A_111 : vector<128xf32> to vector<1x128xf32>
      %dot_general3A_166 = arith.constant dense<0.000000e+00> : vector<128x128xf32>
      %dot_general3A_167 = tpu.matmul %convert_element_type3A_164, %reshape3A_165, %dot_general3A_166 {dimension_numbers = #tpu.dot_dimension_numbers<[0], [0], [1], [1], [0, 1, 1, 1], [], []>, precision = #tpu.contract_precision<fp32>, transpose_lhs_hint = false} : vector<1x128xf32>, vector<1x128xf32>, vector<128x128xf32> -> vector<128x128xf32>
      %add3A_168 = arith.addf %add3A_158, %dot_general3A_167 : vector<128x128xf32>
      %convert_element_type3A_169 = arith.truncf %add3A_168 : vector<128x128xf32> to vector<128x128xbf16>
      %swap3A_170 = arith.constant 0 : index
      %swap3A_171 = arith.constant 0 : index
      %swap3A_172 = vector.load %arg20[%swap3A_170, %swap3A_171] : memref<128x128xbf16, #tpu.memory_space<vmem>>, vector<128x128xbf16>
      tpu.vector_store %arg20[%swap3A_170, %swap3A_171], %convert_element_type3A_169 {strides = array<i32>} : memref<128x128xbf16, #tpu.memory_space<vmem>>, vector<128x128xbf16>,
      %get3A_173 = arith.constant 0 : index
      %get3A_174 = arith.constant 0 : index
      %get3A_175 = vector.load %arg10[%get3A_173, %get3A_174] : memref<1x32xf32, #tpu.memory_space<vmem>>, vector<1x32xf32>
      %broadcast_in_dim3A_176 = arith.constant 0.000000e+00 : f32
      %broadcast_in_dim3A_177 = vector.broadcast %broadcast_in_dim3A_176 : f32 to vector<1x96xf32>
      %concatenate3A_178 = tpu.concatenate %get3A_175, %broadcast_in_dim3A_177 in 1 : vector<1x32xf32>, vector<1x96xf32> -> vector<1x128xf32>
      %get3A_179 = arith.constant 0 : index
      %get3A_180 = vector.load %arg11[%get3A_179] : memref<1xf32, #tpu.memory_space<vmem>>, vector<1xf32>
      %get3A_181 = vector.extract %get3A_180[0] : f32 from vector<1xf32>
      %iota3A_182 = tpu.iota {dimensions = array<i32: 1>} : vector<1x128xi32>
      %eq3A_183 = arith.constant 0 : i32
      %eq3A_184 = vector.broadcast %eq3A_183 : i32 to vector<1x128xi32>
      %eq3A_185 = arith.cmpi eq, %iota3A_182, %eq3A_184 : vector<1x128xi32>
      %convert_element_type3A_186 = arith.extui %eq3A_185 : vector<1x128xi1> to vector<1x128xi32>
      %convert_element_type3A_187 = arith.sitofp %convert_element_type3A_186 : vector<1x128xi32> to vector<1x128xf32>
      %mul3A = vector.broadcast %get3A_181 : f32 to vector<1x128xf32>
      %mul3A_188 = arith.mulf %mul3A, %convert_element_type3A_187 : vector<1x128xf32>
      %iota3A_189 = tpu.iota {dimensions = array<i32: 1>} : vector<1x128xi32>
      %eq3A_190 = arith.constant 3 : i32
      %eq3A_191 = vector.broadcast %eq3A_190 : i32 to vector<1x128xi32>
      %eq3A_192 = arith.cmpi eq, %iota3A_189, %eq3A_191 : vector<1x128xi32>
      %convert_element_type3A_193 = arith.extui %eq3A_192 : vector<1x128xi1> to vector<1x128xi32>
      %convert_element_type3A_194 = arith.sitofp %convert_element_type3A_193 : vector<1x128xi32> to vector<1x128xf32>
      %add3A_195 = arith.addf %mul3A_188, %convert_element_type3A_194 : vector<1x128xf32>
      %iota3A_196 = tpu.iota {dimensions = array<i32: 1>} : vector<1x128xi32>
      %eq3A_197 = arith.constant 0 : i32
      %eq3A_198 = vector.broadcast %eq3A_197 : i32 to vector<1x128xi32>
      %eq3A_199 = arith.cmpi eq, %iota3A_196, %eq3A_198 : vector<1x128xi32>
      %convert_element_type3A_200 = arith.extui %eq3A_199 : vector<1x128xi1> to vector<1x128xi32>
      %convert_element_type3A_201 = arith.sitofp %convert_element_type3A_200 : vector<1x128xi32> to vector<1x128xf32>
      %dot_general3A_202 = arith.constant dense<0.000000e+00> : vector<128x128xf32>
      %dot_general3A_203 = tpu.matmul %concatenate3A_178, %convert_element_type3A_201, %dot_general3A_202 {dimension_numbers = #tpu.dot_dimension_numbers<[0], [0], [1], [1], [0, 1, 1, 1], [], []>, precision = #tpu.contract_precision<fp32>, transpose_lhs_hint = false} : vector<1x128xf32>, vector<1x128xf32>, vector<128x128xf32> -> vector<128x128xf32>
      %iota3A_204 = tpu.iota {dimensions = array<i32: 0>} : vector<128x128xi32>
      %iota3A_205 = tpu.iota {dimensions = array<i32: 1>} : vector<128x128xi32>
      %eq3A_206 = arith.constant 32 : i32
      %eq3A_207 = vector.broadcast %eq3A_206 : i32 to vector<128x128xi32>
      %eq3A_208 = arith.cmpi eq, %iota3A_204, %eq3A_207 : vector<128x128xi32>
      %eq3A_209 = arith.constant 1 : i32
      %eq3A_210 = vector.broadcast %eq3A_209 : i32 to vector<128x128xi32>
      %eq3A_211 = arith.cmpi eq, %iota3A_205, %eq3A_210 : vector<128x128xi32>
      %and3A_212 = arith.andi %eq3A_208, %eq3A_211 : vector<128x128xi1>
      %convert_element_type3A_213 = arith.extui %and3A_212 : vector<128x128xi1> to vector<128x128xi32>
      %convert_element_type3A_214 = arith.sitofp %convert_element_type3A_213 : vector<128x128xi32> to vector<128x128xf32>
      %add3A_215 = arith.addf %dot_general3A_203, %convert_element_type3A_214 : vector<128x128xf32>
      %iota3A_216 = tpu.iota {dimensions = array<i32: 0>} : vector<128x128xi32>
      %iota3A_217 = tpu.iota {dimensions = array<i32: 1>} : vector<128x128xi32>
      %eq3A_218 = arith.constant 33 : i32
      %eq3A_219 = vector.broadcast %eq3A_218 : i32 to vector<128x128xi32>
      %eq3A_220 = arith.cmpi eq, %iota3A_216, %eq3A_219 : vector<128x128xi32>
      %eq3A_221 = arith.constant 2 : i32
      %eq3A_222 = vector.broadcast %eq3A_221 : i32 to vector<128x128xi32>
      %eq3A_223 = arith.cmpi eq, %iota3A_217, %eq3A_222 : vector<128x128xi32>
      %and3A_224 = arith.andi %eq3A_220, %eq3A_223 : vector<128x128xi1>
      %convert_element_type3A_225 = arith.extui %and3A_224 : vector<128x128xi1> to vector<128x128xi32>
      %convert_element_type3A_226 = arith.sitofp %convert_element_type3A_225 : vector<128x128xi32> to vector<128x128xf32>
      %add3A_227 = arith.addf %add3A_215, %convert_element_type3A_226 : vector<128x128xf32>
      %iota3A_228 = tpu.iota {dimensions = array<i32: 1>} : vector<1x128xi32>
      %eq3A_229 = arith.constant 34 : i32
      %eq3A_230 = vector.broadcast %eq3A_229 : i32 to vector<1x128xi32>
      %eq3A_231 = arith.cmpi eq, %iota3A_228, %eq3A_230 : vector<1x128xi32>
      %convert_element_type3A_232 = arith.extui %eq3A_231 : vector<1x128xi1> to vector<1x128xi32>
      %convert_element_type3A_233 = arith.sitofp %convert_element_type3A_232 : vector<1x128xi32> to vector<1x128xf32>
      %dot_general3A_234 = arith.constant dense<0.000000e+00> : vector<128x128xf32>
      %dot_general3A_235 = tpu.matmul %convert_element_type3A_233, %add3A_195, %dot_general3A_234 {dimension_numbers = #tpu.dot_dimension_numbers<[0], [0], [1], [1], [0, 1, 1, 1], [], []>, precision = #tpu.contract_precision<fp32>, transpose_lhs_hint = false} : vector<1x128xf32>, vector<1x128xf32>, vector<128x128xf32> -> vector<128x128xf32>
      %add3A_236 = arith.addf %add3A_227, %dot_general3A_235 : vector<128x128xf32>
      %convert_element_type3A_237 = arith.truncf %add3A_236 : vector<128x128xf32> to vector<128x128xbf16>
      %swap3A_238 = arith.constant 0 : index
      %swap3A_239 = arith.constant 0 : index
      %swap3A_240 = vector.load %arg21[%swap3A_238, %swap3A_239] : memref<128x128xbf16, #tpu.memory_space<vmem>>, vector<128x128xbf16>
      tpu.vector_store %arg21[%swap3A_238, %swap3A_239], %convert_element_type3A_237 {strides = array<i32>} : memref<128x128xbf16, #tpu.memory_space<vmem>>, vector<128x128xbf16>,
      %get3A_241 = arith.constant 0 : index
      %get3A_242 = arith.constant 2 : index
      %get3A_243 = vector.load %arg12[%get3A_241, %get3A_242] : memref<1x3xf32, #tpu.memory_space<vmem>>, vector<1x1xf32>
      %get3A_244 = vector.extract %get3A_243[0, 0] : f32 from vector<1x1xf32>
      %iota3A_245 = tpu.iota {dimensions = array<i32: 1>} : vector<1x128xi32>
      %eq3A_246 = arith.constant 0 : i32
      %eq3A_247 = vector.broadcast %eq3A_246 : i32 to vector<1x128xi32>
      %eq3A_248 = arith.cmpi eq, %iota3A_245, %eq3A_247 : vector<1x128xi32>
      %convert_element_type3A_249 = arith.extui %eq3A_248 : vector<1x128xi1> to vector<1x128xi32>
      %convert_element_type3A_250 = arith.sitofp %convert_element_type3A_249 : vector<1x128xi32> to vector<1x128xf32>
      %mul3A_251 = vector.broadcast %get3A_244 : f32 to vector<1x128xf32>
      %mul3A_252 = arith.mulf %mul3A_251, %convert_element_type3A_250 : vector<1x128xf32>
      %get3A_253 = arith.constant 0 : index
      %get3A_254 = arith.constant 1 : index
      %get3A_255 = vector.load %arg12[%get3A_253, %get3A_254] : memref<1x3xf32, #tpu.memory_space<vmem>>, vector<1x1xf32>
      %get3A_256 = vector.extract %get3A_255[0, 0] : f32 from vector<1x1xf32>
      %iota3A_257 = tpu.iota {dimensions = array<i32: 1>} : vector<1x128xi32>
      %eq3A_258 = arith.constant 1 : i32
      %eq3A_259 = vector.broadcast %eq3A_258 : i32 to vector<1x128xi32>
      %eq3A_260 = arith.cmpi eq, %iota3A_257, %eq3A_259 : vector<1x128xi32>
      %convert_element_type3A_261 = arith.extui %eq3A_260 : vector<1x128xi1> to vector<1x128xi32>
      %convert_element_type3A_262 = arith.sitofp %convert_element_type3A_261 : vector<1x128xi32> to vector<1x128xf32>
      %mul3A_263 = vector.broadcast %get3A_256 : f32 to vector<1x128xf32>
      %mul3A_264 = arith.mulf %mul3A_263, %convert_element_type3A_262 : vector<1x128xf32>
      %add3A_265 = arith.addf %mul3A_252, %mul3A_264 : vector<1x128xf32>
      %get3A_266 = arith.constant 0 : index
      %get3A_267 = arith.constant 0 : index
      %get3A_268 = vector.load %arg12[%get3A_266, %get3A_267] : memref<1x3xf32, #tpu.memory_space<vmem>>, vector<1x1xf32>
      %get3A_269 = vector.extract %get3A_268[0, 0] : f32 from vector<1x1xf32>
      %iota3A_270 = tpu.iota {dimensions = array<i32: 1>} : vector<1x128xi32>
      %eq3A_271 = arith.constant 2 : i32
      %eq3A_272 = vector.broadcast %eq3A_271 : i32 to vector<1x128xi32>
      %eq3A_273 = arith.cmpi eq, %iota3A_270, %eq3A_272 : vector<1x128xi32>
      %convert_element_type3A_274 = arith.extui %eq3A_273 : vector<1x128xi1> to vector<1x128xi32>
      %convert_element_type3A_275 = arith.sitofp %convert_element_type3A_274 : vector<1x128xi32> to vector<1x128xf32>
      %mul3A_276 = vector.broadcast %get3A_269 : f32 to vector<1x128xf32>
      %mul3A_277 = arith.mulf %mul3A_276, %convert_element_type3A_275 : vector<1x128xf32>
      %add3A_278 = arith.addf %add3A_265, %mul3A_277 : vector<1x128xf32>
      %get3A_279 = arith.constant 0 : index
      %get3A_280 = vector.load %arg13[%get3A_279] : memref<1xf32, #tpu.memory_space<vmem>>, vector<1xf32>
      %get3A_281 = vector.extract %get3A_280[0] : f32 from vector<1xf32>
      %iota3A_282 = tpu.iota {dimensions = array<i32: 1>} : vector<1x128xi32>
      %eq3A_283 = arith.constant 3 : i32
      %eq3A_284 = vector.broadcast %eq3A_283 : i32 to vector<1x128xi32>
      %eq3A_285 = arith.cmpi eq, %iota3A_282, %eq3A_284 : vector<1x128xi32>
      %convert_element_type3A_286 = arith.extui %eq3A_285 : vector<1x128xi1> to vector<1x128xi32>
      %convert_element_type3A_287 = arith.sitofp %convert_element_type3A_286 : vector<1x128xi32> to vector<1x128xf32>
      %mul3A_288 = vector.broadcast %get3A_281 : f32 to vector<1x128xf32>
      %mul3A_289 = arith.mulf %mul3A_288, %convert_element_type3A_287 : vector<1x128xf32>
      %add3A_290 = arith.addf %add3A_278, %mul3A_289 : vector<1x128xf32>
      %iota3A_291 = tpu.iota {dimensions = array<i32: 1>} : vector<1x128xi32>
      %eq3A_292 = arith.constant 0 : i32
      %eq3A_293 = vector.broadcast %eq3A_292 : i32 to vector<1x128xi32>
      %eq3A_294 = arith.cmpi eq, %iota3A_291, %eq3A_293 : vector<1x128xi32>
      %convert_element_type3A_295 = arith.extui %eq3A_294 : vector<1x128xi1> to vector<1x128xi32>
      %convert_element_type3A_296 = arith.sitofp %convert_element_type3A_295 : vector<1x128xi32> to vector<1x128xf32>
      %dot_general3A_297 = arith.constant dense<0.000000e+00> : vector<128x128xf32>
      %dot_general3A_298 = tpu.matmul %add3A_290, %convert_element_type3A_296, %dot_general3A_297 {dimension_numbers = #tpu.dot_dimension_numbers<[0], [0], [1], [1], [0, 1, 1, 1], [], []>, precision = #tpu.contract_precision<fp32>, transpose_lhs_hint = false} : vector<1x128xf32>, vector<1x128xf32>, vector<128x128xf32> -> vector<128x128xf32>
      %convert_element_type3A_299 = arith.truncf %dot_general3A_298 : vector<128x128xf32> to vector<128x128xbf16>
      %swap3A_300 = arith.constant 0 : index
      %swap3A_301 = arith.constant 0 : index
      %swap3A_302 = vector.load %arg22[%swap3A_300, %swap3A_301] : memref<128x128xbf16, #tpu.memory_space<vmem>>, vector<128x128xbf16>
      tpu.vector_store %arg22[%swap3A_300, %swap3A_301], %convert_element_type3A_299 {strides = array<i32>} : memref<128x128xbf16, #tpu.memory_space<vmem>>, vector<128x128xbf16>,
    } else {
    }
    %get3A = arith.constant 0 : index
    %get3A_2 = arith.constant 0 : index
    %get3A_3 = vector.load %arg1[%get3A, %get3A_2] : memref<12288x128xf32, #tpu.memory_space<vmem>>, vector<12288x128xf32>
    %convert_element_type3A_4 = arith.truncf %get3A_3 : vector<12288x128xf32> to vector<12288x128xbf16>
    %get3A_5 = arith.constant 0 : index
    %get3A_6 = arith.constant 0 : index
    %get3A_7 = vector.load %arg19[%get3A_5, %get3A_6] : memref<128x128xbf16, #tpu.memory_space<vmem>>, vector<128x128xbf16>
    %dot_general3A = arith.constant dense<0.000000e+00> : vector<12288x128xf32>
    %dot_general3A_8 = tpu.matmul %convert_element_type3A_4, %get3A_7, %dot_general3A {dimension_numbers = #tpu.dot_dimension_numbers<[1], [0], [0], [1], [0, 0, 1, 1], [], []>, transpose_lhs_hint = false} : vector<12288x128xbf16>, vector<128x128xbf16>, vector<12288x128xf32> -> vector<12288x128xf32>
    %convert_element_type3A_9 = arith.truncf %dot_general3A_8 : vector<12288x128xf32> to vector<12288x128xbf16>
    %get3A_10 = arith.constant 0 : index
    %get3A_11 = arith.constant 0 : index
    %get3A_12 = vector.load %arg23[%get3A_10, %get3A_11] : memref<1x128xbf16, #tpu.memory_space<vmem>>, vector<1x128xbf16>
    %get3A_13 = vector.shape_cast %get3A_12 : vector<1x128xbf16> to vector<128xbf16>
    %broadcast_in_dim3A = vector.shape_cast %get3A_13 : vector<128xbf16> to vector<1x128xbf16>
    %add3A = vector.broadcast %broadcast_in_dim3A : vector<1x128xbf16> to vector<12288x128xbf16>
    %add3A_14 = arith.addf %convert_element_type3A_9, %add3A : vector<12288x128xbf16>
    %max3A = arith.constant 0.000000e+00 : bf16
    %max3A_15 = vector.broadcast %max3A : bf16 to vector<12288x128xbf16>
    %max3A_16 = arith.maximumf %add3A_14, %max3A_15 : vector<12288x128xbf16>
    %get3A_17 = arith.constant 0 : index
    %get3A_18 = arith.constant 0 : index
    %get3A_19 = vector.load %arg20[%get3A_17, %get3A_18] : memref<128x128xbf16, #tpu.memory_space<vmem>>, vector<128x128xbf16>
    %dot_general3A_20 = arith.constant dense<0.000000e+00> : vector<12288x128xf32>
    %dot_general3A_21 = tpu.matmul %max3A_16, %get3A_19, %dot_general3A_20 {dimension_numbers = #tpu.dot_dimension_numbers<[1], [0], [0], [1], [0, 0, 1, 1], [], []>, transpose_lhs_hint = false} : vector<12288x128xbf16>, vector<128x128xbf16>, vector<12288x128xf32> -> vector<12288x128xf32>
    %convert_element_type3A_22 = arith.truncf %dot_general3A_21 : vector<12288x128xf32> to vector<12288x128xbf16>
    %max3A_23 = arith.constant 0.000000e+00 : bf16
    %max3A_24 = vector.broadcast %max3A_23 : bf16 to vector<12288x128xbf16>
    %max3A_25 = arith.maximumf %convert_element_type3A_22, %max3A_24 : vector<12288x128xbf16>
    %get3A_26 = arith.constant 0 : index
    %get3A_27 = arith.constant 0 : index
    %get3A_28 = vector.load %arg21[%get3A_26, %get3A_27] : memref<128x128xbf16, #tpu.memory_space<vmem>>, vector<128x128xbf16>
    %dot_general3A_29 = arith.constant dense<0.000000e+00> : vector<12288x128xf32>
    %dot_general3A_30 = tpu.matmul %max3A_25, %get3A_28, %dot_general3A_29 {dimension_numbers = #tpu.dot_dimension_numbers<[1], [0], [0], [1], [0, 0, 1, 1], [], []>, transpose_lhs_hint = false} : vector<12288x128xbf16>, vector<128x128xbf16>, vector<12288x128xf32> -> vector<12288x128xf32>
    %convert_element_type3A_31 = arith.truncf %dot_general3A_30 : vector<12288x128xf32> to vector<12288x128xbf16>
    %max3A_32 = arith.constant 0.000000e+00 : bf16
    %max3A_33 = vector.broadcast %max3A_32 : bf16 to vector<12288x128xbf16>
    %max3A_34 = arith.maximumf %convert_element_type3A_31, %max3A_33 : vector<12288x128xbf16>
    %get3A_35 = arith.constant 0 : index
    %get3A_36 = arith.constant 0 : index
    %get3A_37 = vector.load %arg22[%get3A_35, %get3A_36] : memref<128x128xbf16, #tpu.memory_space<vmem>>, vector<128x128xbf16>
    %dot_general3A_38 = arith.constant dense<0.000000e+00> : vector<12288x128xf32>
    %dot_general3A_39 = tpu.matmul %max3A_34, %get3A_37, %dot_general3A_38 {dimension_numbers = #tpu.dot_dimension_numbers<[1], [0], [0], [1], [0, 0, 1, 1], [], []>, transpose_lhs_hint = false} : vector<12288x128xbf16>, vector<128x128xbf16>, vector<12288x128xf32> -> vector<12288x128xf32>
    %slice3A = vector.extract_strided_slice %dot_general3A_39 {offsets = [0, 0], sizes = [12288, 1], strides = [1, 1]} : vector<12288x128xf32> to vector<12288x1xf32>
    %reshape3A = vector.shape_cast %slice3A : vector<12288x1xf32> to vector<96x128xf32>
    %swap3A = arith.constant 0 : index
    %swap3A_40 = arith.constant 0 : index
    %swap3A_41 = vector.load %arg18[%swap3A, %swap3A_40] : memref<96x128xf32, #tpu.memory_space<vmem>>, vector<96x128xf32>
    tpu.vector_store %arg18[%swap3A, %swap3A_40], %reshape3A {strides = array<i32>} : memref<96x128xf32, #tpu.memory_space<vmem>>, vector<96x128xf32>,
    return
  }
  func.func @transform_0(%arg0: i32) -> (i32, i32) {
    %c0_i32 = arith.constant 0 : i32
    %c0_i32_0 = arith.constant 0 : i32
    return %arg0, %c0_i32 : i32, i32
  }
  func.func @transform_1(%arg0: i32) -> i32 {
    %c0_i32 = arith.constant 0 : i32
    %c0_i32_0 = arith.constant 0 : i32
    return %c0_i32 : i32
  }
  func.func @transform_2(%arg0: i32) -> i32 {
    %c0_i32 = arith.constant 0 : i32
    %c0_i32_0 = arith.constant 0 : i32
    return %c0_i32 : i32
  }
  func.func @transform_3(%arg0: i32) -> (i32, i32) {
    %c0_i32 = arith.constant 0 : i32
    %c0_i32_0 = arith.constant 0 : i32
    %c0_i32_1 = arith.constant 0 : i32
    return %c0_i32, %c0_i32_0 : i32, i32
  }
  func.func @transform_4(%arg0: i32) -> i32 {
    %c0_i32 = arith.constant 0 : i32
    %c0_i32_0 = arith.constant 0 : i32
    return %c0_i32 : i32
  }
  func.func @transform_5(%arg0: i32) -> i32 {
    %c0_i32 = arith.constant 0 : i32
    %c0_i32_0 = arith.constant 0 : i32
    return %c0_i32 : i32
  }
  func.func @transform_6(%arg0: i32) -> i32 {
    %c0_i32 = arith.constant 0 : i32
    %c0_i32_0 = arith.constant 0 : i32
    return %c0_i32 : i32
  }
  func.func @transform_7(%arg0: i32) -> (i32, i32) {
    %c0_i32 = arith.constant 0 : i32
    %c0_i32_0 = arith.constant 0 : i32
    %c0_i32_1 = arith.constant 0 : i32
    return %c0_i32, %c0_i32_0 : i32, i32
  }
  func.func @transform_8(%arg0: i32) -> i32 {
    %c0_i32 = arith.constant 0 : i32
    %c0_i32_0 = arith.constant 0 : i32
    return %c0_i32 : i32
  }
  func.func @transform_9(%arg0: i32) -> (i32, i32) {
    %c0_i32 = arith.constant 0 : i32
    %c0_i32_0 = arith.constant 0 : i32
    %c0_i32_1 = arith.constant 0 : i32
    return %c0_i32, %c0_i32_0 : i32, i32
  }
  func.func @transform_10(%arg0: i32) -> i32 {
    %c0_i32 = arith.constant 0 : i32
    %c0_i32_0 = arith.constant 0 : i32
    return %c0_i32 : i32
  }
  func.func @transform_11(%arg0: i32) -> (i32, i32) {
    %c0_i32 = arith.constant 0 : i32
    %c0_i32_0 = arith.constant 0 : i32
    %c0_i32_1 = arith.constant 0 : i32
    return %c0_i32, %c0_i32_0 : i32, i32
  }
  func.func @transform_12(%arg0: i32) -> i32 {
    %c0_i32 = arith.constant 0 : i32
    %c0_i32_0 = arith.constant 0 : i32
    return %c0_i32 : i32
  }
  func.func @transform_13(%arg0: i32) -> i32 {
    %c0_i32 = arith.constant 0 : i32
    %c0_i32_0 = arith.constant 0 : i32
    return %c0_i32 : i32
  }
  func.func @transform_14(%arg0: i32) -> i32 {
    %c0_i32 = arith.constant 0 : i32
    %c0_i32_0 = arith.constant 0 : i32
    return %c0_i32 : i32
  }
  func.func @transform_15(%arg0: i32) -> i32 {
    %c0_i32 = arith.constant 0 : i32
    %c0_i32_0 = arith.constant 0 : i32
    return %c0_i32 : i32
  }
  func.func @transform_16(%arg0: i32) -> i32 {
    %c0_i32 = arith.constant 0 : i32
    %c0_i32_0 = arith.constant 0 : i32
    return %c0_i32 : i32
  }
  func.func @transform_17(%arg0: i32) -> (i32, i32) {
    %c0_i32 = arith.constant 0 : i32
    %c0_i32_0 = arith.constant 0 : i32
    return %arg0, %c0_i32 : i32, i32
  }
}

</mosaic_0001>

<sc_bundles>
// kernel: kernel.4.cloned.1.call-start
scs
__scs_entry_jumppad:
0x0: {  	(pc) =	sbr.rel $0x88, $3  }
0x1: {  	(tag) =	ssettag $0x0;
	lr =	simm.s32 $0x1  }
0x2: {  	[smem:$0x3F90] =	sst lr;
	_ =	strace $0xD0000000  }
0x3: {  	_ = 	snop  }
0x4: {  	_ = 	snop  }
0x5: {  	_ = 	snop  }
0x6: {  	_ = 	snop  }
0x7: {  	_ = 	snop  }
__scs_overlays_trampoline_lowered:
0x8: {  	[smem:$0x3F9F] =	sst s0  }
0x9: {  	[smem:$0x3FA0] =	sst s1  }
0xa: {  	[smem:$0x3FA1] =	sst s2  }
0xb: {  	[smem:$0x3FA2] =	sst s3  }
0xc: {  	[smem:$0x3FA3] =	sst s4  }
0xd: {  	[smem:$0x3FA4] =	sst s5  }
0xe: {  	[smem:$0x3FA5] =	sst s6  }
0xf: {  	[smem:$0x3FA6] =	sst s7  }
0x10: {  	[smem:$0x3FA7] =	sst s8  }
0x11: {  	[smem:$0x3FA8] =	sst s9;
	s0 =	simm.s32 @!p0 $0x0  }
0x12: {  	s1 =	sld [smem:$0x3F8E];
	s0 =	simm.s32 @p0 $0x1  }
0x13: {  	[smem:$0x3FA9] =	sst s0;
	s0 =	simm.s32 @!p1 $0x0  }
0x14: {  	s2 =	sld [smem:$0x3F8D];
	s0 =	simm.s32 @p1 $0x1  }
0x15: {  	[smem:$0x3FAA] =	sst s0;
	s0 =	simm.s32 @!p2 $0x0  }
0x16: {  	s3 =	sld [smem:$0x3FDB];
	s0 =	simm.s32 @p2 $0x1  }
0x17: {  	s4 =	simm.s32 $0x1BF5;
	[smem:$0x3FAC] =	sst s0  }
0x18: {  	s0 =	sld [smem:$0x3F8F];
	_ =	swait.ge [sflag:s4], $0x0  }
0x19: {  	s7 =	sld [smem:$0x3F90]  }
0x1a: {  	s8 =	sadd.s32 $0xFFFFE003, lr  }
0x1b: {  	s9 =	sadd.s32 $0xFFFFFEF7, lr;
	s5 =	simm.s32 $0xFFFFFFFF;
	p2 =	slt.u32 s8, $0xFFFFF086  }
0x1c: {  	p1 =	slt.u32 s9, $0xF7A;
	s5 =	simm.s32 @!p2 $0x0  }
0x1d: {  	s5 =	simm.s32 @p1 $0x1;
	p0 =	seq.s32 s7, s2  }
0x1e: {  	s7 =	smul.u32 @!p0 $0xF7A, s2;
	p2 =	seq.s32 @!p0 s5, $0x0  }
0x1f: {  	s9 =	smul.u32 $0xF7A, s1;
	s8 =	simm.s32 @!p0 $0x1BF5;
	p2 =	por !p2, p0  }
0x20: {  	[sflag:s8] =	ssyncset.s32 @!p0 $0xFFFFF086;
	s6 =	sadd.s32 @!p0 s3, s7;
	s7 =	simm.s32 @!p0 $0x108  }
0x21: {  	s3 =	sadd.s32 s3, s9;
	s6 =	sadd.s32 @!p0 $0x88, s6;
	s7 =	simm.s32 @p2 $0x1082  }
0x22: {  	[simem:s7], [sflag:s8] =	dma.local @!p0 [hbm:s6], $0xF7A  }
0x23: {  	s9 =	sor.u32 $0xD0000000, s2;
	s6 =	simm.s32 $0x108;
	_ =	swait.ge @!p0 [sflag:s8], $0x0  }
0x24: {  	s3 =	sadd.s32 $0x88, s3;
	s6 =	simm.s32 @!p1 $0x1082;
	[sflag:s4] =	ssyncset.s32 $0xFFFFF086  }
0x25: {  	[simem:s6], [sflag:s4] =	dma.local [hbm:s3], $0xF7A  }
0x26: {  	[smem:$0x3F90] =	sst s1;
	(tag) =	ssettag s2;
	_ =	strace s9  }
0x27: {  	s1 =	sld [smem:$0x3FA0]  }
0x28: {  	s2 =	sld [smem:$0x3FA1]  }
0x29: {  	s4 =	sld [smem:$0x3FA3]  }
0x2a: {  	p0 =	seq.s32 s5, $0x0;
	s5 =	sld [smem:$0x3FA4]  }
0x2b: {  	s6 =	sld [smem:$0x3FA5]  }
0x2c: {  	s7 =	sld [smem:$0x3FA6]  }
0x2d: {  	s3 =	simm.s32 $0x108;
	s8 =	sld [smem:$0x3FA7]  }
0x2e: {  	s3 =	simm.s32 @!p0 $0x1082;
	s9 =	sld [smem:$0x3FA8]  }
0x2f: {  	lr =	sadd.s32 s0, s3;
	s0 =	sld [smem:$0x3F9F]  }
0x30: {  	s3 =	sld [smem:$0x3FA2]  }
0x31: {  	[smem:$0x3FAB] =	sst s10  }
0x32: {  	s10 =	sld [smem:$0x3FA9];
	_ =	sdelay $0x3  }
0x33: {  	p0 =	seq.s32 s10, $0x1;
	s10 =	sld [smem:$0x3FAB];
	_ =	sdelay $0x3  }
0x34: {  	[smem:$0x3FAB] =	sst s10  }
0x35: {  	s10 =	sld [smem:$0x3FAA];
	_ =	sdelay $0x3  }
0x36: {  	p1 =	seq.s32 s10, $0x1;
	s10 =	sld [smem:$0x3FAB];
	_ =	sdelay $0x3  }
0x37: {  	[smem:$0x3FAB] =	sst s10  }
0x38: {  	s10 =	sld [smem:$0x3FAC]  }
0x39: {  	_ = 	snop;
	(pc) =	sbr.ind lr, $3  }
0x3a: {  	_ = 	snop  }
0x3b: {  	_ = 	snop  }
0x3c: {  	p2 =	seq.s32 s10, $0x1;
	s10 =	sld [smem:$0x3FAB]  }
0x3d: {  	_ =	shalt  }
0x3e: {  	_ =	shalt  }
0x3f: {  	_ =	shalt  }
0x40: {  	_ =	shalt  }
0x41: {  	_ =	shalt  }
0x42: {  	_ =	shalt  }
0x43: {  	_ =	shalt  }
0x44: {  	_ =	shalt  }
0x45: {  	_ =	shalt  }
0x46: {  	_ =	shalt  }
0x47: {  	_ =	shalt  }
0x48: {  	_ =	shalt  }
0x49: {  	_ =	shalt  }
0x4a: {  	_ =	shalt  }
0x4b: {  	_ =	shalt  }
0x4c: {  	_ =	shalt  }
0x4d: {  	_ =	shalt  }
0x4e: {  	_ =	shalt  }
0x4f: {  	_ =	shalt  }
0x50: {  	_ =	shalt  }
0x51: {  	_ =	shalt  }
0x52: {  	_ =	shalt  }
0x53: {  	_ =	shalt  }
0x54: {  	_ =	shalt  }
0x55: {  	_ =	shalt  }
0x56: {  	_ =	shalt  }
0x57: {  	_ =	shalt  }
0x58: {  	_ =	shalt  }
0x59: {  	_ =	shalt  }
0x5a: {  	_ =	shalt  }
0x5b: {  	_ =	shalt  }
0x5c: {  	_ =	shalt  }
0x5d: {  	_ =	shalt  }
0x5e: {  	_ =	shalt  }
0x5f: {  	_ =	shalt  }
0x60: {  	_ =	shalt  }
0x61: {  	_ =	shalt  }
0x62: {  	_ =	shalt  }
0x63: {  	_ =	shalt  }
0x64: {  	_ =	shalt  }
0x65: {  	_ =	shalt  }
0x66: {  	_ =	shalt  }
0x67: {  	_ =	shalt  }
0x68: {  	_ =	shalt  }
0x69: {  	_ =	shalt  }
0x6a: {  	_ =	shalt  }
0x6b: {  	_ =	shalt  }
0x6c: {  	_ =	shalt  }
0x6d: {  	_ =	shalt  }
0x6e: {  	_ =	shalt  }
0x6f: {  	_ =	shalt  }
0x70: {  	_ =	shalt  }
0x71: {  	_ =	shalt  }
0x72: {  	_ =	shalt  }
0x73: {  	_ =	shalt  }
0x74: {  	_ =	shalt  }
0x75: {  	_ =	shalt  }
0x76: {  	_ =	shalt  }
0x77: {  	_ =	shalt  }
0x78: {  	_ =	shalt  }
0x79: {  	_ =	shalt  }
0x7a: {  	_ =	shalt  }
0x7b: {  	_ =	shalt  }
0x7c: {  	_ =	shalt  }
0x7d: {  	_ =	shalt  }
0x7e: {  	_ =	shalt  }
0x7f: {  	_ =	shalt  }
0x80: {  	_ =	shalt  }
0x81: {  	_ =	shalt  }
0x82: {  	_ =	shalt  }
0x83: {  	_ =	shalt  }
0x84: {  	_ =	shalt  }
0x85: {  	_ =	shalt  }
0x86: {  	_ =	shalt  }
0x87: {  	_ =	shalt  }
.Lfunc_end0:
.L_simem_size_0:
called_computation_lowered:
.L_overlay_start_0:
0x88: {  	s2 =	sld [smem:$0x3FD9]  }
0x89: {  	s3 =	sld [smem:$0x3FFE];
	_ =	sdelay $0x1  }
0x8a: {  	s1 =	srdreg.scid  }
0x8b: {  	s0 =	sand.u32 $0x1, s1  }
0x8c: {  	s17 =	sshll.u32 s0, $0xA;
	s2 =	sadd.s32 s3, s2  }
0x8d: {  	s2 =	sadd.s32 s2, s17  }
0x8e: {  	[smem:$0x3FB7] =	sst s2  }
0x8f: {  	_ = 	snop  }
0x90: {  	s2 =	sld [smem:$0x3FD0];
	(tm) =	ssettm $0x1  }
0x91: {  	s18 =	sld [smem:$0x3FFB];
	_ =	sdelay $0x3  }
0x92: {  	_ =	strace s18  }
0x93: {  	s3 =	sld [smem:$0x3FFC];
	_ =	sdelay $0x3  }
0x94: {  	_ =	strace s3  }
0x95: {  	s3 =	sld [smem:$0x3FFD];
	_ =	sdelay $0x3  }
0x96: {  	_ =	strace s3  }
0x97: {  	_ =	strace $0x8FFFFFFF  }
0x98: {  	s19 =	sld [smem:$0x3FDB];
	_ =	sdelay $0x1  }
0x99: {  	s4 =	simm.s32 $_scs_section_size  }
0x9a: {  	s5 =	simm.s32 $_size__tile_overlayer_lowered;
	s6 =	simm.s32 $_tile_overlayer_lowered  }
0x9b: {  	s22 =	simm.s32 $0x1BFF;
	s21 =	sshll.u32 s6, $0x1;
	s3 =	sadd.s32 s4, s19  }
0x9c: {  	s7 =	simm.s32 $0x0;
	s20 =	sshll.u32 s5, $0x1;
	s5 =	sadd.s32 s21, s3  }
0x9d: {  	[timem:s7], [sflag:s22] =	dma.local [hbm:s5], s20  }
0x9e: {  	_ =	swait.ge [sflag:s22], s20  }
0x9f: {  	s4 =	ssub.s32 $0x0, s20;
	[sflag:s22] =	ssyncset.done $0x0  }
0xa0: {  	[sflag:s22] =	ssyncadd.s32 s4;
	_ =	sdelay $0x1  }
0xa1: {  	s23 =	simm.s32 $0x1B8B  }
0xa2: {  	_ =	swait.ge [sflag:s23], $0x1  }
0xa3: {  	[sflag:s23] =	ssyncset.done $0x0  }
0xa4: {  	s25 =	simm.s32 $0x1B8E;
	s24 =	sld [smem:$0x3FFE];
	[sflag:s23] =	ssyncadd.s32 $0xFFFFFFFF  }
0xa5: {  	s26 =	simm.s32 $execute0_lowered;
	[smem:$0x3FD2] =	sst s25  }
0xa6: {  	s5 =	sshll.u32 s26, $0x1;
	_ =	strace $0x80000046;
	[dreg:$0x1] =	wrdreg $0xFFFFFFFF  }
0xa7: {  	s28 =	simm.s32 $_size_execute0_lowered;
	s3 =	sadd.s32 s3, s5;
	[dreg:$0x0] =	wrdreg $0x0  }
0xa8: {  	s5 =	sshll.u32 s28, $0x1;
	[dreg:$0x2] =	wrdreg s3  }
0xa9: {  	[dreg:$0x3] =	wrdreg s5  }
0xaa: {  	[dreg:$0x4] =	wrdreg $0xC0  }
0xab: {  	_ =	task [dreg:s7], $0x5FFFF  }
0xac: {  	[dreg:$0x1] =	wrdreg $0xFFFFFFFF  }
0xad: {  	[dreg:$0x0] =	wrdreg $0x60  }
0xae: {  	[dreg:$0x2] =	wrdreg s24  }
0xaf: {  	[dreg:$0x3] =	wrdreg s2  }
0xb0: {  	[dreg:$0x4] =	wrdreg $0x9  }
0xb1: {  	_ =	task.clear_ibuf [dreg:s7], $0x5FFFF;
	_ =	strace $0x90000046  }
0xb2: {  	s29 =	simm.s32 $0x9;
	_ =	strace $0x80000048  }
0xb3: {  	_ =	swait.ge [sflag:s29], $0x1  }
0xb4: {  	[sflag:s29] =	ssyncadd.s32 $0xFFFFFFFF  }
0xb5: {  	_ =	strace $0x90000048  }
0xb6: {  	_ =	sfence  }
0xb7: {  	s30 =	sld [smem:$0x0];
	_ =	sdelay $0x2  }
0xb8: {  	s31 =	sshll.u32 s1, $0xD;
	s1 =	sshrl.u32 s1, $0x2  }
0xb9: {  	s3 =	sand.u32 $0x4000, s31;
	s1 =	sadd.s32 s1, s30  }
0xba: {  	s0 =	sor.u32 s3, s0;
	s1 =	sshll.u32 s1, $0x11  }
0xbb: {  	s0 =	sor.u32 s1, s0  }
0xbc: {  	s0 =	sadd.s32 $0x8F2B, s0  }
0xbd: {  	[sflag:s0] =	ssyncadd.remote.s32 $0x1  }
0xbe: {  	_ =	sfence.sel $0xFFFF  }
0xbf: {  	[dreg:$0x0] =	wrdreg $0xFFFFFFFF;
	(pc) =	sbr.abs _section_cstart, $3  }
0xc0: {  	[dreg:$0x1] =	wrdreg $0xFFFFFFFF  }
0xc1: {  	_ =	task.clear_ibuf [dreg:s7], $0x2FFFF;
	_ =	strace $0x9FFFFFFF  }
0xc2: {  	(tm) =	ssettm $0x7FFFFFFF  }
0xc3: {  	_ =	shalt  }
tec
execute0_lowered:
.L_overlay_start_1:
0x0: {  	(tag) =	ssettag $0x1  }
0x1: {  	s4 =	rddreg [dreg:$0x0]  }
0x2: {  	s1 =	rddreg [dreg:$0x1]  }
0x3: {  	s0 =	rddreg [dreg:$0x2];
	s2 =	simm.s32 $0x0  }
0x4: {  	s3 =	simm.s32 $0xC000;
	[smem:$0x7FF] =	sst s2  }
0x5: {  	s12 =	simm.s32 $0xC100;
	_ =	strace $0x80000047;
	[dreg:$0x3] =	wrdreg s3  }
0x6: {  	s13 =	simm.s32 $0xC200;
	[dreg:$0x4] =	wrdreg s12  }
0x7: {  	s14 =	simm.s32 $0xC010;
	[dreg:$0x5] =	wrdreg s13  }
0x8: {  	s15 =	simm.s32 $0xC110;
	[dreg:$0x6] =	wrdreg s14  }
0x9: {  	s16 =	simm.s32 $0xC210;
	[dreg:$0x7] =	wrdreg s15  }
0xa: {  	s17 =	simm.s32 $0xC020;
	[dreg:$0x8] =	wrdreg s16  }
0xb: {  	s18 =	simm.s32 $0xC120;
	[dreg:$0x9] =	wrdreg s17  }
0xc: {  	s19 =	simm.s32 $0xC220;
	[dreg:$0xa] =	wrdreg s18  }
0xd: {  	s20 =	simm.s32 $0xC030;
	[dreg:$0xb] =	wrdreg s19  }
0xe: {  	s21 =	simm.s32 $0xC130;
	[dreg:$0xc] =	wrdreg s20  }
0xf: {  	s22 =	simm.s32 $0xC230;
	[dreg:$0xd] =	wrdreg s21  }
0x10: {  	s23 =	simm.s32 $0xC040;
	[dreg:$0xe] =	wrdreg s22  }
0x11: {  	s24 =	simm.s32 $0xC140;
	[dreg:$0xf] =	wrdreg s23  }
0x12: {  	s25 =	simm.s32 $0xC240;
	[dreg:$0x10] =	wrdreg s24  }
0x13: {  	s26 =	simm.s32 $0xC050;
	[dreg:$0x11] =	wrdreg s25  }
0x14: {  	s28 =	simm.s32 $0xC150;
	[dreg:$0x12] =	wrdreg s26  }
0x15: {  	s29 =	simm.s32 $0xC250;
	[dreg:$0x13] =	wrdreg s28  }
0x16: {  	s30 =	simm.s32 $0xC060;
	[dreg:$0x14] =	wrdreg s29  }
0x17: {  	s31 =	simm.s32 $0xC160;
	[dreg:$0x15] =	wrdreg s30  }
0x18: {  	s5 =	simm.s32 $0xC260;
	[dreg:$0x16] =	wrdreg s31  }
0x19: {  	s6 =	simm.s32 $0xC070;
	[dreg:$0x17] =	wrdreg s5  }
0x1a: {  	s7 =	simm.s32 $0xC170;
	[dreg:$0x18] =	wrdreg s6  }
0x1b: {  	s8 =	simm.s32 $0xC270;
	[dreg:$0x19] =	wrdreg s7  }
0x1c: {  	s9 =	simm.s32 $0xC080;
	[dreg:$0x1a] =	wrdreg s8  }
0x1d: {  	s10 =	simm.s32 $0xC180;
	[dreg:$0x1b] =	wrdreg s9  }
0x1e: {  	s11 =	simm.s32 $0xC280;
	[dreg:$0x1c] =	wrdreg s10  }
0x1f: {  	[dreg:$0x1d] =	wrdreg s11;
	s12 =	simm.s32 $0xC090  }
0x20: {  	s13 =	simm.s32 $0xC190;
	[dreg:$0x1e] =	wrdreg s12  }
0x21: {  	s14 =	simm.s32 $0xC290;
	[dreg:$0x1f] =	wrdreg s13  }
0x22: {  	s6 =	simm.s32 $0xC0A0;
	[smem:$0x7EB] =	sst s14  }
0x23: {  	s15 =	simm.s32 $0xC1A0;
	[smem:$0x7EC] =	sst s6  }
0x24: {  	s16 =	simm.s32 $0xC2A0;
	[smem:$0x7ED] =	sst s15  }
0x25: {  	s17 =	simm.s32 $0xC0B0;
	[smem:$0x7EE] =	sst s16  }
0x26: {  	s18 =	simm.s32 $0xC1B0;
	[smem:$0x7EF] =	sst s17  }
0x27: {  	s19 =	simm.s32 $0xC2B0;
	[smem:$0x7F0] =	sst s18  }
0x28: {  	s20 =	simm.s32 $0xC0C0;
	[smem:$0x7F1] =	sst s19  }
0x29: {  	s21 =	simm.s32 $0xC1C0;
	[smem:$0x7F2] =	sst s20  }
0x2a: {  	s22 =	simm.s32 $0xC2C0;
	[smem:$0x7F3] =	sst s21  }
0x2b: {  	s23 =	simm.s32 $0xC0D0;
	[smem:$0x7F4] =	sst s22  }
0x2c: {  	s25 =	simm.s32 $0xC1D0;
	[smem:$0x7F5] =	sst s23  }
0x2d: {  	s26 =	simm.s32 $0xC2D0;
	[smem:$0x7F6] =	sst s25  }
0x2e: {  	s5 =	srdreg.scid;
	s28 =	simm.s32 $0xC0E0;
	[smem:$0x7F7] =	sst s26  }
0x2f: {  	s3 =	stileid.u32;
	s29 =	simm.s32 $0xC1E0;
	[smem:$0x7F8] =	sst s28  }
0x30: {  	s30 =	simm.s32 $0xC2E0;
	s9 =	simm.s32 $0xC0F0;
	[smem:$0x7F9] =	sst s29  }
0x31: {  	s10 =	simm.s32 $0xC1F0;
	s31 =	simm.s32 $0xC2F0;
	[smem:$0x7FA] =	sst s30  }
0x32: {  	s11 =	simm.s32 $0x0;
	s5 =	sand.u32 $0x1, s5;
	[smem:$0x7FB] =	sst s9  }
0x33: {  	s7 =	sshll.u32 s3, $0x9;
	s9 =	simm.s32 $0x10000;
	[smem:$0x7FC] =	sst s10  }
0x34: {  	[smem:$0x7FD] =	sst s31;
	s8 =	sshll.u32 s5, $0x8;
	s5 =	ssub.s32 $0x2, s5  }
0x35: {  	s10 =	simm.s32 $0xC300;
	s7 =	sor.u32 s8, s7;
	s24 =	sshrl.u32 s5, $0x1  }
0x36: {  	s8 =	sadd.s32 s7, s4;
	s7 =	sshrl.u32 s7, $0x3;
	s6 =	ssub.s32 s5, s24  }
0x37: {  	s7 =	sadd.s32 s7, s4;
	s4 =	sadd.s32 $0x2600, s8;
	s6 =	smax.u32 s6, $0x1  }
0x38: {  	v0 =	vimm.f32 $0.0e+00;
	s8 =	simm.s32 $0x800;
	s5 =	sadd.s32 $0x22600, s7;
	s7 =	simm.s32 $0x1  }
.LBB2_1:
0x39: {  	s12 =	simm.s32 $0x8000  }
0x3a: {  	[tilespmem:s12], [sflag:$0x1] =	stream.linear.gather [hbm4b:s1+s2], $0x4000, $0x38;
	[tilespmem:$0xC400] =	vst v63  }
0x3b: {  	_ =	swait.ge [sflag:s7], $0x4000  }
0x3c: {  	[sflag:s7] =	ssyncset.done $0x0  }
0x3d: {  	[sflag:s7] =	ssyncadd.s32 $0xFFFFC000  }
0x3e: {  	v7 =	vld [tilespmem:$0x9800]  }
0x3f: {  	v6 =	vld [tilespmem:$0x9810]  }
0x40: {  	v5 =	vld [tilespmem:$0x9820]  }
0x41: {  	v4 =	vld [tilespmem:$0x9830]  }
0x42: {  	v3 =	vld [tilespmem:$0x9840]  }
0x43: {  	v2 =	vld [tilespmem:$0x9850]  }
0x44: {  	v1 =	vld [tilespmem:$0x9860];
	[tilespmem:s2], [sflag:$0x1] =	stream.strided.gather [hbm4b:s4+s8], $0x8000, s9, s8, $0x38  }
0x45: {  	_ =	swait.ge [sflag:s7], $0x8000  }
0x46: {  	[sflag:s7] =	ssyncset.done $0x0  }
0x47: {  	[sflag:s7] =	ssyncadd.s32 $0xFFFF8000  }
0x48: {  	[tilespmem:$0xC000] =	vst v0  }
0x49: {  	[tilespmem:$0xC100] =	vst v0  }
0x4a: {  	[tilespmem:$0xC200] =	vst v0  }
0x4b: {  	[tilespmem:$0xC010] =	vst v0  }
0x4c: {  	[tilespmem:$0xC110] =	vst v0  }
0x4d: {  	[tilespmem:$0xC210] =	vst v0  }
0x4e: {  	[tilespmem:$0xC020] =	vst v0  }
0x4f: {  	[tilespmem:$0xC120] =	vst v0  }
0x50: {  	[tilespmem:$0xC220] =	vst v0  }
0x51: {  	[tilespmem:$0xC030] =	vst v0  }
0x52: {  	[tilespmem:$0xC130] =	vst v0  }
0x53: {  	[tilespmem:$0xC230] =	vst v0  }
0x54: {  	[tilespmem:$0xC040] =	vst v0  }
0x55: {  	[tilespmem:$0xC140] =	vst v0  }
0x56: {  	[tilespmem:$0xC240] =	vst v0  }
0x57: {  	[tilespmem:$0xC050] =	vst v0  }
0x58: {  	[tilespmem:$0xC150] =	vst v0  }
0x59: {  	[tilespmem:$0xC250] =	vst v0  }
0x5a: {  	[tilespmem:$0xC060] =	vst v0  }
0x5b: {  	[tilespmem:$0xC160] =	vst v0  }
0x5c: {  	[tilespmem:$0xC260] =	vst v0  }
0x5d: {  	[tilespmem:$0xC070] =	vst v0  }
0x5e: {  	[tilespmem:$0xC170] =	vst v0  }
0x5f: {  	[tilespmem:$0xC270] =	vst v0  }
0x60: {  	[tilespmem:$0xC080] =	vst v0  }
0x61: {  	[tilespmem:$0xC180] =	vst v0  }
0x62: {  	[tilespmem:$0xC280] =	vst v0  }
0x63: {  	[tilespmem:$0xC090] =	vst v0  }
0x64: {  	[tilespmem:$0xC190] =	vst v0  }
0x65: {  	[tilespmem:$0xC290] =	vst v0  }
0x66: {  	[tilespmem:$0xC0A0] =	vst v0  }
0x67: {  	[tilespmem:$0xC1A0] =	vst v0  }
0x68: {  	[tilespmem:$0xC2A0] =	vst v0  }
0x69: {  	[tilespmem:$0xC0B0] =	vst v0  }
0x6a: {  	[tilespmem:$0xC1B0] =	vst v0  }
0x6b: {  	[tilespmem:$0xC2B0] =	vst v0  }
0x6c: {  	[tilespmem:$0xC0C0] =	vst v0  }
0x6d: {  	[tilespmem:$0xC1C0] =	vst v0  }
0x6e: {  	[tilespmem:$0xC2C0] =	vst v0  }
0x6f: {  	[tilespmem:$0xC0D0] =	vst v0  }
0x70: {  	[tilespmem:$0xC1D0] =	vst v0  }
0x71: {  	[tilespmem:$0xC2D0] =	vst v0  }
0x72: {  	[tilespmem:$0xC0E0] =	vst v0  }
0x73: {  	[tilespmem:$0xC1E0] =	vst v0  }
0x74: {  	[tilespmem:$0xC2E0] =	vst v0  }
0x75: {  	p0 =	por $0x0, $0x0;
	s13 =	simm.s32 $0xA010;
	s14 =	simm.s32 $0x0;
	[tilespmem:$0xC0F0] =	vst v0  }
0x76: {  	s15 =	simm.s32 $0x0;
	s16 =	simm.s32 $0x0;
	s17 =	simm.s32 $0x0;
	[tilespmem:$0xC1F0] =	vst v0  }
0x77: {  	s18 =	simm.s32 $0x0;
	s19 =	simm.s32 $0x0;
	s20 =	simm.s32 $0x0;
	[tilespmem:$0xC2F0] =	vst v0  }
.LBB2_2:
0x78: {  	v8 =	vld [tilespmem:s12+$0x0]  }
0x79: {  	v9 =	vld [tilespmem:s12+$0x10]  }
0x7a: {  	v10 =	vld [tilespmem:s12+$0x20];
	s24 =	sand.u32 $0x7800, s20;
	s21 =	sand.u32 $0x200, s19;
	s22 =	sadd.s32 $0x80, s19  }
0x7b: {  	v11 =	vld [tilespmem:s12+$0x30];
	s23 =	sadd.s32 $0x100, s19;
	s21 =	sor.u32 s21, s24;
	s22 =	sand.u32 $0x280, s22  }
0x7c: {  	s25 =	sadd.s32 $0x180, s19;
	s23 =	sand.u32 $0x300, s23;
	v21 =	vld [tilespmem:s21+$0x0];
	s22 =	sor.u32 s22, s24  }
0x7d: {  	s25 =	sand.u32 $0x380, s25;
	s23 =	sor.u32 s23, s24;
	v24 =	vld [tilespmem:s22+$0x0]  }
0x7e: {  	s24 =	sor.u32 s25, s24;
	v25 =	vld [tilespmem:s23+$0x0]  }
0x7f: {  	v26 =	vld [tilespmem:s24+$0x0]  }
0x80: {  	v16 =	vld [tilespmem:s13+$0xFFFFE800]  }
0x81: {  	v14 =	vld [tilespmem:s12+$0x1010]  }
0x82: {  	s28 =	sand.u32 $0x3E0, s14;
	v12 =	vld [tilespmem:s12+$0x1020]  }
0x83: {  	s26 =	sand.u32 $0x7C0, s15;
	v15 =	vld [tilespmem:s28+$0x8800];
	v17 =	vmul.f32 v21, v8;
	v19 =	vmul.f32 v24, v9  }
0x84: {  	v13 =	vld [tilespmem:s26+$0x9000];
	v20 =	vmul.f32 v25, v10;
	v23 =	vmul.f32 v26, v11  }
0x85: {  	v22 =	vld [tilespmem:s13+$0x0]  }
0x86: {  	v18 =	vld [tilespmem:s28+$0xA000];
	v19 =	vadd.f32 v19, v17;
	v20 =	vadd.f32 v23, v20  }
0x87: {  	v17 =	vld [tilespmem:s12+$0x1030]  }
0x88: {  	s29 =	sand.u32 $0x1F0, s16;
	v23 =	vld [tilespmem:s13+$0x1000];
	v45 =	vadd.f32 v19, v15;
	v27 =	vadd.f32 v20, v16  }
0x89: {  	v21 =	vmul.f32 v21, v13;
	v19 =	vld [tilespmem:s29+$0xA800]  }
0x8a: {  	v24 =	vmul.f32 v24, v14;
	v20 =	vld [tilespmem:s28+$0xB000];
	v28 =	vmax.f32 v45, $0.0e+00;
	v27 =	vmax.f32 v27, $0.0e+00  }
0x8b: {  	v29 =	vmul.f32 v28, v18;
	v30 =	vmul.f32 v27, v22  }
0x8c: {  	v25 =	vmul.f32 v25, v12;
	v24 =	vadd.f32 v24, v21  }
0x8d: {  	v21 =	vld [tilespmem:s29+$0xB800];
	v29 =	vadd.f32 v30, v29  }
0x8e: {  	v24 =	vadd.f32 v25, v24;
	v46 =	vmul.f32 v26, v17  }
0x8f: {  	v27 =	vmul.f32 v27, v23;
	v28 =	vmul.f32 v28, v20;
	v47 =	vadd.f32 v29, v19  }
0x90: {  	v24 =	vadd.f32 v46, v24  }
0x91: {  	s30 =	rddreg [dreg:$0x3];
	v49 =	vadd.f32 v27, v28;
	v48 =	vmax.f32 v47, $0.0e+00  }
0x92: {  	s31 =	rddreg [dreg:$0x4];
	[tilespmem:s30+$0x0] =	vst.add.f32.msk $0xffff, v24;
	v50 =	vmul.f32 v48, v21  }
0x93: {  	s28 =	rddreg [dreg:$0x5];
	[tilespmem:s31+$0x0] =	vst.add.f32.msk $0xffff, v49  }
0x94: {  	[tilespmem:s28+$0x0] =	vst.add.f32.msk $0xffff, v50  }
0x95: {  	v24 =	vld [tilespmem:s21+$0x10]  }
0x96: {  	v51 =	vld [tilespmem:s22+$0x10]  }
0x97: {  	v26 =	vld [tilespmem:s23+$0x10]  }
0x98: {  	v52 =	vld [tilespmem:s24+$0x10];
	_ =	sdelay $0x3  }
0x99: {  	v53 =	vmul.f32 v24, v8;
	v54 =	vmul.f32 v51, v9  }
0x9a: {  	v55 =	vmul.f32 v26, v10;
	v31 =	vmul.f32 v52, v11;
	_ =	sdelay $0x1  }
0x9b: {  	v28 =	vadd.f32 v54, v53;
	v56 =	vadd.f32 v31, v55;
	_ =	sdelay $0x1  }
0x9c: {  	v28 =	vadd.f32 v28, v15;
	v29 =	vadd.f32 v56, v16  }
0x9d: {  	v24 =	vmul.f32 v24, v13  }
0x9e: {  	v25 =	vmul.f32 v51, v14;
	v28 =	vmax.f32 v28, $0.0e+00;
	v29 =	vmax.f32 v29, $0.0e+00  }
0x9f: {  	v57 =	vmul.f32 v28, v18;
	v58 =	vmul.f32 v29, v22  }
0xa0: {  	v59 =	vmul.f32 v26, v12;
	v24 =	vadd.f32 v25, v24  }
0xa1: {  	v60 =	vadd.f32 v58, v57  }
0xa2: {  	v61 =	vmul.f32 v52, v17;
	v24 =	vadd.f32 v59, v24  }
0xa3: {  	v62 =	vmul.f32 v28, v20;
	v63 =	vmul.f32 v29, v23;
	v26 =	vadd.f32 v60, v19  }
0xa4: {  	v24 =	vadd.f32 v61, v24  }
0xa5: {  	s29 =	rddreg [dreg:$0x6];
	v31 =	vadd.f32 v63, v62;
	v30 =	vmax.f32 v26, $0.0e+00  }
0xa6: {  	s30 =	rddreg [dreg:$0x7];
	[tilespmem:s29+$0x0] =	vst.add.f32.msk $0xffff, v24;
	v32 =	vmul.f32 v30, v21  }
0xa7: {  	s31 =	rddreg [dreg:$0x8];
	[tilespmem:s30+$0x0] =	vst.add.f32.msk $0xffff, v31  }
0xa8: {  	[tilespmem:s31+$0x0] =	vst.add.f32.msk $0xffff, v32  }
0xa9: {  	v24 =	vld [tilespmem:s21+$0x20]  }
0xaa: {  	v33 =	vld [tilespmem:s22+$0x20]  }
0xab: {  	v26 =	vld [tilespmem:s23+$0x20]  }
0xac: {  	v34 =	vld [tilespmem:s24+$0x20];
	_ =	sdelay $0x3  }
0xad: {  	v35 =	vmul.f32 v24, v8;
	v36 =	vmul.f32 v33, v9  }
0xae: {  	v37 =	vmul.f32 v26, v10;
	v38 =	vmul.f32 v34, v11;
	_ =	sdelay $0x1  }
0xaf: {  	v28 =	vadd.f32 v36, v35;
	v39 =	vadd.f32 v38, v37;
	_ =	sdelay $0x1  }
0xb0: {  	v28 =	vadd.f32 v28, v15;
	v29 =	vadd.f32 v39, v16  }
0xb1: {  	v24 =	vmul.f32 v24, v13  }
0xb2: {  	v25 =	vmul.f32 v33, v14;
	v28 =	vmax.f32 v28, $0.0e+00;
	v29 =	vmax.f32 v29, $0.0e+00  }
0xb3: {  	v40 =	vmul.f32 v28, v18;
	v41 =	vmul.f32 v29, v22  }
0xb4: {  	v42 =	vmul.f32 v26, v12;
	v24 =	vadd.f32 v25, v24  }
0xb5: {  	v43 =	vadd.f32 v41, v40  }
0xb6: {  	v44 =	vmul.f32 v34, v17;
	v24 =	vadd.f32 v42, v24  }
0xb7: {  	v45 =	vmul.f32 v28, v20;
	v46 =	vmul.f32 v29, v23;
	v26 =	vadd.f32 v43, v19  }
0xb8: {  	v24 =	vadd.f32 v44, v24  }
0xb9: {  	s29 =	rddreg [dreg:$0x9];
	v48 =	vadd.f32 v46, v45;
	v47 =	vmax.f32 v26, $0.0e+00  }
0xba: {  	s30 =	rddreg [dreg:$0xa];
	[tilespmem:s29+$0x0] =	vst.add.f32.msk $0xffff, v24;
	v49 =	vmul.f32 v47, v21  }
0xbb: {  	s31 =	rddreg [dreg:$0xb];
	[tilespmem:s30+$0x0] =	vst.add.f32.msk $0xffff, v48  }
0xbc: {  	[tilespmem:s31+$0x0] =	vst.add.f32.msk $0xffff, v49  }
0xbd: {  	v24 =	vld [tilespmem:s21+$0x30]  }
0xbe: {  	v50 =	vld [tilespmem:s22+$0x30]  }
0xbf: {  	v26 =	vld [tilespmem:s23+$0x30]  }
0xc0: {  	v51 =	vld [tilespmem:s24+$0x30];
	_ =	sdelay $0x3  }
0xc1: {  	v52 =	vmul.f32 v24, v8;
	v53 =	vmul.f32 v50, v9  }
0xc2: {  	v54 =	vmul.f32 v26, v10;
	v55 =	vmul.f32 v51, v11;
	_ =	sdelay $0x1  }
0xc3: {  	v28 =	vadd.f32 v53, v52;
	v56 =	vadd.f32 v55, v54;
	_ =	sdelay $0x1  }
0xc4: {  	v28 =	vadd.f32 v28, v15;
	v29 =	vadd.f32 v56, v16  }
0xc5: {  	v24 =	vmul.f32 v24, v13  }
0xc6: {  	v25 =	vmul.f32 v50, v14;
	v28 =	vmax.f32 v28, $0.0e+00;
	v29 =	vmax.f32 v29, $0.0e+00  }
0xc7: {  	v57 =	vmul.f32 v28, v18;
	v58 =	vmul.f32 v29, v22  }
0xc8: {  	v59 =	vmul.f32 v26, v12;
	v24 =	vadd.f32 v25, v24  }
0xc9: {  	v60 =	vadd.f32 v58, v57  }
0xca: {  	v61 =	vmul.f32 v51, v17;
	v24 =	vadd.f32 v59, v24  }
0xcb: {  	v62 =	vmul.f32 v28, v20;
	v63 =	vmul.f32 v29, v23;
	v26 =	vadd.f32 v60, v19  }
0xcc: {  	v24 =	vadd.f32 v61, v24  }
0xcd: {  	s29 =	rddreg [dreg:$0xc];
	v31 =	vadd.f32 v63, v62;
	v30 =	vmax.f32 v26, $0.0e+00  }
0xce: {  	s30 =	rddreg [dreg:$0xd];
	[tilespmem:s29+$0x0] =	vst.add.f32.msk $0xffff, v24;
	v32 =	vmul.f32 v30, v21  }
0xcf: {  	s31 =	rddreg [dreg:$0xe];
	[tilespmem:s30+$0x0] =	vst.add.f32.msk $0xffff, v31  }
0xd0: {  	[tilespmem:s31+$0x0] =	vst.add.f32.msk $0xffff, v32  }
0xd1: {  	v24 =	vld [tilespmem:s21+$0x40]  }
0xd2: {  	v33 =	vld [tilespmem:s22+$0x40]  }
0xd3: {  	v26 =	vld [tilespmem:s23+$0x40]  }
0xd4: {  	v34 =	vld [tilespmem:s24+$0x40];
	_ =	sdelay $0x3  }
0xd5: {  	v35 =	vmul.f32 v24, v8;
	v36 =	vmul.f32 v33, v9  }
0xd6: {  	v37 =	vmul.f32 v26, v10;
	v38 =	vmul.f32 v34, v11;
	_ =	sdelay $0x1  }
0xd7: {  	v28 =	vadd.f32 v36, v35;
	v39 =	vadd.f32 v38, v37;
	_ =	sdelay $0x1  }
0xd8: {  	v28 =	vadd.f32 v28, v15;
	v29 =	vadd.f32 v39, v16  }
0xd9: {  	v24 =	vmul.f32 v24, v13  }
0xda: {  	v25 =	vmul.f32 v33, v14;
	v28 =	vmax.f32 v28, $0.0e+00;
	v29 =	vmax.f32 v29, $0.0e+00  }
0xdb: {  	v40 =	vmul.f32 v28, v18;
	v41 =	vmul.f32 v29, v22  }
0xdc: {  	v42 =	vmul.f32 v26, v12;
	v24 =	vadd.f32 v25, v24  }
0xdd: {  	v43 =	vadd.f32 v41, v40  }
0xde: {  	v44 =	vmul.f32 v34, v17;
	v24 =	vadd.f32 v42, v24  }
0xdf: {  	v45 =	vmul.f32 v28, v20;
	v46 =	vmul.f32 v29, v23;
	v26 =	vadd.f32 v43, v19  }
0xe0: {  	v24 =	vadd.f32 v44, v24  }
0xe1: {  	s29 =	rddreg [dreg:$0xf];
	v48 =	vadd.f32 v46, v45;
	v47 =	vmax.f32 v26, $0.0e+00  }
0xe2: {  	s30 =	rddreg [dreg:$0x10];
	[tilespmem:s29+$0x0] =	vst.add.f32.msk $0xffff, v24;
	v49 =	vmul.f32 v47, v21  }
0xe3: {  	s31 =	rddreg [dreg:$0x11];
	[tilespmem:s30+$0x0] =	vst.add.f32.msk $0xffff, v48  }
0xe4: {  	[tilespmem:s31+$0x0] =	vst.add.f32.msk $0xffff, v49  }
0xe5: {  	v24 =	vld [tilespmem:s21+$0x50]  }
0xe6: {  	v50 =	vld [tilespmem:s22+$0x50]  }
0xe7: {  	v26 =	vld [tilespmem:s23+$0x50]  }
0xe8: {  	v51 =	vld [tilespmem:s24+$0x50];
	_ =	sdelay $0x3  }
0xe9: {  	v52 =	vmul.f32 v24, v8;
	v53 =	vmul.f32 v50, v9  }
0xea: {  	v54 =	vmul.f32 v26, v10;
	v55 =	vmul.f32 v51, v11;
	_ =	sdelay $0x1  }
0xeb: {  	v28 =	vadd.f32 v53, v52;
	v56 =	vadd.f32 v55, v54;
	_ =	sdelay $0x1  }
0xec: {  	v28 =	vadd.f32 v28, v15;
	v29 =	vadd.f32 v56, v16  }
0xed: {  	v24 =	vmul.f32 v24, v13  }
0xee: {  	v25 =	vmul.f32 v50, v14;
	v28 =	vmax.f32 v28, $0.0e+00;
	v29 =	vmax.f32 v29, $0.0e+00  }
0xef: {  	v57 =	vmul.f32 v28, v18;
	v58 =	vmul.f32 v29, v22  }
0xf0: {  	v59 =	vmul.f32 v26, v12;
	v24 =	vadd.f32 v25, v24  }
0xf1: {  	v60 =	vadd.f32 v58, v57  }
0xf2: {  	v61 =	vmul.f32 v51, v17;
	v24 =	vadd.f32 v59, v24  }
0xf3: {  	v62 =	vmul.f32 v28, v20;
	v63 =	vmul.f32 v29, v23;
	v26 =	vadd.f32 v60, v19  }
0xf4: {  	v24 =	vadd.f32 v61, v24  }
0xf5: {  	s29 =	rddreg [dreg:$0x12];
	v31 =	vadd.f32 v63, v62;
	v30 =	vmax.f32 v26, $0.0e+00  }
0xf6: {  	s30 =	rddreg [dreg:$0x13];
	[tilespmem:s29+$0x0] =	vst.add.f32.msk $0xffff, v24;
	v32 =	vmul.f32 v30, v21  }
0xf7: {  	s31 =	rddreg [dreg:$0x14];
	[tilespmem:s30+$0x0] =	vst.add.f32.msk $0xffff, v31  }
0xf8: {  	[tilespmem:s31+$0x0] =	vst.add.f32.msk $0xffff, v32  }
0xf9: {  	v24 =	vld [tilespmem:s21+$0x60]  }
0xfa: {  	v33 =	vld [tilespmem:s22+$0x60]  }
0xfb: {  	v26 =	vld [tilespmem:s23+$0x60]  }
0xfc: {  	v34 =	vld [tilespmem:s24+$0x60];
	_ =	sdelay $0x3  }
0xfd: {  	v35 =	vmul.f32 v24, v8;
	v36 =	vmul.f32 v33, v9  }
0xfe: {  	v37 =	vmul.f32 v26, v10;
	v38 =	vmul.f32 v34, v11;
	_ =	sdelay $0x1  }
0xff: {  	v28 =	vadd.f32 v36, v35;
	v39 =	vadd.f32 v38, v37;
	_ =	sdelay $0x1  }
0x100: {  	v28 =	vadd.f32 v28, v15;
	v29 =	vadd.f32 v39, v16  }
0x101: {  	v24 =	vmul.f32 v24, v13  }
0x102: {  	v25 =	vmul.f32 v33, v14;
	v28 =	vmax.f32 v28, $0.0e+00;
	v29 =	vmax.f32 v29, $0.0e+00  }
0x103: {  	v40 =	vmul.f32 v28, v18;
	v41 =	vmul.f32 v29, v22  }
0x104: {  	v42 =	vmul.f32 v26, v12;
	v24 =	vadd.f32 v25, v24  }
0x105: {  	v43 =	vadd.f32 v41, v40  }
0x106: {  	v44 =	vmul.f32 v34, v17;
	v24 =	vadd.f32 v42, v24  }
0x107: {  	v45 =	vmul.f32 v28, v20;
	v46 =	vmul.f32 v29, v23;
	v26 =	vadd.f32 v43, v19  }
0x108: {  	v24 =	vadd.f32 v44, v24  }
0x109: {  	s29 =	rddreg [dreg:$0x15];
	v48 =	vadd.f32 v46, v45;
	v47 =	vmax.f32 v26, $0.0e+00  }
0x10a: {  	s30 =	rddreg [dreg:$0x16];
	[tilespmem:s29+$0x0] =	vst.add.f32.msk $0xffff, v24;
	v49 =	vmul.f32 v47, v21  }
0x10b: {  	s31 =	rddreg [dreg:$0x17];
	[tilespmem:s30+$0x0] =	vst.add.f32.msk $0xffff, v48  }
0x10c: {  	[tilespmem:s31+$0x0] =	vst.add.f32.msk $0xffff, v49  }
0x10d: {  	v24 =	vld [tilespmem:s21+$0x70]  }
0x10e: {  	v50 =	vld [tilespmem:s22+$0x70]  }
0x10f: {  	v26 =	vld [tilespmem:s23+$0x70]  }
0x110: {  	v51 =	vld [tilespmem:s24+$0x70];
	_ =	sdelay $0x3  }
0x111: {  	v52 =	vmul.f32 v24, v8;
	v53 =	vmul.f32 v50, v9  }
0x112: {  	v54 =	vmul.f32 v26, v10;
	v55 =	vmul.f32 v51, v11;
	_ =	sdelay $0x1  }
0x113: {  	v28 =	vadd.f32 v53, v52;
	v56 =	vadd.f32 v55, v54;
	_ =	sdelay $0x1  }
0x114: {  	v28 =	vadd.f32 v28, v15;
	v29 =	vadd.f32 v56, v16  }
0x115: {  	v24 =	vmul.f32 v24, v13  }
0x116: {  	v25 =	vmul.f32 v50, v14;
	v28 =	vmax.f32 v28, $0.0e+00;
	v29 =	vmax.f32 v29, $0.0e+00  }
0x117: {  	v57 =	vmul.f32 v28, v18;
	v58 =	vmul.f32 v29, v22  }
0x118: {  	v59 =	vmul.f32 v26, v12;
	v24 =	vadd.f32 v25, v24  }
0x119: {  	v60 =	vadd.f32 v58, v57  }
0x11a: {  	v61 =	vmul.f32 v51, v17;
	v24 =	vadd.f32 v59, v24  }
0x11b: {  	v62 =	vmul.f32 v28, v20;
	v63 =	vmul.f32 v29, v23;
	v26 =	vadd.f32 v60, v19  }
0x11c: {  	s26 =	rddreg [dreg:$0x18];
	s28 =	sand.u32 $0x3, s17;
	s22 =	simm.s32 $0x1;
	v24 =	vadd.f32 v61, v24  }
0x11d: {  	s29 =	rddreg [dreg:$0x19];
	s30 =	sand.u32 $0x7, s18;
	s22 =	simm.s32 @!p0 $0x0;
	v31 =	vadd.f32 v63, v62;
	v30 =	vmax.f32 v26, $0.0e+00  }
0x11e: {  	s31 =	rddreg [dreg:$0x1a];
	s24 =	sshll.u32 s30, $0x7;
	s22 =	sshll.u32 s22, $0x9;
	[tilespmem:s26+$0x0] =	vst.add.f32.msk $0xffff, v24;
	v32 =	vmul.f32 v30, v21  }
0x11f: {  	s24 =	sadd.s32 s20, s24;
	s21 =	sadd.s32 s22, s20;
	s26 =	sshll.u32 s28, $0x8;
	[tilespmem:s29+$0x0] =	vst.add.f32.msk $0xffff, v31  }
0x120: {  	s22 =	sadd.s32 $0x80, s24;
	s30 =	sor.u32 $0x400, s21;
	s29 =	sadd.s32 s20, s26;
	[tilespmem:s31+$0x0] =	vst.add.f32.msk $0xffff, v32  }
0x121: {  	s23 =	sadd.s32 $0x100, s29;
	s31 =	sor.u32 $0x400, s22;
	v24 =	vld [tilespmem:s30+$0x0]  }
0x122: {  	s24 =	sadd.s32 $0x180, s24;
	s26 =	sor.u32 $0x400, s23;
	v33 =	vld [tilespmem:s31+$0x0]  }
0x123: {  	s28 =	sor.u32 $0x400, s24;
	v26 =	vld [tilespmem:s26+$0x0]  }
0x124: {  	v34 =	vld [tilespmem:s28+$0x0];
	_ =	sdelay $0x3  }
0x125: {  	v35 =	vmul.f32 v24, v8;
	v36 =	vmul.f32 v33, v9  }
0x126: {  	v37 =	vmul.f32 v26, v10;
	v38 =	vmul.f32 v34, v11;
	_ =	sdelay $0x1  }
0x127: {  	v28 =	vadd.f32 v36, v35;
	v39 =	vadd.f32 v38, v37;
	_ =	sdelay $0x1  }
0x128: {  	v28 =	vadd.f32 v28, v15;
	v29 =	vadd.f32 v39, v16  }
0x129: {  	v24 =	vmul.f32 v24, v13  }
0x12a: {  	v25 =	vmul.f32 v33, v14;
	v28 =	vmax.f32 v28, $0.0e+00;
	v29 =	vmax.f32 v29, $0.0e+00  }
0x12b: {  	v40 =	vmul.f32 v28, v18;
	v41 =	vmul.f32 v29, v22  }
0x12c: {  	v42 =	vmul.f32 v26, v12;
	v24 =	vadd.f32 v25, v24  }
0x12d: {  	v43 =	vadd.f32 v41, v40  }
0x12e: {  	v44 =	vmul.f32 v34, v17;
	v24 =	vadd.f32 v42, v24  }
0x12f: {  	v45 =	vmul.f32 v28, v20;
	v46 =	vmul.f32 v29, v23;
	v26 =	vadd.f32 v43, v19  }
0x130: {  	v24 =	vadd.f32 v44, v24  }
0x131: {  	s29 =	rddreg [dreg:$0x1b];
	v48 =	vadd.f32 v46, v45;
	v47 =	vmax.f32 v26, $0.0e+00  }
0x132: {  	s30 =	rddreg [dreg:$0x1c];
	[tilespmem:s29+$0x0] =	vst.add.f32.msk $0xffff, v24;
	v49 =	vmul.f32 v47, v21  }
0x133: {  	s31 =	rddreg [dreg:$0x1d];
	[tilespmem:s30+$0x0] =	vst.add.f32.msk $0xffff, v48  }
0x134: {  	s28 =	sor.u32 $0x410, s21;
	[tilespmem:s31+$0x0] =	vst.add.f32.msk $0xffff, v49  }
0x135: {  	s29 =	sor.u32 $0x410, s22;
	v24 =	vld [tilespmem:s28+$0x0]  }
0x136: {  	s30 =	sor.u32 $0x410, s23;
	v50 =	vld [tilespmem:s29+$0x0]  }
0x137: {  	s31 =	sor.u32 $0x410, s24;
	v26 =	vld [tilespmem:s30+$0x0]  }
0x138: {  	v51 =	vld [tilespmem:s31+$0x0];
	_ =	sdelay $0x3  }
0x139: {  	v52 =	vmul.f32 v24, v8;
	v53 =	vmul.f32 v50, v9  }
0x13a: {  	v54 =	vmul.f32 v26, v10;
	v55 =	vmul.f32 v51, v11;
	_ =	sdelay $0x1  }
0x13b: {  	v28 =	vadd.f32 v53, v52;
	v56 =	vadd.f32 v55, v54;
	_ =	sdelay $0x1  }
0x13c: {  	v28 =	vadd.f32 v28, v15;
	v29 =	vadd.f32 v56, v16  }
0x13d: {  	v24 =	vmul.f32 v24, v13  }
0x13e: {  	v25 =	vmul.f32 v50, v14;
	v28 =	vmax.f32 v28, $0.0e+00;
	v29 =	vmax.f32 v29, $0.0e+00  }
0x13f: {  	v57 =	vmul.f32 v28, v18;
	v58 =	vmul.f32 v29, v22  }
0x140: {  	v59 =	vmul.f32 v26, v12;
	v24 =	vadd.f32 v25, v24  }
0x141: {  	v60 =	vadd.f32 v58, v57  }
0x142: {  	v61 =	vmul.f32 v51, v17;
	v24 =	vadd.f32 v59, v24  }
0x143: {  	v62 =	vmul.f32 v28, v20;
	v63 =	vmul.f32 v29, v23;
	v26 =	vadd.f32 v60, v19  }
0x144: {  	s26 =	rddreg [dreg:$0x1e];
	v24 =	vadd.f32 v61, v24  }
0x145: {  	s30 =	sld [smem:$0x7EB];
	v31 =	vadd.f32 v63, v62;
	v30 =	vmax.f32 v26, $0.0e+00  }
0x146: {  	s29 =	rddreg [dreg:$0x1f];
	[tilespmem:s26+$0x0] =	vst.add.f32.msk $0xffff, v24;
	v32 =	vmul.f32 v30, v21  }
0x147: {  	[tilespmem:s29+$0x0] =	vst.add.f32.msk $0xffff, v31  }
0x148: {  	s31 =	sor.u32 $0x420, s21;
	[tilespmem:s30+$0x0] =	vst.add.f32.msk $0xffff, v32  }
0x149: {  	s26 =	sor.u32 $0x420, s22;
	v24 =	vld [tilespmem:s31+$0x0]  }
0x14a: {  	s28 =	sor.u32 $0x420, s23;
	v33 =	vld [tilespmem:s26+$0x0]  }
0x14b: {  	s29 =	sor.u32 $0x420, s24;
	v26 =	vld [tilespmem:s28+$0x0]  }
0x14c: {  	v34 =	vld [tilespmem:s29+$0x0];
	_ =	sdelay $0x3  }
0x14d: {  	v35 =	vmul.f32 v24, v8;
	v36 =	vmul.f32 v33, v9  }
0x14e: {  	v37 =	vmul.f32 v26, v10;
	v38 =	vmul.f32 v34, v11;
	_ =	sdelay $0x1  }
0x14f: {  	v28 =	vadd.f32 v36, v35;
	v39 =	vadd.f32 v38, v37;
	_ =	sdelay $0x1  }
0x150: {  	v28 =	vadd.f32 v28, v15;
	v29 =	vadd.f32 v39, v16  }
0x151: {  	v24 =	vmul.f32 v24, v13  }
0x152: {  	v25 =	vmul.f32 v33, v14;
	v28 =	vmax.f32 v28, $0.0e+00;
	v29 =	vmax.f32 v29, $0.0e+00  }
0x153: {  	v40 =	vmul.f32 v28, v18;
	v41 =	vmul.f32 v29, v22  }
0x154: {  	v42 =	vmul.f32 v26, v12;
	v24 =	vadd.f32 v25, v24  }
0x155: {  	v43 =	vadd.f32 v41, v40  }
0x156: {  	v44 =	vmul.f32 v34, v17;
	v24 =	vadd.f32 v42, v24  }
0x157: {  	s30 =	sld [smem:$0x7EC];
	v45 =	vmul.f32 v28, v20;
	v46 =	vmul.f32 v29, v23;
	v26 =	vadd.f32 v43, v19  }
0x158: {  	s31 =	sld [smem:$0x7ED];
	v24 =	vadd.f32 v44, v24  }
0x159: {  	s29 =	sld [smem:$0x7EE];
	v48 =	vadd.f32 v46, v45;
	v47 =	vmax.f32 v26, $0.0e+00  }
0x15a: {  	[tilespmem:s30+$0x0] =	vst.add.f32.msk $0xffff, v24;
	v49 =	vmul.f32 v47, v21  }
0x15b: {  	[tilespmem:s31+$0x0] =	vst.add.f32.msk $0xffff, v48  }
0x15c: {  	s30 =	sor.u32 $0x430, s21;
	[tilespmem:s29+$0x0] =	vst.add.f32.msk $0xffff, v49  }
0x15d: {  	s31 =	sor.u32 $0x430, s22;
	v24 =	vld [tilespmem:s30+$0x0]  }
0x15e: {  	s26 =	sor.u32 $0x430, s23;
	v50 =	vld [tilespmem:s31+$0x0]  }
0x15f: {  	s28 =	sor.u32 $0x430, s24;
	v26 =	vld [tilespmem:s26+$0x0]  }
0x160: {  	v51 =	vld [tilespmem:s28+$0x0];
	_ =	sdelay $0x3  }
0x161: {  	v52 =	vmul.f32 v24, v8;
	v53 =	vmul.f32 v50, v9  }
0x162: {  	v54 =	vmul.f32 v26, v10;
	v55 =	vmul.f32 v51, v11;
	_ =	sdelay $0x1  }
0x163: {  	v28 =	vadd.f32 v53, v52;
	v56 =	vadd.f32 v55, v54;
	_ =	sdelay $0x1  }
0x164: {  	v28 =	vadd.f32 v28, v15;
	v29 =	vadd.f32 v56, v16  }
0x165: {  	v24 =	vmul.f32 v24, v13  }
0x166: {  	v25 =	vmul.f32 v50, v14;
	v28 =	vmax.f32 v28, $0.0e+00;
	v29 =	vmax.f32 v29, $0.0e+00  }
0x167: {  	v57 =	vmul.f32 v28, v18;
	v58 =	vmul.f32 v29, v22  }
0x168: {  	v59 =	vmul.f32 v26, v12;
	v24 =	vadd.f32 v25, v24  }
0x169: {  	v60 =	vadd.f32 v58, v57  }
0x16a: {  	v61 =	vmul.f32 v51, v17;
	v24 =	vadd.f32 v59, v24  }
0x16b: {  	s29 =	sld [smem:$0x7EF];
	v62 =	vmul.f32 v28, v20;
	v63 =	vmul.f32 v29, v23;
	v26 =	vadd.f32 v60, v19  }
0x16c: {  	s30 =	sld [smem:$0x7F0];
	v24 =	vadd.f32 v61, v24  }
0x16d: {  	s31 =	sld [smem:$0x7F1];
	v31 =	vadd.f32 v63, v62;
	v30 =	vmax.f32 v26, $0.0e+00  }
0x16e: {  	[tilespmem:s29+$0x0] =	vst.add.f32.msk $0xffff, v24;
	v32 =	vmul.f32 v30, v21  }
0x16f: {  	[tilespmem:s30+$0x0] =	vst.add.f32.msk $0xffff, v31  }
0x170: {  	s28 =	sor.u32 $0x440, s21;
	[tilespmem:s31+$0x0] =	vst.add.f32.msk $0xffff, v32  }
0x171: {  	s29 =	sor.u32 $0x440, s22;
	v24 =	vld [tilespmem:s28+$0x0]  }
0x172: {  	s30 =	sor.u32 $0x440, s23;
	v33 =	vld [tilespmem:s29+$0x0]  }
0x173: {  	s31 =	sor.u32 $0x440, s24;
	v26 =	vld [tilespmem:s30+$0x0]  }
0x174: {  	v34 =	vld [tilespmem:s31+$0x0];
	_ =	sdelay $0x3  }
0x175: {  	v35 =	vmul.f32 v24, v8;
	v36 =	vmul.f32 v33, v9  }
0x176: {  	v37 =	vmul.f32 v26, v10;
	v38 =	vmul.f32 v34, v11;
	_ =	sdelay $0x1  }
0x177: {  	v28 =	vadd.f32 v36, v35;
	v39 =	vadd.f32 v38, v37;
	_ =	sdelay $0x1  }
0x178: {  	v28 =	vadd.f32 v28, v15;
	v29 =	vadd.f32 v39, v16  }
0x179: {  	v24 =	vmul.f32 v24, v13  }
0x17a: {  	v25 =	vmul.f32 v33, v14;
	v28 =	vmax.f32 v28, $0.0e+00;
	v29 =	vmax.f32 v29, $0.0e+00  }
0x17b: {  	v40 =	vmul.f32 v28, v18;
	v41 =	vmul.f32 v29, v22  }
0x17c: {  	v42 =	vmul.f32 v26, v12;
	v24 =	vadd.f32 v25, v24  }
0x17d: {  	v43 =	vadd.f32 v41, v40  }
0x17e: {  	v44 =	vmul.f32 v34, v17;
	v24 =	vadd.f32 v42, v24  }
0x17f: {  	s26 =	sld [smem:$0x7F2];
	v45 =	vmul.f32 v28, v20;
	v46 =	vmul.f32 v29, v23;
	v26 =	vadd.f32 v43, v19  }
0x180: {  	s29 =	sld [smem:$0x7F3];
	v24 =	vadd.f32 v44, v24  }
0x181: {  	s30 =	sld [smem:$0x7F4];
	v48 =	vadd.f32 v46, v45;
	v47 =	vmax.f32 v26, $0.0e+00  }
0x182: {  	[tilespmem:s26+$0x0] =	vst.add.f32.msk $0xffff, v24;
	v49 =	vmul.f32 v47, v21  }
0x183: {  	[tilespmem:s29+$0x0] =	vst.add.f32.msk $0xffff, v48  }
0x184: {  	s31 =	sor.u32 $0x450, s21;
	[tilespmem:s30+$0x0] =	vst.add.f32.msk $0xffff, v49  }
0x185: {  	s26 =	sor.u32 $0x450, s22;
	v24 =	vld [tilespmem:s31+$0x0]  }
0x186: {  	s28 =	sor.u32 $0x450, s23;
	v50 =	vld [tilespmem:s26+$0x0]  }
0x187: {  	s29 =	sor.u32 $0x450, s24;
	v26 =	vld [tilespmem:s28+$0x0]  }
0x188: {  	v51 =	vld [tilespmem:s29+$0x0];
	_ =	sdelay $0x3  }
0x189: {  	v52 =	vmul.f32 v24, v8;
	v53 =	vmul.f32 v50, v9  }
0x18a: {  	v54 =	vmul.f32 v26, v10;
	v55 =	vmul.f32 v51, v11;
	_ =	sdelay $0x1  }
0x18b: {  	v28 =	vadd.f32 v53, v52;
	v56 =	vadd.f32 v55, v54;
	_ =	sdelay $0x1  }
0x18c: {  	v28 =	vadd.f32 v28, v15;
	v29 =	vadd.f32 v56, v16  }
0x18d: {  	v24 =	vmul.f32 v24, v13  }
0x18e: {  	v25 =	vmul.f32 v50, v14;
	v28 =	vmax.f32 v28, $0.0e+00;
	v29 =	vmax.f32 v29, $0.0e+00  }
0x18f: {  	v57 =	vmul.f32 v28, v18;
	v58 =	vmul.f32 v29, v22  }
0x190: {  	v59 =	vmul.f32 v26, v12;
	v24 =	vadd.f32 v25, v24  }
0x191: {  	v60 =	vadd.f32 v58, v57  }
0x192: {  	v61 =	vmul.f32 v51, v17;
	v24 =	vadd.f32 v59, v24  }
0x193: {  	s30 =	sld [smem:$0x7F5];
	v62 =	vmul.f32 v28, v20;
	v63 =	vmul.f32 v29, v23;
	v26 =	vadd.f32 v60, v19  }
0x194: {  	s31 =	sld [smem:$0x7F6];
	v24 =	vadd.f32 v61, v24  }
0x195: {  	s29 =	sld [smem:$0x7F7];
	v33 =	vadd.f32 v63, v62;
	v32 =	vmax.f32 v26, $0.0e+00  }
0x196: {  	[tilespmem:s30+$0x0] =	vst.add.f32.msk $0xffff, v24;
	v34 =	vmul.f32 v32, v21  }
0x197: {  	[tilespmem:s31+$0x0] =	vst.add.f32.msk $0xffff, v33  }
0x198: {  	s30 =	sor.u32 $0x460, s21;
	[tilespmem:s29+$0x0] =	vst.add.f32.msk $0xffff, v34  }
0x199: {  	s31 =	sor.u32 $0x460, s22;
	v24 =	vld [tilespmem:s30+$0x0]  }
0x19a: {  	s26 =	sor.u32 $0x460, s23;
	v35 =	vld [tilespmem:s31+$0x0]  }
0x19b: {  	s28 =	sor.u32 $0x460, s24;
	v26 =	vld [tilespmem:s26+$0x0]  }
0x19c: {  	v36 =	vld [tilespmem:s28+$0x0];
	_ =	sdelay $0x3  }
0x19d: {  	v37 =	vmul.f32 v24, v8;
	v38 =	vmul.f32 v35, v9  }
0x19e: {  	v39 =	vmul.f32 v26, v10;
	v40 =	vmul.f32 v36, v11;
	_ =	sdelay $0x1  }
0x19f: {  	v28 =	vadd.f32 v38, v37;
	v41 =	vadd.f32 v40, v39;
	_ =	sdelay $0x1  }
0x1a0: {  	v28 =	vadd.f32 v28, v15;
	v29 =	vadd.f32 v41, v16  }
0x1a1: {  	v24 =	vmul.f32 v24, v13  }
0x1a2: {  	v25 =	vmul.f32 v35, v14;
	v28 =	vmax.f32 v28, $0.0e+00;
	v29 =	vmax.f32 v29, $0.0e+00  }
0x1a3: {  	v42 =	vmul.f32 v28, v18;
	v43 =	vmul.f32 v29, v22  }
0x1a4: {  	v44 =	vmul.f32 v26, v12;
	v24 =	vadd.f32 v25, v24  }
0x1a5: {  	v45 =	vadd.f32 v43, v42  }
0x1a6: {  	v46 =	vmul.f32 v36, v17;
	v24 =	vadd.f32 v44, v24  }
0x1a7: {  	s29 =	sld [smem:$0x7F8];
	v47 =	vmul.f32 v28, v20;
	v48 =	vmul.f32 v29, v23;
	v26 =	vadd.f32 v45, v19  }
0x1a8: {  	s30 =	sld [smem:$0x7F9];
	v24 =	vadd.f32 v46, v24  }
0x1a9: {  	s31 =	sld [smem:$0x7FA];
	v50 =	vadd.f32 v48, v47;
	v49 =	vmax.f32 v26, $0.0e+00  }
0x1aa: {  	[tilespmem:s29+$0x0] =	vst.add.f32.msk $0xffff, v24;
	v51 =	vmul.f32 v49, v21  }
0x1ab: {  	[tilespmem:s30+$0x0] =	vst.add.f32.msk $0xffff, v50  }
0x1ac: {  	s21 =	sor.u32 $0x470, s21;
	[tilespmem:s31+$0x0] =	vst.add.f32.msk $0xffff, v51  }
0x1ad: {  	s25 =	sor.u32 $0x470, s22;
	v24 =	vld [tilespmem:s21+$0x0]  }
0x1ae: {  	s26 =	sor.u32 $0x470, s23;
	v52 =	vld [tilespmem:s25+$0x0]  }
0x1af: {  	s28 =	sor.u32 $0x470, s24;
	v26 =	vld [tilespmem:s26+$0x0]  }
0x1b0: {  	v53 =	vld [tilespmem:s28+$0x0];
	_ =	sdelay $0x3  }
0x1b1: {  	v8 =	vmul.f32 v24, v8;
	v9 =	vmul.f32 v52, v9  }
0x1b2: {  	v10 =	vmul.f32 v26, v10;
	v11 =	vmul.f32 v53, v11;
	_ =	sdelay $0x1  }
0x1b3: {  	v8 =	vadd.f32 v9, v8;
	v54 =	vadd.f32 v11, v10;
	_ =	sdelay $0x1  }
0x1b4: {  	v8 =	vadd.f32 v8, v15;
	v9 =	vadd.f32 v54, v16  }
0x1b5: {  	v55 =	vmul.f32 v24, v13  }
0x1b6: {  	v56 =	vmul.f32 v52, v14;
	v8 =	vmax.f32 v8, $0.0e+00;
	v9 =	vmax.f32 v9, $0.0e+00  }
0x1b7: {  	v57 =	vmul.f32 v8, v18;
	v58 =	vmul.f32 v9, v22  }
0x1b8: {  	v59 =	vmul.f32 v26, v12;
	v10 =	vadd.f32 v56, v55  }
0x1b9: {  	v60 =	vadd.f32 v58, v57  }
0x1ba: {  	v61 =	vmul.f32 v53, v17;
	v10 =	vadd.f32 v59, v10  }
0x1bb: {  	p1 =	sne.s32 s20, $0x7C00;
	s29 =	sld [smem:$0x7FB];
	v8 =	vmul.f32 v8, v20;
	v9 =	vmul.f32 v9, v23;
	v12 =	vadd.f32 v60, v19  }
.Ltmp0:
0x1bc: {  	s30 =	sld [smem:$0x7FC];
	v10 =	vadd.f32 v61, v10;
	(pc) =	sbr.rel @p1 .LBB2_2-.Ltmp0, $4  }
0x1bd: {  	s19 =	sadd.s32 $0x200, s19;
	s31 =	sld [smem:$0x7FD];
	v8 =	vadd.f32 v9, v8;
	v62 =	vmax.f32 v12, $0.0e+00  }
0x1be: {  	s16 =	sadd.s32 $0x10, s16;
	s15 =	sadd.s32 $0x40, s15;
	s14 =	sadd.s32 $0x20, s14;
	[tilespmem:s29+$0x0] =	vst.add.f32.msk $0xffff, v10;
	v63 =	vmul.f32 v62, v21  }
0x1bf: {  	s12 =	sadd.s32 $0x40, s12;
	s13 =	sadd.s32 $0x20, s13;
	s17 =	sadd.s32 $0x2, s17;
	[tilespmem:s30+$0x0] =	vst.add.f32.msk $0xffff, v8  }
0x1c0: {  	s18 =	sadd.s32 $0x4, s18;
	p0 =	por !p0, !p0;
	s20 =	sadd.s32 $0x400, s20;
	[tilespmem:s31+$0x0] =	vst.add.f32.msk $0xffff, v63  }
0x1c1: {  	v8 =	vld [tilespmem:$0xC000]  }
0x1c2: {  	v9 =	vld [tilespmem:$0xC100]  }
0x1c3: {  	v10 =	vld [tilespmem:$0xC200]  }
0x1c4: {  	v11 =	vld [tilespmem:$0xC010]  }
0x1c5: {  	v12 =	vld [tilespmem:$0xC110]  }
0x1c6: {  	v13 =	vld [tilespmem:$0xC210]  }
0x1c7: {  	v14 =	vld [tilespmem:$0xC020]  }
0x1c8: {  	v15 =	vld [tilespmem:$0xC120]  }
0x1c9: {  	v16 =	vld [tilespmem:$0xC220]  }
0x1ca: {  	v17 =	vld [tilespmem:$0xC030]  }
0x1cb: {  	v18 =	vld [tilespmem:$0xC130]  }
0x1cc: {  	v19 =	vld [tilespmem:$0xC230]  }
0x1cd: {  	v20 =	vld [tilespmem:$0xC240]  }
0x1ce: {  	v31 =	vld [tilespmem:$0xC060]  }
0x1cf: {  	v21 =	vld [tilespmem:$0xC070];
	v8 =	vadd.f32 v8, v7;
	v9 =	vadd.f32 v9, v6  }
0x1d0: {  	v35 =	vld [tilespmem:$0xC170];
	v10 =	vadd.f32 v10, v5;
	v11 =	vadd.f32 v11, v7  }
0x1d1: {  	v22 =	vld [tilespmem:$0xC270];
	v12 =	vadd.f32 v12, v6;
	v13 =	vadd.f32 v13, v5  }
0x1d2: {  	v40 =	vld [tilespmem:$0xC080];
	v14 =	vadd.f32 v14, v7;
	v15 =	vadd.f32 v15, v6  }
0x1d3: {  	v41 =	vld [tilespmem:$0xC180];
	v58 =	vadd.f32 v16, v5;
	v17 =	vadd.f32 v17, v7  }
0x1d4: {  	v18 =	vadd.f32 v18, v6;
	v19 =	vadd.f32 v19, v5  }
0x1d5: {  	v30 =	vadd.f32 v20, v5;
	v20 =	vadd.f32 v31, v7  }
0x1d6: {  	v59 =	vld [tilespmem:$0xC140];
	v39 =	vadd.f32 v21, v7;
	v16 =	vadd.f32 v35, v6  }
0x1d7: {  	v26 =	vld [tilespmem:$0xC150];
	v22 =	vadd.f32 v22, v5;
	v46 =	vadd.f32 v40, v7  }
0x1d8: {  	v29 =	vld [tilespmem:$0xC250];
	v48 =	vadd.f32 v41, v6;
	v8 =	vmax.f32 v8, $0.0e+00;
	v9 =	vmax.f32 v9, $0.0e+00  }
0x1d9: {  	v10 =	vmax.f32 v10, $0.0e+00;
	v11 =	vmax.f32 v11, $0.0e+00;
	v12 =	vmax.f32 v12, $0.0e+00  }
0x1da: {  	v13 =	vmax.f32 v13, $0.0e+00;
	v56 =	vmax.f32 v14, $0.0e+00;
	v57 =	vmax.f32 v15, $0.0e+00  }
0x1db: {  	v14 =	vmax.f32 v58, $0.0e+00;
	v23 =	vmax.f32 v17, $0.0e+00;
	v24 =	vmax.f32 v18, $0.0e+00  }
0x1dc: {  	v25 =	vmax.f32 v19, $0.0e+00;
	v15 =	vadd.f32 v59, v6;
	v19 =	vmax.f32 v30, $0.0e+00  }
0x1dd: {  	v44 =	vld [tilespmem:$0xC280];
	v18 =	vadd.f32 v26, v6;
	v17 =	vadd.f32 v29, v5;
	v8 =	vmul.f32 v8, v4  }
0x1de: {  	v47 =	vld [tilespmem:$0xC290];
	v38 =	vmax.f32 v20, $0.0e+00;
	v9 =	vmul.f32 v9, v3;
	v10 =	vmul.f32 v10, v2  }
0x1df: {  	v36 =	vld [tilespmem:$0xC260];
	v16 =	vmax.f32 v16, $0.0e+00;
	v11 =	vmul.f32 v11, v4;
	v12 =	vmul.f32 v12, v3  }
0x1e0: {  	v43 =	vmax.f32 v22, $0.0e+00;
	v54 =	vmul.f32 v13, v2;
	v60 =	vmul.f32 v56, v4  }
0x1e1: {  	v49 =	vmax.f32 v46, $0.0e+00;
	v13 =	vmul.f32 v57, v3;
	v62 =	vmul.f32 v14, v2  }
0x1e2: {  	v55 =	vld [tilespmem:$0xC040];
	v22 =	vadd.f32 v44, v5;
	v14 =	vmul.f32 v23, v4;
	v27 =	vmul.f32 v24, v3  }
0x1e3: {  	v63 =	vld [tilespmem:$0xC050];
	v20 =	vadd.f32 v47, v5;
	v28 =	vmul.f32 v25, v2;
	v34 =	vmul.f32 v19, v2  }
0x1e4: {  	v33 =	vld [tilespmem:$0xC160];
	v19 =	vadd.f32 v36, v5;
	v16 =	vmul.f32 v16, v3;
	v45 =	vmul.f32 v43, v2  }
0x1e5: {  	v41 =	vld [tilespmem:$0xC0F0];
	v15 =	vmax.f32 v15, $0.0e+00;
	v18 =	vmax.f32 v18, $0.0e+00;
	v37 =	vmax.f32 v17, $0.0e+00  }
0x1e6: {  	v17 =	vmul.f32 v38, v4;
	v22 =	vmax.f32 v22, $0.0e+00;
	v8 =	vadd.f32 v9, v8  }
0x1e7: {  	v26 =	vld [tilespmem:$0xC1B0];
	v20 =	vmax.f32 v20, $0.0e+00;
	v53 =	vadd.f32 v12, v11;
	v61 =	vadd.f32 v13, v60  }
0x1e8: {  	v59 =	vld [tilespmem:$0xC0C0];
	v12 =	vadd.f32 v55, v7;
	v32 =	vmul.f32 v15, v3;
	v13 =	vadd.f32 v63, v7  }
0x1e9: {  	v23 =	vld [tilespmem:$0xC090];
	v18 =	vmul.f32 v18, v3;
	v15 =	vadd.f32 v33, v6;
	v19 =	vmax.f32 v19, $0.0e+00  }
0x1ea: {  	v24 =	vld [tilespmem:$0xC190];
	v55 =	vmul.f32 v22, v2;
	v20 =	vmul.f32 v20, v2;
	v47 =	vadd.f32 v41, v7  }
0x1eb: {  	v25 =	vld [tilespmem:$0xC0B0];
	v42 =	vmul.f32 v19, v2;
	v9 =	vadd.f32 v10, v8;
	v11 =	vadd.f32 v54, v53  }
0x1ec: {  	v8 =	vadd.f32 v62, v61;
	v12 =	vmax.f32 v12, $0.0e+00;
	v10 =	vadd.f32 v27, v14  }
0x1ed: {  	v36 =	vld [tilespmem:$0xC0E0];
	v13 =	vmax.f32 v13, $0.0e+00;
	v14 =	vmul.f32 v37, v2;
	v15 =	vmax.f32 v15, $0.0e+00  }
0x1ee: {  	v61 =	vadd.f32 v26, v6;
	v22 =	vadd.f32 v59, v7;
	v12 =	vmul.f32 v12, v4  }
0x1ef: {  	v13 =	vmul.f32 v13, v4;
	v51 =	vadd.f32 v23, v7;
	v52 =	vadd.f32 v24, v6  }
0x1f0: {  	v43 =	vld [tilespmem:$0xC2E0];
	v15 =	vmul.f32 v15, v3;
	v60 =	vadd.f32 v25, v7;
	v10 =	vadd.f32 v28, v10  }
0x1f1: {  	v63 =	vld [tilespmem:$0xC0D0];
	v24 =	vmax.f32 v61, $0.0e+00;
	v9 =	vadd.f32 v9, v1;
	v11 =	vadd.f32 v11, v1  }
0x1f2: {  	v38 =	vld [tilespmem:$0xC1E0];
	v35 =	vmax.f32 v22, $0.0e+00;
	v22 =	vadd.f32 v36, v7;
	v8 =	vadd.f32 v8, v1  }
0x1f3: {  	v53 =	vld [tilespmem:$0xC1A0];
	v12 =	vadd.f32 v32, v12;
	v13 =	vadd.f32 v18, v13;
	v18 =	vmax.f32 v39, $0.0e+00  }
0x1f4: {  	v54 =	vld [tilespmem:$0xC2A0];
	v15 =	vadd.f32 v15, v17;
	v17 =	vmul.f32 v49, v4;
	v19 =	vmax.f32 v51, $0.0e+00  }
0x1f5: {  	v62 =	vld [tilespmem:$0xC1C0];
	v21 =	vmax.f32 v52, $0.0e+00;
	v23 =	vmax.f32 v60, $0.0e+00;
	v31 =	vmul.f32 v24, v3  }
0x1f6: {  	v27 =	vld [tilespmem:$0xC2C0];
	v26 =	vadd.f32 v63, v7;
	v52 =	vadd.f32 v43, v5;
	v18 =	vmul.f32 v18, v4  }
0x1f7: {  	v50 =	vld [tilespmem:$0xC0A0];
	v19 =	vmul.f32 v19, v4;
	v30 =	vmul.f32 v23, v4;
	v23 =	vadd.f32 v38, v6  }
0x1f8: {  	v56 =	vld [tilespmem:$0xC2B0];
	v21 =	vmul.f32 v21, v3;
	v10 =	vadd.f32 v10, v1;
	v12 =	vadd.f32 v34, v12  }
0x1f9: {  	v22 =	vmax.f32 v22, $0.0e+00;
	v13 =	vadd.f32 v14, v13;
	v15 =	vadd.f32 v42, v15  }
0x1fa: {  	v14 =	vmax.f32 v48, $0.0e+00;
	v57 =	vadd.f32 v53, v6;
	v58 =	vadd.f32 v54, v5  }
0x1fb: {  	v33 =	vadd.f32 v62, v6;
	v27 =	vadd.f32 v27, v5;
	v39 =	vmax.f32 v26, $0.0e+00  }
0x1fc: {  	v22 =	vmul.f32 v22, v4;
	v16 =	vadd.f32 v16, v18;
	v19 =	vadd.f32 v21, v19  }
0x1fd: {  	v14 =	vmul.f32 v14, v3;
	v18 =	vadd.f32 v50, v7;
	v21 =	vadd.f32 v56, v5  }
0x1fe: {  	v32 =	vld [tilespmem:$0xC1D0];
	v23 =	vmax.f32 v23, $0.0e+00;
	v7 =	vmax.f32 v47, $0.0e+00;
	v37 =	vmax.f32 v33, $0.0e+00  }
0x1ff: {  	v40 =	vmax.f32 v27, $0.0e+00;
	v48 =	vadd.f32 v12, v1;
	v50 =	vadd.f32 v13, v1  }
0x200: {  	v34 =	vld [tilespmem:$0xC2D0];
	v23 =	vmul.f32 v23, v3;
	v51 =	vadd.f32 v15, v1;
	v16 =	vadd.f32 v45, v16  }
0x201: {  	v42 =	vld [tilespmem:$0xC1F0];
	v14 =	vadd.f32 v14, v17;
	v19 =	vadd.f32 v20, v19;
	v18 =	vmax.f32 v18, $0.0e+00  }
0x202: {  	v17 =	vmax.f32 v57, $0.0e+00;
	v20 =	vmax.f32 v58, $0.0e+00;
	v21 =	vmax.f32 v21, $0.0e+00  }
0x203: {  	v24 =	vadd.f32 v32, v6;
	v26 =	vmul.f32 v40, v2;
	v18 =	vmul.f32 v18, v4  }
0x204: {  	v58 =	vmax.f32 v52, $0.0e+00;
	v17 =	vmul.f32 v17, v3;
	v20 =	vmul.f32 v20, v2  }
0x205: {  	v21 =	vmul.f32 v21, v2;
	v46 =	vadd.f32 v23, v22;
	v14 =	vadd.f32 v55, v14  }
0x206: {  	[tilespmem:$0xC320] =	vst v8;
	v45 =	vld [tilespmem:$0xC2F0];
	v8 =	vmul.f32 v58, v2;
	v25 =	vadd.f32 v34, v5;
	v49 =	vadd.f32 v42, v6  }
0x207: {  	v24 =	vmax.f32 v24, $0.0e+00;
	v54 =	vadd.f32 v16, v1;
	v57 =	vadd.f32 v19, v1  }
0x208: {  	[tilespmem:$0xC300] =	vst v9;
	v55 =	vmul.f32 v7, v4;
	v17 =	vadd.f32 v17, v18;
	v18 =	vadd.f32 v31, v30  }
0x209: {  	[tilespmem:$0xC310] =	vst v11;
	v24 =	vmul.f32 v24, v3;
	v62 =	vadd.f32 v8, v46;
	v25 =	vmax.f32 v25, $0.0e+00  }
0x20a: {  	[tilespmem:$0xC330] =	vst v10;
	v6 =	vmax.f32 v49, $0.0e+00;
	v17 =	vadd.f32 v20, v17;
	v18 =	vadd.f32 v21, v18  }
0x20b: {  	[tilespmem:$0xC340] =	vst v48;
	v20 =	vmul.f32 v35, v4;
	v21 =	vmul.f32 v37, v3;
	v53 =	vadd.f32 v45, v5  }
0x20c: {  	[tilespmem:$0xC350] =	vst v50;
	v56 =	vadd.f32 v14, v1;
	v25 =	vmul.f32 v25, v2;
	v3 =	vmul.f32 v6, v3  }
0x20d: {  	[tilespmem:$0xC360] =	vst v51;
	v20 =	vadd.f32 v21, v20;
	v21 =	vmul.f32 v39, v4;
	v5 =	vmax.f32 v53, $0.0e+00  }
0x20e: {  	[tilespmem:$0xC370] =	vst v54;
	v59 =	vadd.f32 v17, v1;
	v3 =	vadd.f32 v3, v55;
	v2 =	vmul.f32 v5, v2  }
0x20f: {  	[tilespmem:$0xC390] =	vst v57;
	v60 =	vadd.f32 v18, v1;
	v21 =	vadd.f32 v24, v21  }
0x210: {  	[tilespmem:$0xC380] =	vst v56;
	v20 =	vadd.f32 v26, v20;
	v2 =	vadd.f32 v2, v3  }
0x211: {  	[tilespmem:$0xC3A0] =	vst v59;
	v3 =	vadd.f32 v62, v1;
	v44 =	vadd.f32 v25, v21  }
0x212: {  	[tilespmem:$0xC3B0] =	vst v60;
	v61 =	vadd.f32 v20, v1  }
0x213: {  	[tilespmem:$0xC3E0] =	vst v3;
	v63 =	vadd.f32 v44, v1  }
0x214: {  	s11 =	sadd.s32 $0x1, s11;
	[tilespmem:$0xC3C0] =	vst v61;
	v1 =	vadd.f32 v2, v1  }
0x215: {  	p0 =	sne.s32 s11, s6;
	[tilespmem:$0xC3D0] =	vst v63  }
.Ltmp1:
0x216: {  	[tilespmem:$0xC3F0] =	vst v1;
	(pc) =	sbr.rel @p0 .LBB2_1-.Ltmp1, $4  }
0x217: {  	[hbm4b:s5+s2] =	stream.linear.scatter [tilespmem:s10], [sflag:$0x1], $0x100, $0x38;
	[tilespmem:$0xC400] =	vst v63  }
0x218: {  	_ =	swait.ge [sflag:s7], $0x100  }
0x219: {  	[sflag:s7] =	ssyncset.done $0x0  }
0x21a: {  	[sflag:s7] =	ssyncadd.s32 $0xFFFFFF00  }
0x21b: {  	_ =	sfence.sel $0x180000  }
0x21c: {  	[bflag:$0x0] =	sbarrier.arrive $0xFFFF  }
0x21d: {  	p0 =	sne.s32 s3, $0x0;
	_ =	strace $0x90000047  }
0x21e: {  	s0 =	sadd.s32 @!p0 $0x100000, s0;
	[bflag:$0x2] =	sbarrier.arrive $0xFFFF  }
0x21f: {  	[sflag:s0] =	ssyncadd.tile.s32 @!p0 $0x1;
	_ =	shalt  }
.Lfunc_end2:
_tile_overlayer_lowered:
.L_overlay_start_2:
0x220: {  	(tag) =	ssettag $0x2  }
0x221: {  	s0 =	rddreg [dreg:$0x0];
	s2 =	stileid.u32  }
0x222: {  	s1 =	rddreg [dreg:$0x1];
	p0 =	sne.s32 s2, $0x0  }
0x223: {  	s3 =	rddreg [dreg:$0x2];
	[bflag:$0x3] =	sbarrier.arrive $0xFFFF;
	s2 =	simm.s32 @!p0 $0x1C01  }
0x224: {  	[timem:s3], [sflag:s2] =	dma.local @!p0 [hbm:s0], s1  }
0x225: {  	s0 =	simm.s32 @!p0 $0x1  }
0x226: {  	_ =	swait.ge @!p0 [sflag:s0], s1  }
0x227: {  	s1 =	ssub.s32 @!p0 $0x0, s1;
	[sflag:s0] =	ssyncset.done @!p0 $0x0  }
0x228: {  	[sflag:s0] =	ssyncadd.s32 @!p0 s1  }
0x229: {  	[bflag:$0x3] =	sbarrier.arrive $0xFFFF  }
0x22a: {  	_ =	shalt  }

</sc_bundles>
